<compile_context>
chip_gen: v7x
topology: tpu7x:2x2x1
jax: 0.10.2.dev20260603
libtpu: 0.0.44.dev20260713+nightly
codegen_flags: <defaults>
</compile_context>

<pallas_src>
import functools

import jax
import jax.numpy as jnp
from jax import lax
from jax.experimental import pallas as pl
from jax.experimental.pallas import tpu as pltpu
from jax.experimental.pallas import tpu_sc as plsc

_N = 10000
_E = 320000
_D = 128

_NC = 2
_NS = 16
_NW = _NC * _NS
_L = 16

_NRANGE = 16
_RP = 640
_NPAD = _NRANGE * _RP
_CHUNK = 4000
_NCHUNK = _E // _CHUNK
_NCH = _NCHUNK // 2
_K = 128
_BUFS = _K + _L
_L2 = 2 * _L
_FG2 = _D // _L2
_MSL = 2048
_NMSL = (_RP * _D) // _MSL

_BLK = 1000


def _mm_relu_body(x_ref, w_ref, b_ref, o_ref):
    acc = jnp.dot(x_ref[...], w_ref[...], preferred_element_type=jnp.float32)
    o_ref[...] = jnp.maximum(acc + b_ref[...], 0.0).astype(jnp.bfloat16)


def _final_body(x_ref, n_ref, ws_ref, wn_ref, b_ref, o_ref):
    acc = jnp.dot(x_ref[...], ws_ref[...], preferred_element_type=jnp.float32)
    acc = acc + jnp.dot(n_ref[...], wn_ref[...], preferred_element_type=jnp.float32)
    o_ref[...] = acc + b_ref[...]


def _sc_body(h_hbm, src_hbm, dst_hbm, w_hbm, out_hbm,
             acc, dstc, srcc, wc, gidx, locb, wbuf, rows, stag,
             semA, semB, sem0, sem1):
    cid = lax.axis_index("c")
    sid = lax.axis_index("s")
    rng = cid * (_NS // 2) + sid // 2
    half = sid % 2
    lo = rng * _RP

    def _zero(i, _):
        acc[pl.ds(i * _L2, _L2)] = jnp.zeros((_L2,), jnp.bfloat16)
        return 0
    lax.fori_loop(0, (_RP * _D) // _L2, _zero, 0)
    for q in range(4 * _BUFS // _L):
        gidx[pl.ds(q * _L, _L)] = jnp.zeros((_L,), jnp.int32)
        locb[pl.ds(q * _L, _L)] = jnp.zeros((_L,), jnp.int32)

    def _rmw(slot, n):
        sb = slot * _BUFS
        rb = slot * _K

        def _edge(i, base):
            nxt = locb[pl.ds(sb + i + 1, _L)][0] * _D
            wv = wbuf[pl.ds(sb + i, _L)][0]
            wv2 = plsc.pack(jnp.full((_L,), wv, jnp.float32),
                            jnp.full((_L,), wv, jnp.float32),
                            format=plsc.PackFormat.INTERLEAVED)
            avals = [acc[pl.ds(base + f * _L2, _L2)] for f in range(_FG2)]
            rvals = [plsc.bitcast(rows[rb + i, pl.ds(f * _L, _L)],
                                  jnp.bfloat16) for f in range(_FG2)]
            for f in range(_FG2):
                acc[pl.ds(base + f * _L2, _L2)] = jnp.maximum(
                    avals[f], rvals[f] * wv2)
            return nxt
        base0 = locb[pl.ds(sb, _L)][0] * _D
        lax.fori_loop(0, n, _edge, base0)

    def _fire_rows(slot, sg):
        pltpu.async_copy(h_hbm.at[gidx.at[pl.ds(slot * _BUFS, _K)]],
                         rows.at[pl.ds(slot * _K, _K)], sg)

    def _wait_rows(slot, sg):
        pltpu.make_async_copy(h_hbm.at[gidx.at[pl.ds(slot * _BUFS, _K)]],
                              rows.at[pl.ds(slot * _K, _K)], sg).wait()

    def _spill(base, fill, slot, pend, sg):
        c = fill >= _K

        @pl.when(c)
        def _():
            cur = base + slot
            oth = base + 1 - slot

            @pl.when(pend == 1)
            def _():
                _wait_rows(oth, sg)
                _rmw(oth, _K)
            _fire_rows(cur, sg)
            osb = oth * _BUFS
            sb = cur * _BUFS
            gidx[pl.ds(osb, _L)] = gidx[pl.ds(sb + _K, _L)]
            locb[pl.ds(osb, _L)] = locb[pl.ds(sb + _K, _L)]
            wbuf[pl.ds(osb, _L)] = wbuf[pl.ds(sb + _K, _L)]
        fill = jnp.where(c, fill - _K, fill)
        slot = jnp.where(c, 1 - slot, slot)
        pend = jnp.where(c, jnp.int32(1), pend)
        return fill, slot, pend

    def _fire(c, sbase, s):
        cb = c * _CHUNK
        pltpu.async_copy(dst_hbm.at[pl.ds(cb, _CHUNK)],
                         dstc.at[pl.ds(sbase, _CHUNK)], s)
        pltpu.async_copy(src_hbm.at[pl.ds(cb, _CHUNK)],
                         srcc.at[pl.ds(sbase, _CHUNK)], s)
        pltpu.async_copy(w_hbm.at[pl.ds(cb, _CHUNK)],
                         wc.at[pl.ds(sbase, _CHUNK)], s)

    def _drain(sbase, s):
        pltpu.make_async_copy(dst_hbm.at[pl.ds(0, _CHUNK)],
                              dstc.at[pl.ds(sbase, _CHUNK)], s).wait()
        pltpu.make_async_copy(src_hbm.at[pl.ds(0, _CHUNK)],
                              srcc.at[pl.ds(sbase, _CHUNK)], s).wait()
        pltpu.make_async_copy(w_hbm.at[pl.ds(0, _CHUNK)],
                              wc.at[pl.ds(sbase, _CHUNK)], s).wait()

    def _step(sbase, g, base, sg, st):
        fill, cntp, slot, pend = st
        fill = fill + cntp
        fill, slot, pend = _spill(base, fill, slot, pend, sg)

        sb = (base + slot) * _BUFS
        d16 = dstc[pl.ds(sbase + g * _L, _L)]
        s16 = srcc[pl.ds(sbase + g * _L, _L)]
        w16 = wc[pl.ds(sbase + g * _L, _L)]
        m = (d16 >= lo) & (d16 < lo + _RP)
        plsc.store_compressed(gidx.at[pl.ds(sb + fill, _L)], s16, mask=m)
        plsc.store_compressed(locb.at[pl.ds(sb + fill, _L)], d16 - lo,
                              mask=m)
        plsc.store_compressed(wbuf.at[pl.ds(sb + fill, _L)], w16, mask=m)
        cnt = plsc.all_reduce_population_count(m)[0]
        return fill, cnt, slot, pend

    def _scan(sbase, carry):
        def _group(j, carry):
            stA, stB = carry
            stA = _step(sbase, 2 * j, 0, semA, stA)
            stB = _step(sbase, 2 * j + 1, 2, semB, stB)
            return stA, stB

        return lax.fori_loop(0, _CHUNK // (2 * _L), _group, carry)

    cbase0 = half * _NCH

    def _pair(i, carry):
        _fire(cbase0 + 2 * i + 1, _CHUNK, sem1)
        _drain(0, sem0)
        carry = _scan(0, carry)
        _fire(cbase0 + jnp.minimum(2 * i + 2, _NCH - 1), 0, sem0)
        _drain(_CHUNK, sem1)
        return _scan(_CHUNK, carry)

    _fire(cbase0, 0, sem0)
    st0 = (jnp.int32(0), jnp.int32(0), jnp.int32(0), jnp.int32(0))
    stA, stB = lax.fori_loop(0, _NCH // 2, _pair, (st0, st0))
    _drain(0, sem0)

    for base, (fill, cntp, slot, pend), sg in ((0, stA, semA), (2, stB, semB)):
        fill = fill + cntp
        fill, slot, pend = _spill(base, fill, slot, pend, sg)

        @pl.when(pend == 1)
        def _():
            _wait_rows(base + 1 - slot, sg)
            _rmw(base + 1 - slot, _K)
        _fire_rows(base + slot, sg)
        _wait_rows(base + slot, sg)
        _rmw(base + slot, fill)

    obase = rng * _RP * _D

    @pl.when(half == 1)
    def _():
        pltpu.sync_copy(acc, out_hbm.at[pl.ds(obase, _RP * _D)])
    plsc.subcore_barrier()

    @pl.when(half == 0)
    def _():
        def _mslice(k, _):
            pltpu.sync_copy(out_hbm.at[pl.ds(obase + k * _MSL, _MSL)], stag)

            def _mrow(r, _):
                off = k * _MSL + r * _L2
                acc[pl.ds(off, _L2)] = jnp.maximum(acc[pl.ds(off, _L2)],
                                                   stag[pl.ds(r * _L2, _L2)])
                return 0
            lax.fori_loop(0, _MSL // _L2, _mrow, 0)
            return 0
        lax.fori_loop(0, _NMSL, _mslice, 0)
        pltpu.sync_copy(acc, out_hbm.at[pl.ds(obase, _RP * _D)])


_sc_seg_max = functools.partial(
    pl.kernel,
    out_type=jax.ShapeDtypeStruct((_NPAD * _D,), jnp.bfloat16),
    mesh=plsc.VectorSubcoreMesh(core_axis_name="c", subcore_axis_name="s"),
    compiler_params=pltpu.CompilerParams(needs_layout_passes=False,
                                         use_tc_tiling_on_sc=False),
    scratch_types=[
        pltpu.VMEM((_RP * _D,), jnp.bfloat16),
        pltpu.VMEM((2 * _CHUNK,), jnp.int32),
        pltpu.VMEM((2 * _CHUNK,), jnp.int32),
        pltpu.VMEM((2 * _CHUNK,), jnp.float32),
        pltpu.VMEM((4 * _BUFS,), jnp.int32),
        pltpu.VMEM((4 * _BUFS,), jnp.int32),
        pltpu.VMEM((4 * _BUFS,), jnp.float32),
        pltpu.VMEM((4 * _K, _D // 2), jnp.int32),
        pltpu.VMEM((_MSL,), jnp.bfloat16),
        pltpu.SemaphoreType.DMA,
        pltpu.SemaphoreType.DMA,
        pltpu.SemaphoreType.DMA,
        pltpu.SemaphoreType.DMA,
    ],
)(_sc_body)


def kernel(x, edge_index, edge_weight, W_pool, b_pool, W_self, b_self,
           W_neigh, b_neigh):
    src = edge_index[0]
    dst = edge_index[1]
    w = edge_weight[:, 0]

    h = pl.pallas_call(
        _mm_relu_body,
        grid=(_N // _BLK,),
        in_specs=[
            pl.BlockSpec((_BLK, _D), lambda i: (i, 0)),
            pl.BlockSpec((_D, _D), lambda i: (0, 0)),
            pl.BlockSpec((1, _D), lambda i: (0, 0)),
        ],
        out_specs=pl.BlockSpec((_BLK, _D), lambda i: (i, 0)),
        out_shape=jax.ShapeDtypeStruct((_N, _D), jnp.bfloat16),
    )(x, W_pool.T, b_pool.reshape(1, _D))

    h32 = lax.bitcast_convert_type(h.reshape(_N, _D // 2, 2),
                                   jnp.int32)
    neigh = _sc_seg_max(h32, src, dst, w).reshape(_NPAD, _D)[:_N]

    out = pl.pallas_call(
        _final_body,
        grid=(_N // _BLK,),
        in_specs=[
            pl.BlockSpec((_BLK, _D), lambda i: (i, 0)),
            pl.BlockSpec((_BLK, _D), lambda i: (i, 0)),
            pl.BlockSpec((_D, _D), lambda i: (0, 0)),
            pl.BlockSpec((_D, _D), lambda i: (0, 0)),
            pl.BlockSpec((1, _D), lambda i: (0, 0)),
        ],
        out_specs=pl.BlockSpec((_BLK, _D), lambda i: (i, 0)),
        out_shape=jax.ShapeDtypeStruct((_N, _D), jnp.float32),
    )(x, neigh, W_self.T, W_neigh.T.astype(jnp.bfloat16),
      (b_self + b_neigh).reshape(1, _D))
    return out

# --- scband reference (transcript-rebuilt; emitter-appended) ---
"""Pipeline reference for scband-model-39694087750057 (READ-ONLY COPY).

The authoritative reference and input builder live on the scoring server;
editing this copy changes nothing except your own understanding.
"""

import jax, jax.numpy as jnp
import numpy as np

N = 10000
E = 320000
D = 128


def _xavier_uniform(key, shape, gain=1.0):
    fan_out, fan_in = shape
    limit = gain * np.sqrt(6.0 / (fan_in + fan_out))
    return jax.random.uniform(key, shape, jnp.float32, -limit, limit)


def setup_inputs(seed: int = 0) -> dict:
    key = jax.random.key(seed)
    ks = jax.random.split(key, 10)
    x = jax.random.normal(ks[0], (N, D), dtype=jnp.float32)
    edge_index = jax.random.randint(ks[1], (2, E), 0, N)
    edge_weight = jax.random.uniform(ks[2], (E, 1), dtype=jnp.float32)
    gain = np.sqrt(2.0)  # calculate_gain('relu')
    W_pool = _xavier_uniform(ks[3], (D, D), gain)
    b_pool = jnp.zeros((D,), dtype=jnp.float32)
    W_self = _xavier_uniform(ks[4], (D, D), 1.0)
    b_self = jnp.zeros((D,), dtype=jnp.float32)
    W_neigh = _xavier_uniform(ks[5], (D, D), gain)
    b_neigh = jnp.zeros((D,), dtype=jnp.float32)
    return {
        'x': x,
        'edge_index': edge_index,
        'edge_weight': edge_weight,
        'W_pool': W_pool, 'b_pool': b_pool,
        'W_self': W_self, 'b_self': b_self,
        'W_neigh': W_neigh, 'b_neigh': b_neigh,
    }


def reference(x, edge_index, edge_weight, W_pool, b_pool, W_self, b_self, W_neigh, b_neigh):
    # Single ModelLayer (pool aggregator): block where src == dst == all nodes.
    # dropout prob is 0.0 -> identity; last layer so no outer activation.
    src = edge_index[0]
    dst = edge_index[1]
    feat_src = x
    feat_dst = x  # h[:num_dst_nodes] with num_dst == N
    # graph.srcdata['h'] = relu(fc_pool(feat_src))
    h = jax.nn.relu(feat_src @ W_pool.T + b_pool)
    # message: m = u_mul_e(h, w); reduce: max over incoming edges per dst
    m = h[src] * edge_weight  # [E, D]
    neigh = jax.ops.segment_max(m, dst, num_segments=N)
    # DGL fills nodes with no in-edges with zeros (segment_max yields -inf)
    neigh = jnp.where(jnp.isneginf(neigh), 0.0, neigh)
    rst = (feat_dst @ W_self.T + b_self) + (neigh @ W_neigh.T + b_neigh)
    return rst

if __name__ == "__main__":
    import jax
    _d = setup_inputs()
    print(jax.jit(kernel)(*tuple(_d.values())))

</pallas_src>

<mosaic_0001>
#map = affine_map<(d0, d1) -> (0, 0)>
#map1 = affine_map<(d0, d1) -> (0)>
module attributes {stable_mosaic.version = 14 : i64} {
  func.func @_sc_body(%arg0: i32, %arg1: i32, %arg2: memref<10000x64xi32, #tpu.memory_space<hbm>>, %arg3: memref<320000xi32, #tpu.memory_space<hbm>>, %arg4: memref<320000xi32, #tpu.memory_space<hbm>>, %arg5: memref<320000xf32, #tpu.memory_space<hbm>>, %arg6: memref<1310720xbf16, #tpu.memory_space<hbm>>, %arg7: memref<81920xbf16, #tpu.memory_space<vmem>>, %arg8: memref<8000xi32, #tpu.memory_space<vmem>>, %arg9: memref<8000xi32, #tpu.memory_space<vmem>>, %arg10: memref<8000xf32, #tpu.memory_space<vmem>>, %arg11: memref<576xi32, #tpu.memory_space<vmem>>, %arg12: memref<576xi32, #tpu.memory_space<vmem>>, %arg13: memref<576xf32, #tpu.memory_space<vmem>>, %arg14: memref<512x64xi32, #tpu.memory_space<vmem>>, %arg15: memref<2048xbf16, #tpu.memory_space<vmem>>, %arg16: memref<!tpu.dma_semaphore, #tpu.memory_space<semaphore_mem>>, %arg17: memref<!tpu.dma_semaphore, #tpu.memory_space<semaphore_mem>>, %arg18: memref<!tpu.dma_semaphore, #tpu.memory_space<semaphore_mem>>, %arg19: memref<!tpu.dma_semaphore, #tpu.memory_space<semaphore_mem>>) attributes {dimension_semantics = [#tpu.dimension_semantics<core_parallel>, #tpu.dimension_semantics<subcore_parallel>], iteration_bounds = array<i64: 2, 16>, scalar_prefetch = 0 : i64, scratch_operands = 13 : i64, tpu.core_type = #tpu.core_type<sc_vector_subcore>, window_params = [{transform_indices = #map}, {transform_indices = #map1}, {transform_indices = #map1}, {transform_indices = #map1}, {transform_indices = #map1}]} {
    %mul3A = arith.constant 8 : i32
    %mul3A_0 = arith.muli %arg0, %mul3A : i32
    %jit3A = arith.constant 2 : i32
    %div3A = arith.divsi %arg1, %jit3A : i32
    %sign3A = arith.constant 0 : i32
    %sign3A_1 = arith.cmpi sgt, %arg1, %sign3A : i32
    %sign3A_2 = arith.extui %sign3A_1 : i1 to i32
    %sign3A_3 = arith.constant 0 : i32
    %sign3A_4 = arith.cmpi slt, %arg1, %sign3A_3 : i32
    %sign3A_5 = arith.extui %sign3A_4 : i1 to i32
    %sign3A_6 = arith.subi %sign3A_2, %sign3A_5 : i32
    %sign3A_7 = arith.constant 0 : i32
    %sign3A_8 = arith.cmpi sgt, %jit3A, %sign3A_7 : i32
    %sign3A_9 = arith.extui %sign3A_8 : i1 to i32
    %sign3A_10 = arith.constant 0 : i32
    %sign3A_11 = arith.cmpi slt, %jit3A, %sign3A_10 : i32
    %sign3A_12 = arith.extui %sign3A_11 : i1 to i32
    %sign3A_13 = arith.subi %sign3A_9, %sign3A_12 : i32
    %ne3A = arith.cmpi ne, %sign3A_6, %sign3A_13 : i32
    %rem3A = arith.remsi %arg1, %jit3A : i32
    %ne3A_14 = arith.constant 0 : i32
    %ne3A_15 = arith.cmpi ne, %rem3A, %ne3A_14 : i32
    %and3A = arith.andi %ne3A, %ne3A_15 : i1
    %sub3A = arith.constant 1 : i32
    %sub3A_16 = arith.subi %div3A, %sub3A : i32
    %select_n3A = arith.select %and3A, %sub3A_16, %div3A : i32
    %add3A = arith.addi %mul3A_0, %select_n3A : i32
    %jit3A_17 = arith.constant 2 : i32
    %eq3A = arith.constant 0 : i32
    %eq3A_18 = arith.cmpi eq, %jit3A_17, %eq3A : i32
    %jit3A_19 = arith.constant 1 : i32
    %select_n3A_20 = arith.select %eq3A_18, %jit3A_19, %jit3A_17 : i32
    %rem3A_21 = arith.remsi %arg1, %select_n3A_20 : i32
    %ne3A_22 = arith.constant 0 : i32
    %ne3A_23 = arith.cmpi ne, %rem3A_21, %ne3A_22 : i32
    %lt3A = arith.constant 0 : i32
    %lt3A_24 = arith.cmpi slt, %rem3A_21, %lt3A : i32
    %lt3A_25 = arith.constant 0 : i32
    %lt3A_26 = arith.cmpi slt, %select_n3A_20, %lt3A_25 : i32
    %ne3A_27 = arith.xori %lt3A_24, %lt3A_26 : i1
    %and3A_28 = arith.andi %ne3A_27, %ne3A_23 : i1
    %add3A_29 = arith.addi %rem3A_21, %select_n3A_20 : i32
    %select_n3A_30 = arith.select %and3A_28, %add3A_29, %rem3A_21 : i32
    %mul3A_31 = arith.constant 640 : i32
    %mul3A_32 = arith.muli %add3A, %mul3A_31 : i32
    %scan3A = arith.constant 0 : i32
    %scan3A_33 = arith.constant 0 : i32
    %scan3A_34 = arith.constant 2560 : i32
    %scan3A_35 = arith.addi %scan3A_33, %scan3A_34 : i32
    %scan3A_36 = arith.constant 1 : i32
    %scan3A_37 = scf.for %scan3A_522 = %scan3A_33 to %scan3A_35 step %scan3A_36 iter_args(%scan3A_523 = %scan3A) -> (i32)  : i32 {
      %broadcast_in_dim3A_524 = arith.constant 0.000000e+00 : bf16
      %broadcast_in_dim3A_525 = vector.broadcast %broadcast_in_dim3A_524 : bf16 to vector<32xbf16>
      %mul3A_526 = arith.constant 32 : i32
      %mul3A_527 = arith.muli %scan3A_522, %mul3A_526 : i32
      %swap3A_528 = arith.index_cast %mul3A_527 : i32 to index
      %swap3A_529 = tpu.vector_load %arg7[%swap3A_528] {strides = array<i32>} : memref<81920xbf16, #tpu.memory_space<vmem>>, vector<32xbf16>,
      tpu.vector_store %arg7[%swap3A_528], %broadcast_in_dim3A_525 {strides = array<i32>} : memref<81920xbf16, #tpu.memory_space<vmem>>, vector<32xbf16>,
      %scan3A_530 = arith.constant 0 : i32
      scf.yield %scan3A_530 : i32
    }
    %scan3A_38 = arith.constant 2560 : i32
    %broadcast_in_dim3A = arith.constant 0 : i32
    %broadcast_in_dim3A_39 = vector.broadcast %broadcast_in_dim3A : i32 to vector<16xi32>
    %swap3A = arith.constant 0 : index
    %swap3A_40 = tpu.vector_load %arg11[%swap3A] {strides = array<i32>} : memref<576xi32, #tpu.memory_space<vmem>>, vector<16xi32>,
    tpu.vector_store %arg11[%swap3A], %broadcast_in_dim3A_39 {strides = array<i32>} : memref<576xi32, #tpu.memory_space<vmem>>, vector<16xi32>,
    %broadcast_in_dim3A_41 = arith.constant 0 : i32
    %broadcast_in_dim3A_42 = vector.broadcast %broadcast_in_dim3A_41 : i32 to vector<16xi32>
    %swap3A_43 = arith.constant 0 : index
    %swap3A_44 = tpu.vector_load %arg12[%swap3A_43] {strides = array<i32>} : memref<576xi32, #tpu.memory_space<vmem>>, vector<16xi32>,
    tpu.vector_store %arg12[%swap3A_43], %broadcast_in_dim3A_42 {strides = array<i32>} : memref<576xi32, #tpu.memory_space<vmem>>, vector<16xi32>,
    %broadcast_in_dim3A_45 = arith.constant 0 : i32
    %broadcast_in_dim3A_46 = vector.broadcast %broadcast_in_dim3A_45 : i32 to vector<16xi32>
    %swap3A_47 = arith.constant 16 : index
    %swap3A_48 = tpu.vector_load %arg11[%swap3A_47] {strides = array<i32>} : memref<576xi32, #tpu.memory_space<vmem>>, vector<16xi32>,
    tpu.vector_store %arg11[%swap3A_47], %broadcast_in_dim3A_46 {strides = array<i32>} : memref<576xi32, #tpu.memory_space<vmem>>, vector<16xi32>,
    %broadcast_in_dim3A_49 = arith.constant 0 : i32
    %broadcast_in_dim3A_50 = vector.broadcast %broadcast_in_dim3A_49 : i32 to vector<16xi32>
    %swap3A_51 = arith.constant 16 : index
    %swap3A_52 = tpu.vector_load %arg12[%swap3A_51] {strides = array<i32>} : memref<576xi32, #tpu.memory_space<vmem>>, vector<16xi32>,
    tpu.vector_store %arg12[%swap3A_51], %broadcast_in_dim3A_50 {strides = array<i32>} : memref<576xi32, #tpu.memory_space<vmem>>, vector<16xi32>,
    %broadcast_in_dim3A_53 = arith.constant 0 : i32
    %broadcast_in_dim3A_54 = vector.broadcast %broadcast_in_dim3A_53 : i32 to vector<16xi32>
    %swap3A_55 = arith.constant 32 : index
    %swap3A_56 = tpu.vector_load %arg11[%swap3A_55] {strides = array<i32>} : memref<576xi32, #tpu.memory_space<vmem>>, vector<16xi32>,
    tpu.vector_store %arg11[%swap3A_55], %broadcast_in_dim3A_54 {strides = array<i32>} : memref<576xi32, #tpu.memory_space<vmem>>, vector<16xi32>,
    %broadcast_in_dim3A_57 = arith.constant 0 : i32
    %broadcast_in_dim3A_58 = vector.broadcast %broadcast_in_dim3A_57 : i32 to vector<16xi32>
    %swap3A_59 = arith.constant 32 : index
    %swap3A_60 = tpu.vector_load %arg12[%swap3A_59] {strides = array<i32>} : memref<576xi32, #tpu.memory_space<vmem>>, vector<16xi32>,
    tpu.vector_store %arg12[%swap3A_59], %broadcast_in_dim3A_58 {strides = array<i32>} : memref<576xi32, #tpu.memory_space<vmem>>, vector<16xi32>,
    %broadcast_in_dim3A_61 = arith.constant 0 : i32
    %broadcast_in_dim3A_62 = vector.broadcast %broadcast_in_dim3A_61 : i32 to vector<16xi32>
    %swap3A_63 = arith.constant 48 : index
    %swap3A_64 = tpu.vector_load %arg11[%swap3A_63] {strides = array<i32>} : memref<576xi32, #tpu.memory_space<vmem>>, vector<16xi32>,
    tpu.vector_store %arg11[%swap3A_63], %broadcast_in_dim3A_62 {strides = array<i32>} : memref<576xi32, #tpu.memory_space<vmem>>, vector<16xi32>,
    %broadcast_in_dim3A_65 = arith.constant 0 : i32
    %broadcast_in_dim3A_66 = vector.broadcast %broadcast_in_dim3A_65 : i32 to vector<16xi32>
    %swap3A_67 = arith.constant 48 : index
    %swap3A_68 = tpu.vector_load %arg12[%swap3A_67] {strides = array<i32>} : memref<576xi32, #tpu.memory_space<vmem>>, vector<16xi32>,
    tpu.vector_store %arg12[%swap3A_67], %broadcast_in_dim3A_66 {strides = array<i32>} : memref<576xi32, #tpu.memory_space<vmem>>, vector<16xi32>,
    %broadcast_in_dim3A_69 = arith.constant 0 : i32
    %broadcast_in_dim3A_70 = vector.broadcast %broadcast_in_dim3A_69 : i32 to vector<16xi32>
    %swap3A_71 = arith.constant 64 : index
    %swap3A_72 = tpu.vector_load %arg11[%swap3A_71] {strides = array<i32>} : memref<576xi32, #tpu.memory_space<vmem>>, vector<16xi32>,
    tpu.vector_store %arg11[%swap3A_71], %broadcast_in_dim3A_70 {strides = array<i32>} : memref<576xi32, #tpu.memory_space<vmem>>, vector<16xi32>,
    %broadcast_in_dim3A_73 = arith.constant 0 : i32
    %broadcast_in_dim3A_74 = vector.broadcast %broadcast_in_dim3A_73 : i32 to vector<16xi32>
    %swap3A_75 = arith.constant 64 : index
    %swap3A_76 = tpu.vector_load %arg12[%swap3A_75] {strides = array<i32>} : memref<576xi32, #tpu.memory_space<vmem>>, vector<16xi32>,
    tpu.vector_store %arg12[%swap3A_75], %broadcast_in_dim3A_74 {strides = array<i32>} : memref<576xi32, #tpu.memory_space<vmem>>, vector<16xi32>,
    %broadcast_in_dim3A_77 = arith.constant 0 : i32
    %broadcast_in_dim3A_78 = vector.broadcast %broadcast_in_dim3A_77 : i32 to vector<16xi32>
    %swap3A_79 = arith.constant 80 : index
    %swap3A_80 = tpu.vector_load %arg11[%swap3A_79] {strides = array<i32>} : memref<576xi32, #tpu.memory_space<vmem>>, vector<16xi32>,
    tpu.vector_store %arg11[%swap3A_79], %broadcast_in_dim3A_78 {strides = array<i32>} : memref<576xi32, #tpu.memory_space<vmem>>, vector<16xi32>,
    %broadcast_in_dim3A_81 = arith.constant 0 : i32
    %broadcast_in_dim3A_82 = vector.broadcast %broadcast_in_dim3A_81 : i32 to vector<16xi32>
    %swap3A_83 = arith.constant 80 : index
    %swap3A_84 = tpu.vector_load %arg12[%swap3A_83] {strides = array<i32>} : memref<576xi32, #tpu.memory_space<vmem>>, vector<16xi32>,
    tpu.vector_store %arg12[%swap3A_83], %broadcast_in_dim3A_82 {strides = array<i32>} : memref<576xi32, #tpu.memory_space<vmem>>, vector<16xi32>,
    %broadcast_in_dim3A_85 = arith.constant 0 : i32
    %broadcast_in_dim3A_86 = vector.broadcast %broadcast_in_dim3A_85 : i32 to vector<16xi32>
    %swap3A_87 = arith.constant 96 : index
    %swap3A_88 = tpu.vector_load %arg11[%swap3A_87] {strides = array<i32>} : memref<576xi32, #tpu.memory_space<vmem>>, vector<16xi32>,
    tpu.vector_store %arg11[%swap3A_87], %broadcast_in_dim3A_86 {strides = array<i32>} : memref<576xi32, #tpu.memory_space<vmem>>, vector<16xi32>,
    %broadcast_in_dim3A_89 = arith.constant 0 : i32
    %broadcast_in_dim3A_90 = vector.broadcast %broadcast_in_dim3A_89 : i32 to vector<16xi32>
    %swap3A_91 = arith.constant 96 : index
    %swap3A_92 = tpu.vector_load %arg12[%swap3A_91] {strides = array<i32>} : memref<576xi32, #tpu.memory_space<vmem>>, vector<16xi32>,
    tpu.vector_store %arg12[%swap3A_91], %broadcast_in_dim3A_90 {strides = array<i32>} : memref<576xi32, #tpu.memory_space<vmem>>, vector<16xi32>,
    %broadcast_in_dim3A_93 = arith.constant 0 : i32
    %broadcast_in_dim3A_94 = vector.broadcast %broadcast_in_dim3A_93 : i32 to vector<16xi32>
    %swap3A_95 = arith.constant 112 : index
    %swap3A_96 = tpu.vector_load %arg11[%swap3A_95] {strides = array<i32>} : memref<576xi32, #tpu.memory_space<vmem>>, vector<16xi32>,
    tpu.vector_store %arg11[%swap3A_95], %broadcast_in_dim3A_94 {strides = array<i32>} : memref<576xi32, #tpu.memory_space<vmem>>, vector<16xi32>,
    %broadcast_in_dim3A_97 = arith.constant 0 : i32
    %broadcast_in_dim3A_98 = vector.broadcast %broadcast_in_dim3A_97 : i32 to vector<16xi32>
    %swap3A_99 = arith.constant 112 : index
    %swap3A_100 = tpu.vector_load %arg12[%swap3A_99] {strides = array<i32>} : memref<576xi32, #tpu.memory_space<vmem>>, vector<16xi32>,
    tpu.vector_store %arg12[%swap3A_99], %broadcast_in_dim3A_98 {strides = array<i32>} : memref<576xi32, #tpu.memory_space<vmem>>, vector<16xi32>,
    %broadcast_in_dim3A_101 = arith.constant 0 : i32
    %broadcast_in_dim3A_102 = vector.broadcast %broadcast_in_dim3A_101 : i32 to vector<16xi32>
    %swap3A_103 = arith.constant 128 : index
    %swap3A_104 = tpu.vector_load %arg11[%swap3A_103] {strides = array<i32>} : memref<576xi32, #tpu.memory_space<vmem>>, vector<16xi32>,
    tpu.vector_store %arg11[%swap3A_103], %broadcast_in_dim3A_102 {strides = array<i32>} : memref<576xi32, #tpu.memory_space<vmem>>, vector<16xi32>,
    %broadcast_in_dim3A_105 = arith.constant 0 : i32
    %broadcast_in_dim3A_106 = vector.broadcast %broadcast_in_dim3A_105 : i32 to vector<16xi32>
    %swap3A_107 = arith.constant 128 : index
    %swap3A_108 = tpu.vector_load %arg12[%swap3A_107] {strides = array<i32>} : memref<576xi32, #tpu.memory_space<vmem>>, vector<16xi32>,
    tpu.vector_store %arg12[%swap3A_107], %broadcast_in_dim3A_106 {strides = array<i32>} : memref<576xi32, #tpu.memory_space<vmem>>, vector<16xi32>,
    %broadcast_in_dim3A_109 = arith.constant 0 : i32
    %broadcast_in_dim3A_110 = vector.broadcast %broadcast_in_dim3A_109 : i32 to vector<16xi32>
    %swap3A_111 = arith.constant 144 : index
    %swap3A_112 = tpu.vector_load %arg11[%swap3A_111] {strides = array<i32>} : memref<576xi32, #tpu.memory_space<vmem>>, vector<16xi32>,
    tpu.vector_store %arg11[%swap3A_111], %broadcast_in_dim3A_110 {strides = array<i32>} : memref<576xi32, #tpu.memory_space<vmem>>, vector<16xi32>,
    %broadcast_in_dim3A_113 = arith.constant 0 : i32
    %broadcast_in_dim3A_114 = vector.broadcast %broadcast_in_dim3A_113 : i32 to vector<16xi32>
    %swap3A_115 = arith.constant 144 : index
    %swap3A_116 = tpu.vector_load %arg12[%swap3A_115] {strides = array<i32>} : memref<576xi32, #tpu.memory_space<vmem>>, vector<16xi32>,
    tpu.vector_store %arg12[%swap3A_115], %broadcast_in_dim3A_114 {strides = array<i32>} : memref<576xi32, #tpu.memory_space<vmem>>, vector<16xi32>,
    %broadcast_in_dim3A_117 = arith.constant 0 : i32
    %broadcast_in_dim3A_118 = vector.broadcast %broadcast_in_dim3A_117 : i32 to vector<16xi32>
    %swap3A_119 = arith.constant 160 : index
    %swap3A_120 = tpu.vector_load %arg11[%swap3A_119] {strides = array<i32>} : memref<576xi32, #tpu.memory_space<vmem>>, vector<16xi32>,
    tpu.vector_store %arg11[%swap3A_119], %broadcast_in_dim3A_118 {strides = array<i32>} : memref<576xi32, #tpu.memory_space<vmem>>, vector<16xi32>,
    %broadcast_in_dim3A_121 = arith.constant 0 : i32
    %broadcast_in_dim3A_122 = vector.broadcast %broadcast_in_dim3A_121 : i32 to vector<16xi32>
    %swap3A_123 = arith.constant 160 : index
    %swap3A_124 = tpu.vector_load %arg12[%swap3A_123] {strides = array<i32>} : memref<576xi32, #tpu.memory_space<vmem>>, vector<16xi32>,
    tpu.vector_store %arg12[%swap3A_123], %broadcast_in_dim3A_122 {strides = array<i32>} : memref<576xi32, #tpu.memory_space<vmem>>, vector<16xi32>,
    %broadcast_in_dim3A_125 = arith.constant 0 : i32
    %broadcast_in_dim3A_126 = vector.broadcast %broadcast_in_dim3A_125 : i32 to vector<16xi32>
    %swap3A_127 = arith.constant 176 : index
    %swap3A_128 = tpu.vector_load %arg11[%swap3A_127] {strides = array<i32>} : memref<576xi32, #tpu.memory_space<vmem>>, vector<16xi32>,
    tpu.vector_store %arg11[%swap3A_127], %broadcast_in_dim3A_126 {strides = array<i32>} : memref<576xi32, #tpu.memory_space<vmem>>, vector<16xi32>,
    %broadcast_in_dim3A_129 = arith.constant 0 : i32
    %broadcast_in_dim3A_130 = vector.broadcast %broadcast_in_dim3A_129 : i32 to vector<16xi32>
    %swap3A_131 = arith.constant 176 : index
    %swap3A_132 = tpu.vector_load %arg12[%swap3A_131] {strides = array<i32>} : memref<576xi32, #tpu.memory_space<vmem>>, vector<16xi32>,
    tpu.vector_store %arg12[%swap3A_131], %broadcast_in_dim3A_130 {strides = array<i32>} : memref<576xi32, #tpu.memory_space<vmem>>, vector<16xi32>,
    %broadcast_in_dim3A_133 = arith.constant 0 : i32
    %broadcast_in_dim3A_134 = vector.broadcast %broadcast_in_dim3A_133 : i32 to vector<16xi32>
    %swap3A_135 = arith.constant 192 : index
    %swap3A_136 = tpu.vector_load %arg11[%swap3A_135] {strides = array<i32>} : memref<576xi32, #tpu.memory_space<vmem>>, vector<16xi32>,
    tpu.vector_store %arg11[%swap3A_135], %broadcast_in_dim3A_134 {strides = array<i32>} : memref<576xi32, #tpu.memory_space<vmem>>, vector<16xi32>,
    %broadcast_in_dim3A_137 = arith.constant 0 : i32
    %broadcast_in_dim3A_138 = vector.broadcast %broadcast_in_dim3A_137 : i32 to vector<16xi32>
    %swap3A_139 = arith.constant 192 : index
    %swap3A_140 = tpu.vector_load %arg12[%swap3A_139] {strides = array<i32>} : memref<576xi32, #tpu.memory_space<vmem>>, vector<16xi32>,
    tpu.vector_store %arg12[%swap3A_139], %broadcast_in_dim3A_138 {strides = array<i32>} : memref<576xi32, #tpu.memory_space<vmem>>, vector<16xi32>,
    %broadcast_in_dim3A_141 = arith.constant 0 : i32
    %broadcast_in_dim3A_142 = vector.broadcast %broadcast_in_dim3A_141 : i32 to vector<16xi32>
    %swap3A_143 = arith.constant 208 : index
    %swap3A_144 = tpu.vector_load %arg11[%swap3A_143] {strides = array<i32>} : memref<576xi32, #tpu.memory_space<vmem>>, vector<16xi32>,
    tpu.vector_store %arg11[%swap3A_143], %broadcast_in_dim3A_142 {strides = array<i32>} : memref<576xi32, #tpu.memory_space<vmem>>, vector<16xi32>,
    %broadcast_in_dim3A_145 = arith.constant 0 : i32
    %broadcast_in_dim3A_146 = vector.broadcast %broadcast_in_dim3A_145 : i32 to vector<16xi32>
    %swap3A_147 = arith.constant 208 : index
    %swap3A_148 = tpu.vector_load %arg12[%swap3A_147] {strides = array<i32>} : memref<576xi32, #tpu.memory_space<vmem>>, vector<16xi32>,
    tpu.vector_store %arg12[%swap3A_147], %broadcast_in_dim3A_146 {strides = array<i32>} : memref<576xi32, #tpu.memory_space<vmem>>, vector<16xi32>,
    %broadcast_in_dim3A_149 = arith.constant 0 : i32
    %broadcast_in_dim3A_150 = vector.broadcast %broadcast_in_dim3A_149 : i32 to vector<16xi32>
    %swap3A_151 = arith.constant 224 : index
    %swap3A_152 = tpu.vector_load %arg11[%swap3A_151] {strides = array<i32>} : memref<576xi32, #tpu.memory_space<vmem>>, vector<16xi32>,
    tpu.vector_store %arg11[%swap3A_151], %broadcast_in_dim3A_150 {strides = array<i32>} : memref<576xi32, #tpu.memory_space<vmem>>, vector<16xi32>,
    %broadcast_in_dim3A_153 = arith.constant 0 : i32
    %broadcast_in_dim3A_154 = vector.broadcast %broadcast_in_dim3A_153 : i32 to vector<16xi32>
    %swap3A_155 = arith.constant 224 : index
    %swap3A_156 = tpu.vector_load %arg12[%swap3A_155] {strides = array<i32>} : memref<576xi32, #tpu.memory_space<vmem>>, vector<16xi32>,
    tpu.vector_store %arg12[%swap3A_155], %broadcast_in_dim3A_154 {strides = array<i32>} : memref<576xi32, #tpu.memory_space<vmem>>, vector<16xi32>,
    %broadcast_in_dim3A_157 = arith.constant 0 : i32
    %broadcast_in_dim3A_158 = vector.broadcast %broadcast_in_dim3A_157 : i32 to vector<16xi32>
    %swap3A_159 = arith.constant 240 : index
    %swap3A_160 = tpu.vector_load %arg11[%swap3A_159] {strides = array<i32>} : memref<576xi32, #tpu.memory_space<vmem>>, vector<16xi32>,
    tpu.vector_store %arg11[%swap3A_159], %broadcast_in_dim3A_158 {strides = array<i32>} : memref<576xi32, #tpu.memory_space<vmem>>, vector<16xi32>,
    %broadcast_in_dim3A_161 = arith.constant 0 : i32
    %broadcast_in_dim3A_162 = vector.broadcast %broadcast_in_dim3A_161 : i32 to vector<16xi32>
    %swap3A_163 = arith.constant 240 : index
    %swap3A_164 = tpu.vector_load %arg12[%swap3A_163] {strides = array<i32>} : memref<576xi32, #tpu.memory_space<vmem>>, vector<16xi32>,
    tpu.vector_store %arg12[%swap3A_163], %broadcast_in_dim3A_162 {strides = array<i32>} : memref<576xi32, #tpu.memory_space<vmem>>, vector<16xi32>,
    %broadcast_in_dim3A_165 = arith.constant 0 : i32
    %broadcast_in_dim3A_166 = vector.broadcast %broadcast_in_dim3A_165 : i32 to vector<16xi32>
    %swap3A_167 = arith.constant 256 : index
    %swap3A_168 = tpu.vector_load %arg11[%swap3A_167] {strides = array<i32>} : memref<576xi32, #tpu.memory_space<vmem>>, vector<16xi32>,
    tpu.vector_store %arg11[%swap3A_167], %broadcast_in_dim3A_166 {strides = array<i32>} : memref<576xi32, #tpu.memory_space<vmem>>, vector<16xi32>,
    %broadcast_in_dim3A_169 = arith.constant 0 : i32
    %broadcast_in_dim3A_170 = vector.broadcast %broadcast_in_dim3A_169 : i32 to vector<16xi32>
    %swap3A_171 = arith.constant 256 : index
    %swap3A_172 = tpu.vector_load %arg12[%swap3A_171] {strides = array<i32>} : memref<576xi32, #tpu.memory_space<vmem>>, vector<16xi32>,
    tpu.vector_store %arg12[%swap3A_171], %broadcast_in_dim3A_170 {strides = array<i32>} : memref<576xi32, #tpu.memory_space<vmem>>, vector<16xi32>,
    %broadcast_in_dim3A_173 = arith.constant 0 : i32
    %broadcast_in_dim3A_174 = vector.broadcast %broadcast_in_dim3A_173 : i32 to vector<16xi32>
    %swap3A_175 = arith.constant 272 : index
    %swap3A_176 = tpu.vector_load %arg11[%swap3A_175] {strides = array<i32>} : memref<576xi32, #tpu.memory_space<vmem>>, vector<16xi32>,
    tpu.vector_store %arg11[%swap3A_175], %broadcast_in_dim3A_174 {strides = array<i32>} : memref<576xi32, #tpu.memory_space<vmem>>, vector<16xi32>,
    %broadcast_in_dim3A_177 = arith.constant 0 : i32
    %broadcast_in_dim3A_178 = vector.broadcast %broadcast_in_dim3A_177 : i32 to vector<16xi32>
    %swap3A_179 = arith.constant 272 : index
    %swap3A_180 = tpu.vector_load %arg12[%swap3A_179] {strides = array<i32>} : memref<576xi32, #tpu.memory_space<vmem>>, vector<16xi32>,
    tpu.vector_store %arg12[%swap3A_179], %broadcast_in_dim3A_178 {strides = array<i32>} : memref<576xi32, #tpu.memory_space<vmem>>, vector<16xi32>,
    %broadcast_in_dim3A_181 = arith.constant 0 : i32
    %broadcast_in_dim3A_182 = vector.broadcast %broadcast_in_dim3A_181 : i32 to vector<16xi32>
    %swap3A_183 = arith.constant 288 : index
    %swap3A_184 = tpu.vector_load %arg11[%swap3A_183] {strides = array<i32>} : memref<576xi32, #tpu.memory_space<vmem>>, vector<16xi32>,
    tpu.vector_store %arg11[%swap3A_183], %broadcast_in_dim3A_182 {strides = array<i32>} : memref<576xi32, #tpu.memory_space<vmem>>, vector<16xi32>,
    %broadcast_in_dim3A_185 = arith.constant 0 : i32
    %broadcast_in_dim3A_186 = vector.broadcast %broadcast_in_dim3A_185 : i32 to vector<16xi32>
    %swap3A_187 = arith.constant 288 : index
    %swap3A_188 = tpu.vector_load %arg12[%swap3A_187] {strides = array<i32>} : memref<576xi32, #tpu.memory_space<vmem>>, vector<16xi32>,
    tpu.vector_store %arg12[%swap3A_187], %broadcast_in_dim3A_186 {strides = array<i32>} : memref<576xi32, #tpu.memory_space<vmem>>, vector<16xi32>,
    %broadcast_in_dim3A_189 = arith.constant 0 : i32
    %broadcast_in_dim3A_190 = vector.broadcast %broadcast_in_dim3A_189 : i32 to vector<16xi32>
    %swap3A_191 = arith.constant 304 : index
    %swap3A_192 = tpu.vector_load %arg11[%swap3A_191] {strides = array<i32>} : memref<576xi32, #tpu.memory_space<vmem>>, vector<16xi32>,
    tpu.vector_store %arg11[%swap3A_191], %broadcast_in_dim3A_190 {strides = array<i32>} : memref<576xi32, #tpu.memory_space<vmem>>, vector<16xi32>,
    %broadcast_in_dim3A_193 = arith.constant 0 : i32
    %broadcast_in_dim3A_194 = vector.broadcast %broadcast_in_dim3A_193 : i32 to vector<16xi32>
    %swap3A_195 = arith.constant 304 : index
    %swap3A_196 = tpu.vector_load %arg12[%swap3A_195] {strides = array<i32>} : memref<576xi32, #tpu.memory_space<vmem>>, vector<16xi32>,
    tpu.vector_store %arg12[%swap3A_195], %broadcast_in_dim3A_194 {strides = array<i32>} : memref<576xi32, #tpu.memory_space<vmem>>, vector<16xi32>,
    %broadcast_in_dim3A_197 = arith.constant 0 : i32
    %broadcast_in_dim3A_198 = vector.broadcast %broadcast_in_dim3A_197 : i32 to vector<16xi32>
    %swap3A_199 = arith.constant 320 : index
    %swap3A_200 = tpu.vector_load %arg11[%swap3A_199] {strides = array<i32>} : memref<576xi32, #tpu.memory_space<vmem>>, vector<16xi32>,
    tpu.vector_store %arg11[%swap3A_199], %broadcast_in_dim3A_198 {strides = array<i32>} : memref<576xi32, #tpu.memory_space<vmem>>, vector<16xi32>,
    %broadcast_in_dim3A_201 = arith.constant 0 : i32
    %broadcast_in_dim3A_202 = vector.broadcast %broadcast_in_dim3A_201 : i32 to vector<16xi32>
    %swap3A_203 = arith.constant 320 : index
    %swap3A_204 = tpu.vector_load %arg12[%swap3A_203] {strides = array<i32>} : memref<576xi32, #tpu.memory_space<vmem>>, vector<16xi32>,
    tpu.vector_store %arg12[%swap3A_203], %broadcast_in_dim3A_202 {strides = array<i32>} : memref<576xi32, #tpu.memory_space<vmem>>, vector<16xi32>,
    %broadcast_in_dim3A_205 = arith.constant 0 : i32
    %broadcast_in_dim3A_206 = vector.broadcast %broadcast_in_dim3A_205 : i32 to vector<16xi32>
    %swap3A_207 = arith.constant 336 : index
    %swap3A_208 = tpu.vector_load %arg11[%swap3A_207] {strides = array<i32>} : memref<576xi32, #tpu.memory_space<vmem>>, vector<16xi32>,
    tpu.vector_store %arg11[%swap3A_207], %broadcast_in_dim3A_206 {strides = array<i32>} : memref<576xi32, #tpu.memory_space<vmem>>, vector<16xi32>,
    %broadcast_in_dim3A_209 = arith.constant 0 : i32
    %broadcast_in_dim3A_210 = vector.broadcast %broadcast_in_dim3A_209 : i32 to vector<16xi32>
    %swap3A_211 = arith.constant 336 : index
    %swap3A_212 = tpu.vector_load %arg12[%swap3A_211] {strides = array<i32>} : memref<576xi32, #tpu.memory_space<vmem>>, vector<16xi32>,
    tpu.vector_store %arg12[%swap3A_211], %broadcast_in_dim3A_210 {strides = array<i32>} : memref<576xi32, #tpu.memory_space<vmem>>, vector<16xi32>,
    %broadcast_in_dim3A_213 = arith.constant 0 : i32
    %broadcast_in_dim3A_214 = vector.broadcast %broadcast_in_dim3A_213 : i32 to vector<16xi32>
    %swap3A_215 = arith.constant 352 : index
    %swap3A_216 = tpu.vector_load %arg11[%swap3A_215] {strides = array<i32>} : memref<576xi32, #tpu.memory_space<vmem>>, vector<16xi32>,
    tpu.vector_store %arg11[%swap3A_215], %broadcast_in_dim3A_214 {strides = array<i32>} : memref<576xi32, #tpu.memory_space<vmem>>, vector<16xi32>,
    %broadcast_in_dim3A_217 = arith.constant 0 : i32
    %broadcast_in_dim3A_218 = vector.broadcast %broadcast_in_dim3A_217 : i32 to vector<16xi32>
    %swap3A_219 = arith.constant 352 : index
    %swap3A_220 = tpu.vector_load %arg12[%swap3A_219] {strides = array<i32>} : memref<576xi32, #tpu.memory_space<vmem>>, vector<16xi32>,
    tpu.vector_store %arg12[%swap3A_219], %broadcast_in_dim3A_218 {strides = array<i32>} : memref<576xi32, #tpu.memory_space<vmem>>, vector<16xi32>,
    %broadcast_in_dim3A_221 = arith.constant 0 : i32
    %broadcast_in_dim3A_222 = vector.broadcast %broadcast_in_dim3A_221 : i32 to vector<16xi32>
    %swap3A_223 = arith.constant 368 : index
    %swap3A_224 = tpu.vector_load %arg11[%swap3A_223] {strides = array<i32>} : memref<576xi32, #tpu.memory_space<vmem>>, vector<16xi32>,
    tpu.vector_store %arg11[%swap3A_223], %broadcast_in_dim3A_222 {strides = array<i32>} : memref<576xi32, #tpu.memory_space<vmem>>, vector<16xi32>,
    %broadcast_in_dim3A_225 = arith.constant 0 : i32
    %broadcast_in_dim3A_226 = vector.broadcast %broadcast_in_dim3A_225 : i32 to vector<16xi32>
    %swap3A_227 = arith.constant 368 : index
    %swap3A_228 = tpu.vector_load %arg12[%swap3A_227] {strides = array<i32>} : memref<576xi32, #tpu.memory_space<vmem>>, vector<16xi32>,
    tpu.vector_store %arg12[%swap3A_227], %broadcast_in_dim3A_226 {strides = array<i32>} : memref<576xi32, #tpu.memory_space<vmem>>, vector<16xi32>,
    %broadcast_in_dim3A_229 = arith.constant 0 : i32
    %broadcast_in_dim3A_230 = vector.broadcast %broadcast_in_dim3A_229 : i32 to vector<16xi32>
    %swap3A_231 = arith.constant 384 : index
    %swap3A_232 = tpu.vector_load %arg11[%swap3A_231] {strides = array<i32>} : memref<576xi32, #tpu.memory_space<vmem>>, vector<16xi32>,
    tpu.vector_store %arg11[%swap3A_231], %broadcast_in_dim3A_230 {strides = array<i32>} : memref<576xi32, #tpu.memory_space<vmem>>, vector<16xi32>,
    %broadcast_in_dim3A_233 = arith.constant 0 : i32
    %broadcast_in_dim3A_234 = vector.broadcast %broadcast_in_dim3A_233 : i32 to vector<16xi32>
    %swap3A_235 = arith.constant 384 : index
    %swap3A_236 = tpu.vector_load %arg12[%swap3A_235] {strides = array<i32>} : memref<576xi32, #tpu.memory_space<vmem>>, vector<16xi32>,
    tpu.vector_store %arg12[%swap3A_235], %broadcast_in_dim3A_234 {strides = array<i32>} : memref<576xi32, #tpu.memory_space<vmem>>, vector<16xi32>,
    %broadcast_in_dim3A_237 = arith.constant 0 : i32
    %broadcast_in_dim3A_238 = vector.broadcast %broadcast_in_dim3A_237 : i32 to vector<16xi32>
    %swap3A_239 = arith.constant 400 : index
    %swap3A_240 = tpu.vector_load %arg11[%swap3A_239] {strides = array<i32>} : memref<576xi32, #tpu.memory_space<vmem>>, vector<16xi32>,
    tpu.vector_store %arg11[%swap3A_239], %broadcast_in_dim3A_238 {strides = array<i32>} : memref<576xi32, #tpu.memory_space<vmem>>, vector<16xi32>,
    %broadcast_in_dim3A_241 = arith.constant 0 : i32
    %broadcast_in_dim3A_242 = vector.broadcast %broadcast_in_dim3A_241 : i32 to vector<16xi32>
    %swap3A_243 = arith.constant 400 : index
    %swap3A_244 = tpu.vector_load %arg12[%swap3A_243] {strides = array<i32>} : memref<576xi32, #tpu.memory_space<vmem>>, vector<16xi32>,
    tpu.vector_store %arg12[%swap3A_243], %broadcast_in_dim3A_242 {strides = array<i32>} : memref<576xi32, #tpu.memory_space<vmem>>, vector<16xi32>,
    %broadcast_in_dim3A_245 = arith.constant 0 : i32
    %broadcast_in_dim3A_246 = vector.broadcast %broadcast_in_dim3A_245 : i32 to vector<16xi32>
    %swap3A_247 = arith.constant 416 : index
    %swap3A_248 = tpu.vector_load %arg11[%swap3A_247] {strides = array<i32>} : memref<576xi32, #tpu.memory_space<vmem>>, vector<16xi32>,
    tpu.vector_store %arg11[%swap3A_247], %broadcast_in_dim3A_246 {strides = array<i32>} : memref<576xi32, #tpu.memory_space<vmem>>, vector<16xi32>,
    %broadcast_in_dim3A_249 = arith.constant 0 : i32
    %broadcast_in_dim3A_250 = vector.broadcast %broadcast_in_dim3A_249 : i32 to vector<16xi32>
    %swap3A_251 = arith.constant 416 : index
    %swap3A_252 = tpu.vector_load %arg12[%swap3A_251] {strides = array<i32>} : memref<576xi32, #tpu.memory_space<vmem>>, vector<16xi32>,
    tpu.vector_store %arg12[%swap3A_251], %broadcast_in_dim3A_250 {strides = array<i32>} : memref<576xi32, #tpu.memory_space<vmem>>, vector<16xi32>,
    %broadcast_in_dim3A_253 = arith.constant 0 : i32
    %broadcast_in_dim3A_254 = vector.broadcast %broadcast_in_dim3A_253 : i32 to vector<16xi32>
    %swap3A_255 = arith.constant 432 : index
    %swap3A_256 = tpu.vector_load %arg11[%swap3A_255] {strides = array<i32>} : memref<576xi32, #tpu.memory_space<vmem>>, vector<16xi32>,
    tpu.vector_store %arg11[%swap3A_255], %broadcast_in_dim3A_254 {strides = array<i32>} : memref<576xi32, #tpu.memory_space<vmem>>, vector<16xi32>,
    %broadcast_in_dim3A_257 = arith.constant 0 : i32
    %broadcast_in_dim3A_258 = vector.broadcast %broadcast_in_dim3A_257 : i32 to vector<16xi32>
    %swap3A_259 = arith.constant 432 : index
    %swap3A_260 = tpu.vector_load %arg12[%swap3A_259] {strides = array<i32>} : memref<576xi32, #tpu.memory_space<vmem>>, vector<16xi32>,
    tpu.vector_store %arg12[%swap3A_259], %broadcast_in_dim3A_258 {strides = array<i32>} : memref<576xi32, #tpu.memory_space<vmem>>, vector<16xi32>,
    %broadcast_in_dim3A_261 = arith.constant 0 : i32
    %broadcast_in_dim3A_262 = vector.broadcast %broadcast_in_dim3A_261 : i32 to vector<16xi32>
    %swap3A_263 = arith.constant 448 : index
    %swap3A_264 = tpu.vector_load %arg11[%swap3A_263] {strides = array<i32>} : memref<576xi32, #tpu.memory_space<vmem>>, vector<16xi32>,
    tpu.vector_store %arg11[%swap3A_263], %broadcast_in_dim3A_262 {strides = array<i32>} : memref<576xi32, #tpu.memory_space<vmem>>, vector<16xi32>,
    %broadcast_in_dim3A_265 = arith.constant 0 : i32
    %broadcast_in_dim3A_266 = vector.broadcast %broadcast_in_dim3A_265 : i32 to vector<16xi32>
    %swap3A_267 = arith.constant 448 : index
    %swap3A_268 = tpu.vector_load %arg12[%swap3A_267] {strides = array<i32>} : memref<576xi32, #tpu.memory_space<vmem>>, vector<16xi32>,
    tpu.vector_store %arg12[%swap3A_267], %broadcast_in_dim3A_266 {strides = array<i32>} : memref<576xi32, #tpu.memory_space<vmem>>, vector<16xi32>,
    %broadcast_in_dim3A_269 = arith.constant 0 : i32
    %broadcast_in_dim3A_270 = vector.broadcast %broadcast_in_dim3A_269 : i32 to vector<16xi32>
    %swap3A_271 = arith.constant 464 : index
    %swap3A_272 = tpu.vector_load %arg11[%swap3A_271] {strides = array<i32>} : memref<576xi32, #tpu.memory_space<vmem>>, vector<16xi32>,
    tpu.vector_store %arg11[%swap3A_271], %broadcast_in_dim3A_270 {strides = array<i32>} : memref<576xi32, #tpu.memory_space<vmem>>, vector<16xi32>,
    %broadcast_in_dim3A_273 = arith.constant 0 : i32
    %broadcast_in_dim3A_274 = vector.broadcast %broadcast_in_dim3A_273 : i32 to vector<16xi32>
    %swap3A_275 = arith.constant 464 : index
    %swap3A_276 = tpu.vector_load %arg12[%swap3A_275] {strides = array<i32>} : memref<576xi32, #tpu.memory_space<vmem>>, vector<16xi32>,
    tpu.vector_store %arg12[%swap3A_275], %broadcast_in_dim3A_274 {strides = array<i32>} : memref<576xi32, #tpu.memory_space<vmem>>, vector<16xi32>,
    %broadcast_in_dim3A_277 = arith.constant 0 : i32
    %broadcast_in_dim3A_278 = vector.broadcast %broadcast_in_dim3A_277 : i32 to vector<16xi32>
    %swap3A_279 = arith.constant 480 : index
    %swap3A_280 = tpu.vector_load %arg11[%swap3A_279] {strides = array<i32>} : memref<576xi32, #tpu.memory_space<vmem>>, vector<16xi32>,
    tpu.vector_store %arg11[%swap3A_279], %broadcast_in_dim3A_278 {strides = array<i32>} : memref<576xi32, #tpu.memory_space<vmem>>, vector<16xi32>,
    %broadcast_in_dim3A_281 = arith.constant 0 : i32
    %broadcast_in_dim3A_282 = vector.broadcast %broadcast_in_dim3A_281 : i32 to vector<16xi32>
    %swap3A_283 = arith.constant 480 : index
    %swap3A_284 = tpu.vector_load %arg12[%swap3A_283] {strides = array<i32>} : memref<576xi32, #tpu.memory_space<vmem>>, vector<16xi32>,
    tpu.vector_store %arg12[%swap3A_283], %broadcast_in_dim3A_282 {strides = array<i32>} : memref<576xi32, #tpu.memory_space<vmem>>, vector<16xi32>,
    %broadcast_in_dim3A_285 = arith.constant 0 : i32
    %broadcast_in_dim3A_286 = vector.broadcast %broadcast_in_dim3A_285 : i32 to vector<16xi32>
    %swap3A_287 = arith.constant 496 : index
    %swap3A_288 = tpu.vector_load %arg11[%swap3A_287] {strides = array<i32>} : memref<576xi32, #tpu.memory_space<vmem>>, vector<16xi32>,
    tpu.vector_store %arg11[%swap3A_287], %broadcast_in_dim3A_286 {strides = array<i32>} : memref<576xi32, #tpu.memory_space<vmem>>, vector<16xi32>,
    %broadcast_in_dim3A_289 = arith.constant 0 : i32
    %broadcast_in_dim3A_290 = vector.broadcast %broadcast_in_dim3A_289 : i32 to vector<16xi32>
    %swap3A_291 = arith.constant 496 : index
    %swap3A_292 = tpu.vector_load %arg12[%swap3A_291] {strides = array<i32>} : memref<576xi32, #tpu.memory_space<vmem>>, vector<16xi32>,
    tpu.vector_store %arg12[%swap3A_291], %broadcast_in_dim3A_290 {strides = array<i32>} : memref<576xi32, #tpu.memory_space<vmem>>, vector<16xi32>,
    %broadcast_in_dim3A_293 = arith.constant 0 : i32
    %broadcast_in_dim3A_294 = vector.broadcast %broadcast_in_dim3A_293 : i32 to vector<16xi32>
    %swap3A_295 = arith.constant 512 : index
    %swap3A_296 = tpu.vector_load %arg11[%swap3A_295] {strides = array<i32>} : memref<576xi32, #tpu.memory_space<vmem>>, vector<16xi32>,
    tpu.vector_store %arg11[%swap3A_295], %broadcast_in_dim3A_294 {strides = array<i32>} : memref<576xi32, #tpu.memory_space<vmem>>, vector<16xi32>,
    %broadcast_in_dim3A_297 = arith.constant 0 : i32
    %broadcast_in_dim3A_298 = vector.broadcast %broadcast_in_dim3A_297 : i32 to vector<16xi32>
    %swap3A_299 = arith.constant 512 : index
    %swap3A_300 = tpu.vector_load %arg12[%swap3A_299] {strides = array<i32>} : memref<576xi32, #tpu.memory_space<vmem>>, vector<16xi32>,
    tpu.vector_store %arg12[%swap3A_299], %broadcast_in_dim3A_298 {strides = array<i32>} : memref<576xi32, #tpu.memory_space<vmem>>, vector<16xi32>,
    %broadcast_in_dim3A_301 = arith.constant 0 : i32
    %broadcast_in_dim3A_302 = vector.broadcast %broadcast_in_dim3A_301 : i32 to vector<16xi32>
    %swap3A_303 = arith.constant 528 : index
    %swap3A_304 = tpu.vector_load %arg11[%swap3A_303] {strides = array<i32>} : memref<576xi32, #tpu.memory_space<vmem>>, vector<16xi32>,
    tpu.vector_store %arg11[%swap3A_303], %broadcast_in_dim3A_302 {strides = array<i32>} : memref<576xi32, #tpu.memory_space<vmem>>, vector<16xi32>,
    %broadcast_in_dim3A_305 = arith.constant 0 : i32
    %broadcast_in_dim3A_306 = vector.broadcast %broadcast_in_dim3A_305 : i32 to vector<16xi32>
    %swap3A_307 = arith.constant 528 : index
    %swap3A_308 = tpu.vector_load %arg12[%swap3A_307] {strides = array<i32>} : memref<576xi32, #tpu.memory_space<vmem>>, vector<16xi32>,
    tpu.vector_store %arg12[%swap3A_307], %broadcast_in_dim3A_306 {strides = array<i32>} : memref<576xi32, #tpu.memory_space<vmem>>, vector<16xi32>,
    %broadcast_in_dim3A_309 = arith.constant 0 : i32
    %broadcast_in_dim3A_310 = vector.broadcast %broadcast_in_dim3A_309 : i32 to vector<16xi32>
    %swap3A_311 = arith.constant 544 : index
    %swap3A_312 = tpu.vector_load %arg11[%swap3A_311] {strides = array<i32>} : memref<576xi32, #tpu.memory_space<vmem>>, vector<16xi32>,
    tpu.vector_store %arg11[%swap3A_311], %broadcast_in_dim3A_310 {strides = array<i32>} : memref<576xi32, #tpu.memory_space<vmem>>, vector<16xi32>,
    %broadcast_in_dim3A_313 = arith.constant 0 : i32
    %broadcast_in_dim3A_314 = vector.broadcast %broadcast_in_dim3A_313 : i32 to vector<16xi32>
    %swap3A_315 = arith.constant 544 : index
    %swap3A_316 = tpu.vector_load %arg12[%swap3A_315] {strides = array<i32>} : memref<576xi32, #tpu.memory_space<vmem>>, vector<16xi32>,
    tpu.vector_store %arg12[%swap3A_315], %broadcast_in_dim3A_314 {strides = array<i32>} : memref<576xi32, #tpu.memory_space<vmem>>, vector<16xi32>,
    %broadcast_in_dim3A_317 = arith.constant 0 : i32
    %broadcast_in_dim3A_318 = vector.broadcast %broadcast_in_dim3A_317 : i32 to vector<16xi32>
    %swap3A_319 = arith.constant 560 : index
    %swap3A_320 = tpu.vector_load %arg11[%swap3A_319] {strides = array<i32>} : memref<576xi32, #tpu.memory_space<vmem>>, vector<16xi32>,
    tpu.vector_store %arg11[%swap3A_319], %broadcast_in_dim3A_318 {strides = array<i32>} : memref<576xi32, #tpu.memory_space<vmem>>, vector<16xi32>,
    %broadcast_in_dim3A_321 = arith.constant 0 : i32
    %broadcast_in_dim3A_322 = vector.broadcast %broadcast_in_dim3A_321 : i32 to vector<16xi32>
    %swap3A_323 = arith.constant 560 : index
    %swap3A_324 = tpu.vector_load %arg12[%swap3A_323] {strides = array<i32>} : memref<576xi32, #tpu.memory_space<vmem>>, vector<16xi32>,
    tpu.vector_store %arg12[%swap3A_323], %broadcast_in_dim3A_322 {strides = array<i32>} : memref<576xi32, #tpu.memory_space<vmem>>, vector<16xi32>,
    %mul3A_325 = arith.constant 40 : i32
    %mul3A_326 = arith.muli %select_n3A_30, %mul3A_325 : i32
    %mul3A_327 = arith.constant 4000 : i32
    %mul3A_328 = arith.muli %mul3A_326, %mul3A_327 : i32
    %dma_start3A = arith.constant 0 : i32
    %dma_start3A_329 = tpu.memref_slice %arg8[%dma_start3A] : memref<8000xi32, #tpu.memory_space<vmem>> -> memref<4000xi32, #tpu.memory_space<vmem>>
    %dma_start3A_330 = tpu.memref_slice %arg4[%mul3A_328] : memref<320000xi32, #tpu.memory_space<hbm>> -> memref<4000xi32, #tpu.memory_space<hbm>>
    %dma_start3A_331 = arith.constant 0 : i32
    %dma_start3A_332 = tpu.memref_slice %arg8[%dma_start3A_331] : memref<8000xi32, #tpu.memory_space<vmem>> -> memref<4000xi32, #tpu.memory_space<vmem>>
    %dma_start3A_333 = tpu.memref_slice %arg4[%mul3A_328] : memref<320000xi32, #tpu.memory_space<hbm>> -> memref<4000xi32, #tpu.memory_space<hbm>>
    tpu.enqueue_dma source(%dma_start3A_333 : memref<4000xi32, #tpu.memory_space<hbm>>) target(%dma_start3A_332 : memref<4000xi32, #tpu.memory_space<vmem>>) target_semaphore(%arg18 : memref<!tpu.dma_semaphore, #tpu.memory_space<semaphore_mem>>)
    %dma_start3A_334 = arith.constant 0 : i32
    %dma_start3A_335 = tpu.memref_slice %arg9[%dma_start3A_334] : memref<8000xi32, #tpu.memory_space<vmem>> -> memref<4000xi32, #tpu.memory_space<vmem>>
    %dma_start3A_336 = tpu.memref_slice %arg3[%mul3A_328] : memref<320000xi32, #tpu.memory_space<hbm>> -> memref<4000xi32, #tpu.memory_space<hbm>>
    %dma_start3A_337 = arith.constant 0 : i32
    %dma_start3A_338 = tpu.memref_slice %arg9[%dma_start3A_337] : memref<8000xi32, #tpu.memory_space<vmem>> -> memref<4000xi32, #tpu.memory_space<vmem>>
    %dma_start3A_339 = tpu.memref_slice %arg3[%mul3A_328] : memref<320000xi32, #tpu.memory_space<hbm>> -> memref<4000xi32, #tpu.memory_space<hbm>>
    tpu.enqueue_dma source(%dma_start3A_339 : memref<4000xi32, #tpu.memory_space<hbm>>) target(%dma_start3A_338 : memref<4000xi32, #tpu.memory_space<vmem>>) target_semaphore(%arg18 : memref<!tpu.dma_semaphore, #tpu.memory_space<semaphore_mem>>)
    %dma_start3A_340 = arith.constant 0 : i32
    %dma_start3A_341 = tpu.memref_slice %arg10[%dma_start3A_340] : memref<8000xf32, #tpu.memory_space<vmem>> -> memref<4000xf32, #tpu.memory_space<vmem>>
    %dma_start3A_342 = tpu.memref_slice %arg5[%mul3A_328] : memref<320000xf32, #tpu.memory_space<hbm>> -> memref<4000xf32, #tpu.memory_space<hbm>>
    %dma_start3A_343 = arith.constant 0 : i32
    %dma_start3A_344 = tpu.memref_slice %arg10[%dma_start3A_343] : memref<8000xf32, #tpu.memory_space<vmem>> -> memref<4000xf32, #tpu.memory_space<vmem>>
    %dma_start3A_345 = tpu.memref_slice %arg5[%mul3A_328] : memref<320000xf32, #tpu.memory_space<hbm>> -> memref<4000xf32, #tpu.memory_space<hbm>>
    tpu.enqueue_dma source(%dma_start3A_345 : memref<4000xf32, #tpu.memory_space<hbm>>) target(%dma_start3A_344 : memref<4000xf32, #tpu.memory_space<vmem>>) target_semaphore(%arg18 : memref<!tpu.dma_semaphore, #tpu.memory_space<semaphore_mem>>)
    %scan3A_346 = arith.constant 0 : i32
    %scan3A_347 = arith.constant 0 : i32
    %scan3A_348 = arith.constant 0 : i32
    %scan3A_349 = arith.constant 0 : i32
    %scan3A_350 = arith.constant 0 : i32
    %scan3A_351 = arith.constant 0 : i32
    %scan3A_352 = arith.constant 0 : i32
    %scan3A_353 = arith.constant 0 : i32
    %scan3A_354 = arith.constant 0 : i32
    %scan3A_355 = arith.constant 20 : i32
    %scan3A_356 = arith.addi %scan3A_354, %scan3A_355 : i32
    %scan3A_357 = arith.constant 1 : i32
    %scan3A_358:8 = scf.for %scan3A_522 = %scan3A_354 to %scan3A_356 step %scan3A_357 iter_args(%scan3A_523 = %scan3A_346, %scan3A_524 = %scan3A_347, %scan3A_525 = %scan3A_348, %scan3A_526 = %scan3A_349, %scan3A_527 = %scan3A_350, %scan3A_528 = %scan3A_351, %scan3A_529 = %scan3A_352, %scan3A_530 = %scan3A_353) -> (i32, i32, i32, i32, i32, i32, i32, i32)  : i32 {
      %mul3A_531 = arith.constant 2 : i32
      %mul3A_532 = arith.muli %mul3A_531, %scan3A_522 : i32
      %add3A_533 = arith.addi %mul3A_326, %mul3A_532 : i32
      %add3A_534 = arith.constant 1 : i32
      %add3A_535 = arith.addi %add3A_533, %add3A_534 : i32
      %mul3A_536 = arith.constant 4000 : i32
      %mul3A_537 = arith.muli %add3A_535, %mul3A_536 : i32
      %dma_start3A_538 = arith.constant 4000 : i32
      %dma_start3A_539 = tpu.memref_slice %arg8[%dma_start3A_538] : memref<8000xi32, #tpu.memory_space<vmem>> -> memref<4000xi32, #tpu.memory_space<vmem>>
      %dma_start3A_540 = tpu.memref_slice %arg4[%mul3A_537] : memref<320000xi32, #tpu.memory_space<hbm>> -> memref<4000xi32, #tpu.memory_space<hbm>>
      %dma_start3A_541 = arith.constant 4000 : i32
      %dma_start3A_542 = tpu.memref_slice %arg8[%dma_start3A_541] : memref<8000xi32, #tpu.memory_space<vmem>> -> memref<4000xi32, #tpu.memory_space<vmem>>
      %dma_start3A_543 = tpu.memref_slice %arg4[%mul3A_537] : memref<320000xi32, #tpu.memory_space<hbm>> -> memref<4000xi32, #tpu.memory_space<hbm>>
      tpu.enqueue_dma source(%dma_start3A_543 : memref<4000xi32, #tpu.memory_space<hbm>>) target(%dma_start3A_542 : memref<4000xi32, #tpu.memory_space<vmem>>) target_semaphore(%arg19 : memref<!tpu.dma_semaphore, #tpu.memory_space<semaphore_mem>>)
      %dma_start3A_544 = arith.constant 4000 : i32
      %dma_start3A_545 = tpu.memref_slice %arg9[%dma_start3A_544] : memref<8000xi32, #tpu.memory_space<vmem>> -> memref<4000xi32, #tpu.memory_space<vmem>>
      %dma_start3A_546 = tpu.memref_slice %arg3[%mul3A_537] : memref<320000xi32, #tpu.memory_space<hbm>> -> memref<4000xi32, #tpu.memory_space<hbm>>
      %dma_start3A_547 = arith.constant 4000 : i32
      %dma_start3A_548 = tpu.memref_slice %arg9[%dma_start3A_547] : memref<8000xi32, #tpu.memory_space<vmem>> -> memref<4000xi32, #tpu.memory_space<vmem>>
      %dma_start3A_549 = tpu.memref_slice %arg3[%mul3A_537] : memref<320000xi32, #tpu.memory_space<hbm>> -> memref<4000xi32, #tpu.memory_space<hbm>>
      tpu.enqueue_dma source(%dma_start3A_549 : memref<4000xi32, #tpu.memory_space<hbm>>) target(%dma_start3A_548 : memref<4000xi32, #tpu.memory_space<vmem>>) target_semaphore(%arg19 : memref<!tpu.dma_semaphore, #tpu.memory_space<semaphore_mem>>)
      %dma_start3A_550 = arith.constant 4000 : i32
      %dma_start3A_551 = tpu.memref_slice %arg10[%dma_start3A_550] : memref<8000xf32, #tpu.memory_space<vmem>> -> memref<4000xf32, #tpu.memory_space<vmem>>
      %dma_start3A_552 = tpu.memref_slice %arg5[%mul3A_537] : memref<320000xf32, #tpu.memory_space<hbm>> -> memref<4000xf32, #tpu.memory_space<hbm>>
      %dma_start3A_553 = arith.constant 4000 : i32
      %dma_start3A_554 = tpu.memref_slice %arg10[%dma_start3A_553] : memref<8000xf32, #tpu.memory_space<vmem>> -> memref<4000xf32, #tpu.memory_space<vmem>>
      %dma_start3A_555 = tpu.memref_slice %arg5[%mul3A_537] : memref<320000xf32, #tpu.memory_space<hbm>> -> memref<4000xf32, #tpu.memory_space<hbm>>
      tpu.enqueue_dma source(%dma_start3A_555 : memref<4000xf32, #tpu.memory_space<hbm>>) target(%dma_start3A_554 : memref<4000xf32, #tpu.memory_space<vmem>>) target_semaphore(%arg19 : memref<!tpu.dma_semaphore, #tpu.memory_space<semaphore_mem>>)
      %dma_wait3A_556 = arith.constant 0 : i32
      %dma_wait3A_557 = tpu.memref_slice %arg8[%dma_wait3A_556] : memref<8000xi32, #tpu.memory_space<vmem>> -> memref<4000xi32, #tpu.memory_space<vmem>>
      %dma_wait3A_558 = arith.constant 0 : i32
      %dma_wait3A_559 = tpu.memref_slice %arg4[%dma_wait3A_558] : memref<320000xi32, #tpu.memory_space<hbm>> -> memref<4000xi32, #tpu.memory_space<hbm>>
      %dma_wait3A_560 = arith.constant 0 : i32
      %dma_wait3A_561 = tpu.memref_slice %arg8[%dma_wait3A_560] : memref<8000xi32, #tpu.memory_space<vmem>> -> memref<4000xi32, #tpu.memory_space<vmem>>
      %dma_wait3A_562 = arith.constant 0 : i32
      %dma_wait3A_563 = tpu.memref_slice %arg4[%dma_wait3A_562] : memref<320000xi32, #tpu.memory_space<hbm>> -> memref<4000xi32, #tpu.memory_space<hbm>>
      tpu.wait_dma2 semaphore(%arg18 : memref<!tpu.dma_semaphore, #tpu.memory_space<semaphore_mem>>) src(%dma_wait3A_563 : memref<4000xi32, #tpu.memory_space<hbm>>) dst(%dma_wait3A_561 : memref<4000xi32, #tpu.memory_space<vmem>>)
      %dma_wait3A_564 = arith.constant 0 : i32
      %dma_wait3A_565 = tpu.memref_slice %arg9[%dma_wait3A_564] : memref<8000xi32, #tpu.memory_space<vmem>> -> memref<4000xi32, #tpu.memory_space<vmem>>
      %dma_wait3A_566 = arith.constant 0 : i32
      %dma_wait3A_567 = tpu.memref_slice %arg3[%dma_wait3A_566] : memref<320000xi32, #tpu.memory_space<hbm>> -> memref<4000xi32, #tpu.memory_space<hbm>>
      %dma_wait3A_568 = arith.constant 0 : i32
      %dma_wait3A_569 = tpu.memref_slice %arg9[%dma_wait3A_568] : memref<8000xi32, #tpu.memory_space<vmem>> -> memref<4000xi32, #tpu.memory_space<vmem>>
      %dma_wait3A_570 = arith.constant 0 : i32
      %dma_wait3A_571 = tpu.memref_slice %arg3[%dma_wait3A_570] : memref<320000xi32, #tpu.memory_space<hbm>> -> memref<4000xi32, #tpu.memory_space<hbm>>
      tpu.wait_dma2 semaphore(%arg18 : memref<!tpu.dma_semaphore, #tpu.memory_space<semaphore_mem>>) src(%dma_wait3A_571 : memref<4000xi32, #tpu.memory_space<hbm>>) dst(%dma_wait3A_569 : memref<4000xi32, #tpu.memory_space<vmem>>)
      %dma_wait3A_572 = arith.constant 0 : i32
      %dma_wait3A_573 = tpu.memref_slice %arg10[%dma_wait3A_572] : memref<8000xf32, #tpu.memory_space<vmem>> -> memref<4000xf32, #tpu.memory_space<vmem>>
      %dma_wait3A_574 = arith.constant 0 : i32
      %dma_wait3A_575 = tpu.memref_slice %arg5[%dma_wait3A_574] : memref<320000xf32, #tpu.memory_space<hbm>> -> memref<4000xf32, #tpu.memory_space<hbm>>
      %dma_wait3A_576 = arith.constant 0 : i32
      %dma_wait3A_577 = tpu.memref_slice %arg10[%dma_wait3A_576] : memref<8000xf32, #tpu.memory_space<vmem>> -> memref<4000xf32, #tpu.memory_space<vmem>>
      %dma_wait3A_578 = arith.constant 0 : i32
      %dma_wait3A_579 = tpu.memref_slice %arg5[%dma_wait3A_578] : memref<320000xf32, #tpu.memory_space<hbm>> -> memref<4000xf32, #tpu.memory_space<hbm>>
      tpu.wait_dma2 semaphore(%arg18 : memref<!tpu.dma_semaphore, #tpu.memory_space<semaphore_mem>>) src(%dma_wait3A_579 : memref<4000xf32, #tpu.memory_space<hbm>>) dst(%dma_wait3A_577 : memref<4000xf32, #tpu.memory_space<vmem>>)
      %scan3A_580 = arith.constant 0 : i32
      %scan3A_581 = arith.constant 125 : i32
      %scan3A_582 = arith.addi %scan3A_580, %scan3A_581 : i32
      %scan3A_583 = arith.constant 1 : i32
      %scan3A_584:8 = scf.for %scan3A_642 = %scan3A_580 to %scan3A_582 step %scan3A_583 iter_args(%scan3A_643 = %scan3A_523, %scan3A_644 = %scan3A_524, %scan3A_645 = %scan3A_525, %scan3A_646 = %scan3A_526, %scan3A_647 = %scan3A_527, %scan3A_648 = %scan3A_528, %scan3A_649 = %scan3A_529, %scan3A_650 = %scan3A_530) -> (i32, i32, i32, i32, i32, i32, i32, i32)  : i32 {
        %mul3A_651 = arith.constant 2 : i32
        %mul3A_652 = arith.muli %mul3A_651, %scan3A_642 : i32
        %add3A_653 = arith.addi %scan3A_643, %scan3A_644 : i32
        %ge3A_654 = arith.constant 128 : i32
        %ge3A_655 = arith.cmpi sge, %add3A_653, %ge3A_654 : i32
        %convert_element_type3A_656 = arith.extui %ge3A_655 : i1 to i32
        %cond3A_657 = arith.constant 0 : i32
        %cond3A_658 = arith.cmpi ne, %convert_element_type3A_656, %cond3A_657 : i32
        scf.if %cond3A_658 {
          %add3A_770 = arith.constant 0 : i32
          %add3A_771 = arith.addi %add3A_770, %scan3A_645 : i32
          %sub3A_772 = arith.constant 1 : i32
          %sub3A_773 = arith.subi %sub3A_772, %scan3A_645 : i32
          %eq3A_774 = arith.constant 1 : i32
          %eq3A_775 = arith.cmpi eq, %scan3A_646, %eq3A_774 : i32
          %convert_element_type3A_776 = arith.extui %eq3A_775 : i1 to i32
          %cond3A_777 = arith.constant 0 : i32
          %cond3A_778 = arith.cmpi ne, %convert_element_type3A_776, %cond3A_777 : i32
          scf.if %cond3A_778 {
            %mul3A_811 = arith.constant 144 : i32
            %mul3A_812 = arith.muli %sub3A_773, %mul3A_811 : i32
            %mul3A_813 = arith.constant 128 : i32
            %mul3A_814 = arith.muli %sub3A_773, %mul3A_813 : i32
            %dma_wait3A_815 = arith.constant 0 : i32
            %dma_wait3A_816 = tpu.memref_slice %arg14[%mul3A_814, %dma_wait3A_815] : memref<512x64xi32, #tpu.memory_space<vmem>> -> memref<128x64xi32, #tpu.memory_space<vmem>>
            %dma_wait3A_817 = tpu.memref_slice %arg11[%mul3A_812] : memref<576xi32, #tpu.memory_space<vmem>> -> memref<128xi32, #tpu.memory_space<vmem>>
            %dma_wait3A_818 = arith.constant 0 : i32
            %dma_wait3A_819 = arith.constant 0 : i32
            %dma_wait3A_820 = tpu.memref_slice %arg2[%dma_wait3A_818, %dma_wait3A_819] : memref<10000x64xi32, #tpu.memory_space<hbm>> -> memref<10000x64xi32, #tpu.memory_space<hbm>>
            tpu.wait_indirect_dma semaphore(%arg16 : memref<!tpu.dma_semaphore, #tpu.memory_space<semaphore_mem>>) src(%dma_wait3A_820 : memref<10000x64xi32, #tpu.memory_space<hbm>>) dst(%dma_wait3A_816 : memref<128x64xi32, #tpu.memory_space<vmem>>)
            %mul3A_821 = arith.constant 144 : i32
            %mul3A_822 = arith.muli %sub3A_773, %mul3A_821 : i32
            %mul3A_823 = arith.constant 128 : i32
            %mul3A_824 = arith.muli %sub3A_773, %mul3A_823 : i32
            %get3A_825 = arith.index_cast %mul3A_822 : i32 to index
            %get3A_826 = tpu.vector_load %arg12[%get3A_825] {strides = array<i32>} : memref<576xi32, #tpu.memory_space<vmem>>, vector<16xi32>,
            %slice3A_827 = vector.extract_strided_slice %get3A_826 {offsets = [0], sizes = [1], strides = [1]} : vector<16xi32> to vector<1xi32>
            %squeeze3A_828 = vector.extract %slice3A_827[0] : i32 from vector<1xi32>
            %mul3A_829 = arith.constant 128 : i32
            %mul3A_830 = arith.muli %squeeze3A_828, %mul3A_829 : i32
            %scan3A_831 = arith.constant 0 : i32
            %scan3A_832 = arith.constant 128 : i32
            %scan3A_833 = arith.addi %scan3A_831, %scan3A_832 : i32
            %scan3A_834 = arith.constant 1 : i32
            %scan3A_835 = scf.for %scan3A_837 = %scan3A_831 to %scan3A_833 step %scan3A_834 iter_args(%scan3A_838 = %mul3A_830) -> (i32)  : i32 {
              %add3A_839 = arith.addi %mul3A_822, %scan3A_837 : i32
              %add3A_840 = arith.constant 1 : i32
              %add3A_841 = arith.addi %add3A_839, %add3A_840 : i32
              %get3A_842 = arith.index_cast %add3A_841 : i32 to index
              %get3A_843 = tpu.vector_load %arg12[%get3A_842] {strides = array<i32>} : memref<576xi32, #tpu.memory_space<vmem>>, vector<16xi32>,
              %slice3A_844 = vector.extract_strided_slice %get3A_843 {offsets = [0], sizes = [1], strides = [1]} : vector<16xi32> to vector<1xi32>
              %squeeze3A_845 = vector.extract %slice3A_844[0] : i32 from vector<1xi32>
              %mul3A_846 = arith.constant 128 : i32
              %mul3A_847 = arith.muli %squeeze3A_845, %mul3A_846 : i32
              %add3A_848 = arith.addi %mul3A_822, %scan3A_837 : i32
              %get3A_849 = arith.index_cast %add3A_848 : i32 to index
              %get3A_850 = tpu.vector_load %arg13[%get3A_849] {strides = array<i32>} : memref<576xf32, #tpu.memory_space<vmem>>, vector<16xf32>,
              %slice3A_851 = vector.extract_strided_slice %get3A_850 {offsets = [0], sizes = [1], strides = [1]} : vector<16xf32> to vector<1xf32>
              %squeeze3A_852 = vector.extract %slice3A_851[0] : f32 from vector<1xf32>
              %broadcast_in_dim3A_853 = vector.broadcast %squeeze3A_852 : f32 to vector<16xf32>
              %broadcast_in_dim3A_854 = vector.broadcast %squeeze3A_852 : f32 to vector<16xf32>
              %pack3A = tpu.pack_subelements %broadcast_in_dim3A_853, %broadcast_in_dim3A_854 {pack_format = #tpu.pack_format<interleaved>, positions = array<i32: 0, 1>} : vector<16xf32>, vector<16xf32> -> vector<32xbf16>
              %add3A_855 = arith.constant 0 : i32
              %add3A_856 = arith.addi %scan3A_838, %add3A_855 : i32
              %get3A_857 = arith.index_cast %add3A_856 : i32 to index
              %get3A_858 = tpu.vector_load %arg7[%get3A_857] {strides = array<i32>} : memref<81920xbf16, #tpu.memory_space<vmem>>, vector<32xbf16>,
              %add3A_859 = arith.constant 32 : i32
              %add3A_860 = arith.addi %scan3A_838, %add3A_859 : i32
              %get3A_861 = arith.index_cast %add3A_860 : i32 to index
              %get3A_862 = tpu.vector_load %arg7[%get3A_861] {strides = array<i32>} : memref<81920xbf16, #tpu.memory_space<vmem>>, vector<32xbf16>,
              %add3A_863 = arith.constant 64 : i32
              %add3A_864 = arith.addi %scan3A_838, %add3A_863 : i32
              %get3A_865 = arith.index_cast %add3A_864 : i32 to index
              %get3A_866 = tpu.vector_load %arg7[%get3A_865] {strides = array<i32>} : memref<81920xbf16, #tpu.memory_space<vmem>>, vector<32xbf16>,
              %add3A_867 = arith.constant 96 : i32
              %add3A_868 = arith.addi %scan3A_838, %add3A_867 : i32
              %get3A_869 = arith.index_cast %add3A_868 : i32 to index
              %get3A_870 = tpu.vector_load %arg7[%get3A_869] {strides = array<i32>} : memref<81920xbf16, #tpu.memory_space<vmem>>, vector<32xbf16>,
              %add3A_871 = arith.addi %mul3A_824, %scan3A_837 : i32
              %get3A_872 = arith.index_cast %add3A_871 : i32 to index
              %get3A_873 = arith.constant 0 : index
              %get3A_874 = tpu.vector_load %arg14[%get3A_872, %get3A_873] {strides = array<i32>} : memref<512x64xi32, #tpu.memory_space<vmem>>, vector<16xi32>,
              %bitcast3A = vector.bitcast %get3A_874 : vector<16xi32> to vector<32xbf16>
              %add3A_875 = arith.addi %mul3A_824, %scan3A_837 : i32
              %get3A_876 = arith.index_cast %add3A_875 : i32 to index
              %get3A_877 = arith.constant 16 : index
              %get3A_878 = tpu.vector_load %arg14[%get3A_876, %get3A_877] {strides = array<i32>} : memref<512x64xi32, #tpu.memory_space<vmem>>, vector<16xi32>,
              %bitcast3A_879 = vector.bitcast %get3A_878 : vector<16xi32> to vector<32xbf16>
              %add3A_880 = arith.addi %mul3A_824, %scan3A_837 : i32
              %get3A_881 = arith.index_cast %add3A_880 : i32 to index
              %get3A_882 = arith.constant 32 : index
              %get3A_883 = tpu.vector_load %arg14[%get3A_881, %get3A_882] {strides = array<i32>} : memref<512x64xi32, #tpu.memory_space<vmem>>, vector<16xi32>,
              %bitcast3A_884 = vector.bitcast %get3A_883 : vector<16xi32> to vector<32xbf16>
              %add3A_885 = arith.addi %mul3A_824, %scan3A_837 : i32
              %get3A_886 = arith.index_cast %add3A_885 : i32 to index
              %get3A_887 = arith.constant 48 : index
              %get3A_888 = tpu.vector_load %arg14[%get3A_886, %get3A_887] {strides = array<i32>} : memref<512x64xi32, #tpu.memory_space<vmem>>, vector<16xi32>,
              %bitcast3A_889 = vector.bitcast %get3A_888 : vector<16xi32> to vector<32xbf16>
              %mul3A_890 = arith.mulf %bitcast3A, %pack3A : vector<32xbf16>
              %max3A = arith.maximumf %get3A_858, %mul3A_890 : vector<32xbf16>
              %add3A_891 = arith.constant 0 : i32
              %add3A_892 = arith.addi %scan3A_838, %add3A_891 : i32
              %swap3A_893 = arith.index_cast %add3A_892 : i32 to index
              %swap3A_894 = tpu.vector_load %arg7[%swap3A_893] {strides = array<i32>} : memref<81920xbf16, #tpu.memory_space<vmem>>, vector<32xbf16>,
              tpu.vector_store %arg7[%swap3A_893], %max3A {strides = array<i32>} : memref<81920xbf16, #tpu.memory_space<vmem>>, vector<32xbf16>,
              %mul3A_895 = arith.mulf %bitcast3A_879, %pack3A : vector<32xbf16>
              %max3A_896 = arith.maximumf %get3A_862, %mul3A_895 : vector<32xbf16>
              %add3A_897 = arith.constant 32 : i32
              %add3A_898 = arith.addi %scan3A_838, %add3A_897 : i32
              %swap3A_899 = arith.index_cast %add3A_898 : i32 to index
              %swap3A_900 = tpu.vector_load %arg7[%swap3A_899] {strides = array<i32>} : memref<81920xbf16, #tpu.memory_space<vmem>>, vector<32xbf16>,
              tpu.vector_store %arg7[%swap3A_899], %max3A_896 {strides = array<i32>} : memref<81920xbf16, #tpu.memory_space<vmem>>, vector<32xbf16>,
              %mul3A_901 = arith.mulf %bitcast3A_884, %pack3A : vector<32xbf16>
              %max3A_902 = arith.maximumf %get3A_866, %mul3A_901 : vector<32xbf16>
              %add3A_903 = arith.constant 64 : i32
              %add3A_904 = arith.addi %scan3A_838, %add3A_903 : i32
              %swap3A_905 = arith.index_cast %add3A_904 : i32 to index
              %swap3A_906 = tpu.vector_load %arg7[%swap3A_905] {strides = array<i32>} : memref<81920xbf16, #tpu.memory_space<vmem>>, vector<32xbf16>,
              tpu.vector_store %arg7[%swap3A_905], %max3A_902 {strides = array<i32>} : memref<81920xbf16, #tpu.memory_space<vmem>>, vector<32xbf16>,
              %mul3A_907 = arith.mulf %bitcast3A_889, %pack3A : vector<32xbf16>
              %max3A_908 = arith.maximumf %get3A_870, %mul3A_907 : vector<32xbf16>
              %add3A_909 = arith.constant 96 : i32
              %add3A_910 = arith.addi %scan3A_838, %add3A_909 : i32
              %swap3A_911 = arith.index_cast %add3A_910 : i32 to index
              %swap3A_912 = tpu.vector_load %arg7[%swap3A_911] {strides = array<i32>} : memref<81920xbf16, #tpu.memory_space<vmem>>, vector<32xbf16>,
              tpu.vector_store %arg7[%swap3A_911], %max3A_908 {strides = array<i32>} : memref<81920xbf16, #tpu.memory_space<vmem>>, vector<32xbf16>,
              scf.yield %mul3A_847 : i32
            }
            %scan3A_836 = arith.constant 128 : i32
          } else {
          }
          %mul3A_779 = arith.constant 144 : i32
          %mul3A_780 = arith.muli %add3A_771, %mul3A_779 : i32
          %mul3A_781 = arith.constant 128 : i32
          %mul3A_782 = arith.muli %add3A_771, %mul3A_781 : i32
          %dma_start3A_783 = arith.constant 0 : i32
          %dma_start3A_784 = tpu.memref_slice %arg14[%mul3A_782, %dma_start3A_783] : memref<512x64xi32, #tpu.memory_space<vmem>> -> memref<128x64xi32, #tpu.memory_space<vmem>>
          %dma_start3A_785 = tpu.memref_slice %arg11[%mul3A_780] : memref<576xi32, #tpu.memory_space<vmem>> -> memref<128xi32, #tpu.memory_space<vmem>>
          %dma_start3A_786 = arith.constant 0 : i32
          %dma_start3A_787 = arith.constant 0 : i32
          %dma_start3A_788 = tpu.memref_slice %arg2[%dma_start3A_786, %dma_start3A_787] : memref<10000x64xi32, #tpu.memory_space<hbm>> -> memref<10000x64xi32, #tpu.memory_space<hbm>>
          tpu.enqueue_indirect_dma source(%dma_start3A_788 : memref<10000x64xi32, #tpu.memory_space<hbm>>) target(%dma_start3A_784 : memref<128x64xi32, #tpu.memory_space<vmem>>) offsets(%dma_start3A_785 : memref<128xi32, #tpu.memory_space<vmem>>) semaphore(%arg16 : memref<!tpu.dma_semaphore, #tpu.memory_space<semaphore_mem>>)
          %mul3A_789 = arith.constant 144 : i32
          %mul3A_790 = arith.muli %sub3A_773, %mul3A_789 : i32
          %mul3A_791 = arith.constant 144 : i32
          %mul3A_792 = arith.muli %add3A_771, %mul3A_791 : i32
          %add3A_793 = arith.constant 128 : i32
          %add3A_794 = arith.addi %mul3A_792, %add3A_793 : i32
          %get3A_795 = arith.index_cast %add3A_794 : i32 to index
          %get3A_796 = tpu.vector_load %arg11[%get3A_795] {strides = array<i32>} : memref<576xi32, #tpu.memory_space<vmem>>, vector<16xi32>,
          %swap3A_797 = arith.index_cast %mul3A_790 : i32 to index
          %swap3A_798 = tpu.vector_load %arg11[%swap3A_797] {strides = array<i32>} : memref<576xi32, #tpu.memory_space<vmem>>, vector<16xi32>,
          tpu.vector_store %arg11[%swap3A_797], %get3A_796 {strides = array<i32>} : memref<576xi32, #tpu.memory_space<vmem>>, vector<16xi32>,
          %add3A_799 = arith.constant 128 : i32
          %add3A_800 = arith.addi %mul3A_792, %add3A_799 : i32
          %get3A_801 = arith.index_cast %add3A_800 : i32 to index
          %get3A_802 = tpu.vector_load %arg12[%get3A_801] {strides = array<i32>} : memref<576xi32, #tpu.memory_space<vmem>>, vector<16xi32>,
          %swap3A_803 = arith.index_cast %mul3A_790 : i32 to index
          %swap3A_804 = tpu.vector_load %arg12[%swap3A_803] {strides = array<i32>} : memref<576xi32, #tpu.memory_space<vmem>>, vector<16xi32>,
          tpu.vector_store %arg12[%swap3A_803], %get3A_802 {strides = array<i32>} : memref<576xi32, #tpu.memory_space<vmem>>, vector<16xi32>,
          %add3A_805 = arith.constant 128 : i32
          %add3A_806 = arith.addi %mul3A_792, %add3A_805 : i32
          %get3A_807 = arith.index_cast %add3A_806 : i32 to index
          %get3A_808 = tpu.vector_load %arg13[%get3A_807] {strides = array<i32>} : memref<576xf32, #tpu.memory_space<vmem>>, vector<16xf32>,
          %swap3A_809 = arith.index_cast %mul3A_790 : i32 to index
          %swap3A_810 = tpu.vector_load %arg13[%swap3A_809] {strides = array<i32>} : memref<576xf32, #tpu.memory_space<vmem>>, vector<16xf32>,
          tpu.vector_store %arg13[%swap3A_809], %get3A_808 {strides = array<i32>} : memref<576xf32, #tpu.memory_space<vmem>>, vector<16xf32>,
        } else {
        }
        %sub3A_659 = arith.constant 128 : i32
        %sub3A_660 = arith.subi %add3A_653, %sub3A_659 : i32
        %select_n3A_661 = arith.select %ge3A_655, %sub3A_660, %add3A_653 : i32
        %sub3A_662 = arith.constant 1 : i32
        %sub3A_663 = arith.subi %sub3A_662, %scan3A_645 : i32
        %select_n3A_664 = arith.select %ge3A_655, %sub3A_663, %scan3A_645 : i32
        %jit3A_665 = arith.constant 1 : i32
        %select_n3A_666 = arith.select %ge3A_655, %jit3A_665, %scan3A_646 : i32
        %add3A_667 = arith.constant 0 : i32
        %add3A_668 = arith.addi %add3A_667, %select_n3A_664 : i32
        %mul3A_669 = arith.constant 144 : i32
        %mul3A_670 = arith.muli %add3A_668, %mul3A_669 : i32
        %mul3A_671 = arith.constant 16 : i32
        %mul3A_672 = arith.muli %mul3A_652, %mul3A_671 : i32
        %add3A_673 = arith.constant 0 : i32
        %add3A_674 = arith.addi %add3A_673, %mul3A_672 : i32
        %get3A_675 = arith.index_cast %add3A_674 : i32 to index
        %get3A_676 = tpu.vector_load %arg8[%get3A_675] {strides = array<i32>} : memref<8000xi32, #tpu.memory_space<vmem>>, vector<16xi32>,
        %mul3A_677 = arith.constant 16 : i32
        %mul3A_678 = arith.muli %mul3A_652, %mul3A_677 : i32
        %add3A_679 = arith.constant 0 : i32
        %add3A_680 = arith.addi %add3A_679, %mul3A_678 : i32
        %get3A_681 = arith.index_cast %add3A_680 : i32 to index
        %get3A_682 = tpu.vector_load %arg9[%get3A_681] {strides = array<i32>} : memref<8000xi32, #tpu.memory_space<vmem>>, vector<16xi32>,
        %mul3A_683 = arith.constant 16 : i32
        %mul3A_684 = arith.muli %mul3A_652, %mul3A_683 : i32
        %add3A_685 = arith.constant 0 : i32
        %add3A_686 = arith.addi %add3A_685, %mul3A_684 : i32
        %get3A_687 = arith.index_cast %add3A_686 : i32 to index
        %get3A_688 = tpu.vector_load %arg10[%get3A_687] {strides = array<i32>} : memref<8000xf32, #tpu.memory_space<vmem>>, vector<16xf32>,
        %ge3A_689 = vector.broadcast %mul3A_32 : i32 to vector<16xi32>
        %ge3A_690 = arith.cmpi sge, %get3A_676, %ge3A_689 : vector<16xi32>
        %add3A_691 = arith.constant 640 : i32
        %add3A_692 = arith.addi %mul3A_32, %add3A_691 : i32
        %lt3A_693 = vector.broadcast %add3A_692 : i32 to vector<16xi32>
        %lt3A_694 = arith.cmpi slt, %get3A_676, %lt3A_693 : vector<16xi32>
        %and3A_695 = arith.andi %ge3A_690, %lt3A_694 : vector<16xi1>
        %add3A_696 = arith.addi %mul3A_670, %select_n3A_661 : i32
        %swap3A_697 = arith.index_cast %add3A_696 : i32 to index
        %swap3A_698 = tpu.vector_load %arg11[%swap3A_697] masked %and3A_695 {strides = array<i32>} : memref<576xi32, #tpu.memory_space<vmem>>, vector<16xi32>, vector<16xi1>
        tpu.vector_store %arg11[%swap3A_697], %get3A_682 masked %and3A_695 {strides = array<i32>} : memref<576xi32, #tpu.memory_space<vmem>>, vector<16xi32>, vector<16xi1>
        %add3A_699 = arith.addi %mul3A_670, %select_n3A_661 : i32
        %sub3A_700 = vector.broadcast %mul3A_32 : i32 to vector<16xi32>
        %sub3A_701 = arith.subi %get3A_676, %sub3A_700 : vector<16xi32>
        %swap3A_702 = arith.index_cast %add3A_699 : i32 to index
        %swap3A_703 = tpu.vector_load %arg12[%swap3A_702] masked %and3A_695 {strides = array<i32>} : memref<576xi32, #tpu.memory_space<vmem>>, vector<16xi32>, vector<16xi1>
        tpu.vector_store %arg12[%swap3A_702], %sub3A_701 masked %and3A_695 {strides = array<i32>} : memref<576xi32, #tpu.memory_space<vmem>>, vector<16xi32>, vector<16xi1>
        %add3A_704 = arith.addi %mul3A_670, %select_n3A_661 : i32
        %swap3A_705 = arith.index_cast %add3A_704 : i32 to index
        %swap3A_706 = tpu.vector_load %arg13[%swap3A_705] masked %and3A_695 {strides = array<i32>} : memref<576xf32, #tpu.memory_space<vmem>>, vector<16xf32>, vector<16xi1>
        tpu.vector_store %arg13[%swap3A_705], %get3A_688 masked %and3A_695 {strides = array<i32>} : memref<576xf32, #tpu.memory_space<vmem>>, vector<16xf32>, vector<16xi1>
        %all_reduce_population_count3A = tpu.all_reduce %and3A_695 {dim = 0 : i64, kind = #tpu.reduction_kind<sum>} : vector<16xi1> -> vector<16xi32>
        %slice3A_707 = vector.extract_strided_slice %all_reduce_population_count3A {offsets = [0], sizes = [1], strides = [1]} : vector<16xi32> to vector<1xi32>
        %squeeze3A_708 = vector.extract %slice3A_707[0] : i32 from vector<1xi32>
        %mul3A_709 = arith.constant 2 : i32
        %mul3A_710 = arith.muli %mul3A_709, %scan3A_642 : i32
        %add3A_711 = arith.constant 1 : i32
        %add3A_712 = arith.addi %mul3A_710, %add3A_711 : i32
        %add3A_713 = arith.addi %scan3A_647, %scan3A_648 : i32
        %ge3A_714 = arith.constant 128 : i32
        %ge3A_715 = arith.cmpi sge, %add3A_713, %ge3A_714 : i32
        %convert_element_type3A_716 = arith.extui %ge3A_715 : i1 to i32
        %cond3A_717 = arith.constant 0 : i32
        %cond3A_718 = arith.cmpi ne, %convert_element_type3A_716, %cond3A_717 : i32
        scf.if %cond3A_718 {
          %add3A_770 = arith.constant 2 : i32
          %add3A_771 = arith.addi %add3A_770, %scan3A_649 : i32
          %sub3A_772 = arith.constant 3 : i32
          %sub3A_773 = arith.subi %sub3A_772, %scan3A_649 : i32
          %eq3A_774 = arith.constant 1 : i32
          %eq3A_775 = arith.cmpi eq, %scan3A_650, %eq3A_774 : i32
          %convert_element_type3A_776 = arith.extui %eq3A_775 : i1 to i32
          %cond3A_777 = arith.constant 0 : i32
          %cond3A_778 = arith.cmpi ne, %convert_element_type3A_776, %cond3A_777 : i32
          scf.if %cond3A_778 {
            %mul3A_811 = arith.constant 144 : i32
            %mul3A_812 = arith.muli %sub3A_773, %mul3A_811 : i32
            %mul3A_813 = arith.constant 128 : i32
            %mul3A_814 = arith.muli %sub3A_773, %mul3A_813 : i32
            %dma_wait3A_815 = arith.constant 0 : i32
            %dma_wait3A_816 = tpu.memref_slice %arg14[%mul3A_814, %dma_wait3A_815] : memref<512x64xi32, #tpu.memory_space<vmem>> -> memref<128x64xi32, #tpu.memory_space<vmem>>
            %dma_wait3A_817 = tpu.memref_slice %arg11[%mul3A_812] : memref<576xi32, #tpu.memory_space<vmem>> -> memref<128xi32, #tpu.memory_space<vmem>>
            %dma_wait3A_818 = arith.constant 0 : i32
            %dma_wait3A_819 = arith.constant 0 : i32
            %dma_wait3A_820 = tpu.memref_slice %arg2[%dma_wait3A_818, %dma_wait3A_819] : memref<10000x64xi32, #tpu.memory_space<hbm>> -> memref<10000x64xi32, #tpu.memory_space<hbm>>
            tpu.wait_indirect_dma semaphore(%arg17 : memref<!tpu.dma_semaphore, #tpu.memory_space<semaphore_mem>>) src(%dma_wait3A_820 : memref<10000x64xi32, #tpu.memory_space<hbm>>) dst(%dma_wait3A_816 : memref<128x64xi32, #tpu.memory_space<vmem>>)
            %mul3A_821 = arith.constant 144 : i32
            %mul3A_822 = arith.muli %sub3A_773, %mul3A_821 : i32
            %mul3A_823 = arith.constant 128 : i32
            %mul3A_824 = arith.muli %sub3A_773, %mul3A_823 : i32
            %get3A_825 = arith.index_cast %mul3A_822 : i32 to index
            %get3A_826 = tpu.vector_load %arg12[%get3A_825] {strides = array<i32>} : memref<576xi32, #tpu.memory_space<vmem>>, vector<16xi32>,
            %slice3A_827 = vector.extract_strided_slice %get3A_826 {offsets = [0], sizes = [1], strides = [1]} : vector<16xi32> to vector<1xi32>
            %squeeze3A_828 = vector.extract %slice3A_827[0] : i32 from vector<1xi32>
            %mul3A_829 = arith.constant 128 : i32
            %mul3A_830 = arith.muli %squeeze3A_828, %mul3A_829 : i32
            %scan3A_831 = arith.constant 0 : i32
            %scan3A_832 = arith.constant 128 : i32
            %scan3A_833 = arith.addi %scan3A_831, %scan3A_832 : i32
            %scan3A_834 = arith.constant 1 : i32
            %scan3A_835 = scf.for %scan3A_837 = %scan3A_831 to %scan3A_833 step %scan3A_834 iter_args(%scan3A_838 = %mul3A_830) -> (i32)  : i32 {
              %add3A_839 = arith.addi %mul3A_822, %scan3A_837 : i32
              %add3A_840 = arith.constant 1 : i32
              %add3A_841 = arith.addi %add3A_839, %add3A_840 : i32
              %get3A_842 = arith.index_cast %add3A_841 : i32 to index
              %get3A_843 = tpu.vector_load %arg12[%get3A_842] {strides = array<i32>} : memref<576xi32, #tpu.memory_space<vmem>>, vector<16xi32>,
              %slice3A_844 = vector.extract_strided_slice %get3A_843 {offsets = [0], sizes = [1], strides = [1]} : vector<16xi32> to vector<1xi32>
              %squeeze3A_845 = vector.extract %slice3A_844[0] : i32 from vector<1xi32>
              %mul3A_846 = arith.constant 128 : i32
              %mul3A_847 = arith.muli %squeeze3A_845, %mul3A_846 : i32
              %add3A_848 = arith.addi %mul3A_822, %scan3A_837 : i32
              %get3A_849 = arith.index_cast %add3A_848 : i32 to index
              %get3A_850 = tpu.vector_load %arg13[%get3A_849] {strides = array<i32>} : memref<576xf32, #tpu.memory_space<vmem>>, vector<16xf32>,
              %slice3A_851 = vector.extract_strided_slice %get3A_850 {offsets = [0], sizes = [1], strides = [1]} : vector<16xf32> to vector<1xf32>
              %squeeze3A_852 = vector.extract %slice3A_851[0] : f32 from vector<1xf32>
              %broadcast_in_dim3A_853 = vector.broadcast %squeeze3A_852 : f32 to vector<16xf32>
              %broadcast_in_dim3A_854 = vector.broadcast %squeeze3A_852 : f32 to vector<16xf32>
              %pack3A = tpu.pack_subelements %broadcast_in_dim3A_853, %broadcast_in_dim3A_854 {pack_format = #tpu.pack_format<interleaved>, positions = array<i32: 0, 1>} : vector<16xf32>, vector<16xf32> -> vector<32xbf16>
              %add3A_855 = arith.constant 0 : i32
              %add3A_856 = arith.addi %scan3A_838, %add3A_855 : i32
              %get3A_857 = arith.index_cast %add3A_856 : i32 to index
              %get3A_858 = tpu.vector_load %arg7[%get3A_857] {strides = array<i32>} : memref<81920xbf16, #tpu.memory_space<vmem>>, vector<32xbf16>,
              %add3A_859 = arith.constant 32 : i32
              %add3A_860 = arith.addi %scan3A_838, %add3A_859 : i32
              %get3A_861 = arith.index_cast %add3A_860 : i32 to index
              %get3A_862 = tpu.vector_load %arg7[%get3A_861] {strides = array<i32>} : memref<81920xbf16, #tpu.memory_space<vmem>>, vector<32xbf16>,
              %add3A_863 = arith.constant 64 : i32
              %add3A_864 = arith.addi %scan3A_838, %add3A_863 : i32
              %get3A_865 = arith.index_cast %add3A_864 : i32 to index
              %get3A_866 = tpu.vector_load %arg7[%get3A_865] {strides = array<i32>} : memref<81920xbf16, #tpu.memory_space<vmem>>, vector<32xbf16>,
              %add3A_867 = arith.constant 96 : i32
              %add3A_868 = arith.addi %scan3A_838, %add3A_867 : i32
              %get3A_869 = arith.index_cast %add3A_868 : i32 to index
              %get3A_870 = tpu.vector_load %arg7[%get3A_869] {strides = array<i32>} : memref<81920xbf16, #tpu.memory_space<vmem>>, vector<32xbf16>,
              %add3A_871 = arith.addi %mul3A_824, %scan3A_837 : i32
              %get3A_872 = arith.index_cast %add3A_871 : i32 to index
              %get3A_873 = arith.constant 0 : index
              %get3A_874 = tpu.vector_load %arg14[%get3A_872, %get3A_873] {strides = array<i32>} : memref<512x64xi32, #tpu.memory_space<vmem>>, vector<16xi32>,
              %bitcast3A = vector.bitcast %get3A_874 : vector<16xi32> to vector<32xbf16>
              %add3A_875 = arith.addi %mul3A_824, %scan3A_837 : i32
              %get3A_876 = arith.index_cast %add3A_875 : i32 to index
              %get3A_877 = arith.constant 16 : index
              %get3A_878 = tpu.vector_load %arg14[%get3A_876, %get3A_877] {strides = array<i32>} : memref<512x64xi32, #tpu.memory_space<vmem>>, vector<16xi32>,
              %bitcast3A_879 = vector.bitcast %get3A_878 : vector<16xi32> to vector<32xbf16>
              %add3A_880 = arith.addi %mul3A_824, %scan3A_837 : i32
              %get3A_881 = arith.index_cast %add3A_880 : i32 to index
              %get3A_882 = arith.constant 32 : index
              %get3A_883 = tpu.vector_load %arg14[%get3A_881, %get3A_882] {strides = array<i32>} : memref<512x64xi32, #tpu.memory_space<vmem>>, vector<16xi32>,
              %bitcast3A_884 = vector.bitcast %get3A_883 : vector<16xi32> to vector<32xbf16>
              %add3A_885 = arith.addi %mul3A_824, %scan3A_837 : i32
              %get3A_886 = arith.index_cast %add3A_885 : i32 to index
              %get3A_887 = arith.constant 48 : index
              %get3A_888 = tpu.vector_load %arg14[%get3A_886, %get3A_887] {strides = array<i32>} : memref<512x64xi32, #tpu.memory_space<vmem>>, vector<16xi32>,
              %bitcast3A_889 = vector.bitcast %get3A_888 : vector<16xi32> to vector<32xbf16>
              %mul3A_890 = arith.mulf %bitcast3A, %pack3A : vector<32xbf16>
              %max3A = arith.maximumf %get3A_858, %mul3A_890 : vector<32xbf16>
              %add3A_891 = arith.constant 0 : i32
              %add3A_892 = arith.addi %scan3A_838, %add3A_891 : i32
              %swap3A_893 = arith.index_cast %add3A_892 : i32 to index
              %swap3A_894 = tpu.vector_load %arg7[%swap3A_893] {strides = array<i32>} : memref<81920xbf16, #tpu.memory_space<vmem>>, vector<32xbf16>,
              tpu.vector_store %arg7[%swap3A_893], %max3A {strides = array<i32>} : memref<81920xbf16, #tpu.memory_space<vmem>>, vector<32xbf16>,
              %mul3A_895 = arith.mulf %bitcast3A_879, %pack3A : vector<32xbf16>
              %max3A_896 = arith.maximumf %get3A_862, %mul3A_895 : vector<32xbf16>
              %add3A_897 = arith.constant 32 : i32
              %add3A_898 = arith.addi %scan3A_838, %add3A_897 : i32
              %swap3A_899 = arith.index_cast %add3A_898 : i32 to index
              %swap3A_900 = tpu.vector_load %arg7[%swap3A_899] {strides = array<i32>} : memref<81920xbf16, #tpu.memory_space<vmem>>, vector<32xbf16>,
              tpu.vector_store %arg7[%swap3A_899], %max3A_896 {strides = array<i32>} : memref<81920xbf16, #tpu.memory_space<vmem>>, vector<32xbf16>,
              %mul3A_901 = arith.mulf %bitcast3A_884, %pack3A : vector<32xbf16>
              %max3A_902 = arith.maximumf %get3A_866, %mul3A_901 : vector<32xbf16>
              %add3A_903 = arith.constant 64 : i32
              %add3A_904 = arith.addi %scan3A_838, %add3A_903 : i32
              %swap3A_905 = arith.index_cast %add3A_904 : i32 to index
              %swap3A_906 = tpu.vector_load %arg7[%swap3A_905] {strides = array<i32>} : memref<81920xbf16, #tpu.memory_space<vmem>>, vector<32xbf16>,
              tpu.vector_store %arg7[%swap3A_905], %max3A_902 {strides = array<i32>} : memref<81920xbf16, #tpu.memory_space<vmem>>, vector<32xbf16>,
              %mul3A_907 = arith.mulf %bitcast3A_889, %pack3A : vector<32xbf16>
              %max3A_908 = arith.maximumf %get3A_870, %mul3A_907 : vector<32xbf16>
              %add3A_909 = arith.constant 96 : i32
              %add3A_910 = arith.addi %scan3A_838, %add3A_909 : i32
              %swap3A_911 = arith.index_cast %add3A_910 : i32 to index
              %swap3A_912 = tpu.vector_load %arg7[%swap3A_911] {strides = array<i32>} : memref<81920xbf16, #tpu.memory_space<vmem>>, vector<32xbf16>,
              tpu.vector_store %arg7[%swap3A_911], %max3A_908 {strides = array<i32>} : memref<81920xbf16, #tpu.memory_space<vmem>>, vector<32xbf16>,
              scf.yield %mul3A_847 : i32
            }
            %scan3A_836 = arith.constant 128 : i32
          } else {
          }
          %mul3A_779 = arith.constant 144 : i32
          %mul3A_780 = arith.muli %add3A_771, %mul3A_779 : i32
          %mul3A_781 = arith.constant 128 : i32
          %mul3A_782 = arith.muli %add3A_771, %mul3A_781 : i32
          %dma_start3A_783 = arith.constant 0 : i32
          %dma_start3A_784 = tpu.memref_slice %arg14[%mul3A_782, %dma_start3A_783] : memref<512x64xi32, #tpu.memory_space<vmem>> -> memref<128x64xi32, #tpu.memory_space<vmem>>
          %dma_start3A_785 = tpu.memref_slice %arg11[%mul3A_780] : memref<576xi32, #tpu.memory_space<vmem>> -> memref<128xi32, #tpu.memory_space<vmem>>
          %dma_start3A_786 = arith.constant 0 : i32
          %dma_start3A_787 = arith.constant 0 : i32
          %dma_start3A_788 = tpu.memref_slice %arg2[%dma_start3A_786, %dma_start3A_787] : memref<10000x64xi32, #tpu.memory_space<hbm>> -> memref<10000x64xi32, #tpu.memory_space<hbm>>
          tpu.enqueue_indirect_dma source(%dma_start3A_788 : memref<10000x64xi32, #tpu.memory_space<hbm>>) target(%dma_start3A_784 : memref<128x64xi32, #tpu.memory_space<vmem>>) offsets(%dma_start3A_785 : memref<128xi32, #tpu.memory_space<vmem>>) semaphore(%arg17 : memref<!tpu.dma_semaphore, #tpu.memory_space<semaphore_mem>>)
          %mul3A_789 = arith.constant 144 : i32
          %mul3A_790 = arith.muli %sub3A_773, %mul3A_789 : i32
          %mul3A_791 = arith.constant 144 : i32
          %mul3A_792 = arith.muli %add3A_771, %mul3A_791 : i32
          %add3A_793 = arith.constant 128 : i32
          %add3A_794 = arith.addi %mul3A_792, %add3A_793 : i32
          %get3A_795 = arith.index_cast %add3A_794 : i32 to index
          %get3A_796 = tpu.vector_load %arg11[%get3A_795] {strides = array<i32>} : memref<576xi32, #tpu.memory_space<vmem>>, vector<16xi32>,
          %swap3A_797 = arith.index_cast %mul3A_790 : i32 to index
          %swap3A_798 = tpu.vector_load %arg11[%swap3A_797] {strides = array<i32>} : memref<576xi32, #tpu.memory_space<vmem>>, vector<16xi32>,
          tpu.vector_store %arg11[%swap3A_797], %get3A_796 {strides = array<i32>} : memref<576xi32, #tpu.memory_space<vmem>>, vector<16xi32>,
          %add3A_799 = arith.constant 128 : i32
          %add3A_800 = arith.addi %mul3A_792, %add3A_799 : i32
          %get3A_801 = arith.index_cast %add3A_800 : i32 to index
          %get3A_802 = tpu.vector_load %arg12[%get3A_801] {strides = array<i32>} : memref<576xi32, #tpu.memory_space<vmem>>, vector<16xi32>,
          %swap3A_803 = arith.index_cast %mul3A_790 : i32 to index
          %swap3A_804 = tpu.vector_load %arg12[%swap3A_803] {strides = array<i32>} : memref<576xi32, #tpu.memory_space<vmem>>, vector<16xi32>,
          tpu.vector_store %arg12[%swap3A_803], %get3A_802 {strides = array<i32>} : memref<576xi32, #tpu.memory_space<vmem>>, vector<16xi32>,
          %add3A_805 = arith.constant 128 : i32
          %add3A_806 = arith.addi %mul3A_792, %add3A_805 : i32
          %get3A_807 = arith.index_cast %add3A_806 : i32 to index
          %get3A_808 = tpu.vector_load %arg13[%get3A_807] {strides = array<i32>} : memref<576xf32, #tpu.memory_space<vmem>>, vector<16xf32>,
          %swap3A_809 = arith.index_cast %mul3A_790 : i32 to index
          %swap3A_810 = tpu.vector_load %arg13[%swap3A_809] {strides = array<i32>} : memref<576xf32, #tpu.memory_space<vmem>>, vector<16xf32>,
          tpu.vector_store %arg13[%swap3A_809], %get3A_808 {strides = array<i32>} : memref<576xf32, #tpu.memory_space<vmem>>, vector<16xf32>,
        } else {
        }
        %sub3A_719 = arith.constant 128 : i32
        %sub3A_720 = arith.subi %add3A_713, %sub3A_719 : i32
        %select_n3A_721 = arith.select %ge3A_715, %sub3A_720, %add3A_713 : i32
        %sub3A_722 = arith.constant 1 : i32
        %sub3A_723 = arith.subi %sub3A_722, %scan3A_649 : i32
        %select_n3A_724 = arith.select %ge3A_715, %sub3A_723, %scan3A_649 : i32
        %jit3A_725 = arith.constant 1 : i32
        %select_n3A_726 = arith.select %ge3A_715, %jit3A_725, %scan3A_650 : i32
        %add3A_727 = arith.constant 2 : i32
        %add3A_728 = arith.addi %add3A_727, %select_n3A_724 : i32
        %mul3A_729 = arith.constant 144 : i32
        %mul3A_730 = arith.muli %add3A_728, %mul3A_729 : i32
        %mul3A_731 = arith.constant 16 : i32
        %mul3A_732 = arith.muli %add3A_712, %mul3A_731 : i32
        %add3A_733 = arith.constant 0 : i32
        %add3A_734 = arith.addi %add3A_733, %mul3A_732 : i32
        %get3A_735 = arith.index_cast %add3A_734 : i32 to index
        %get3A_736 = tpu.vector_load %arg8[%get3A_735] {strides = array<i32>} : memref<8000xi32, #tpu.memory_space<vmem>>, vector<16xi32>,
        %mul3A_737 = arith.constant 16 : i32
        %mul3A_738 = arith.muli %add3A_712, %mul3A_737 : i32
        %add3A_739 = arith.constant 0 : i32
        %add3A_740 = arith.addi %add3A_739, %mul3A_738 : i32
        %get3A_741 = arith.index_cast %add3A_740 : i32 to index
        %get3A_742 = tpu.vector_load %arg9[%get3A_741] {strides = array<i32>} : memref<8000xi32, #tpu.memory_space<vmem>>, vector<16xi32>,
        %mul3A_743 = arith.constant 16 : i32
        %mul3A_744 = arith.muli %add3A_712, %mul3A_743 : i32
        %add3A_745 = arith.constant 0 : i32
        %add3A_746 = arith.addi %add3A_745, %mul3A_744 : i32
        %get3A_747 = arith.index_cast %add3A_746 : i32 to index
        %get3A_748 = tpu.vector_load %arg10[%get3A_747] {strides = array<i32>} : memref<8000xf32, #tpu.memory_space<vmem>>, vector<16xf32>,
        %ge3A_749 = vector.broadcast %mul3A_32 : i32 to vector<16xi32>
        %ge3A_750 = arith.cmpi sge, %get3A_736, %ge3A_749 : vector<16xi32>
        %add3A_751 = arith.constant 640 : i32
        %add3A_752 = arith.addi %mul3A_32, %add3A_751 : i32
        %lt3A_753 = vector.broadcast %add3A_752 : i32 to vector<16xi32>
        %lt3A_754 = arith.cmpi slt, %get3A_736, %lt3A_753 : vector<16xi32>
        %and3A_755 = arith.andi %ge3A_750, %lt3A_754 : vector<16xi1>
        %add3A_756 = arith.addi %mul3A_730, %select_n3A_721 : i32
        %swap3A_757 = arith.index_cast %add3A_756 : i32 to index
        %swap3A_758 = tpu.vector_load %arg11[%swap3A_757] masked %and3A_755 {strides = array<i32>} : memref<576xi32, #tpu.memory_space<vmem>>, vector<16xi32>, vector<16xi1>
        tpu.vector_store %arg11[%swap3A_757], %get3A_742 masked %and3A_755 {strides = array<i32>} : memref<576xi32, #tpu.memory_space<vmem>>, vector<16xi32>, vector<16xi1>
        %add3A_759 = arith.addi %mul3A_730, %select_n3A_721 : i32
        %sub3A_760 = vector.broadcast %mul3A_32 : i32 to vector<16xi32>
        %sub3A_761 = arith.subi %get3A_736, %sub3A_760 : vector<16xi32>
        %swap3A_762 = arith.index_cast %add3A_759 : i32 to index
        %swap3A_763 = tpu.vector_load %arg12[%swap3A_762] masked %and3A_755 {strides = array<i32>} : memref<576xi32, #tpu.memory_space<vmem>>, vector<16xi32>, vector<16xi1>
        tpu.vector_store %arg12[%swap3A_762], %sub3A_761 masked %and3A_755 {strides = array<i32>} : memref<576xi32, #tpu.memory_space<vmem>>, vector<16xi32>, vector<16xi1>
        %add3A_764 = arith.addi %mul3A_730, %select_n3A_721 : i32
        %swap3A_765 = arith.index_cast %add3A_764 : i32 to index
        %swap3A_766 = tpu.vector_load %arg13[%swap3A_765] masked %and3A_755 {strides = array<i32>} : memref<576xf32, #tpu.memory_space<vmem>>, vector<16xf32>, vector<16xi1>
        tpu.vector_store %arg13[%swap3A_765], %get3A_748 masked %and3A_755 {strides = array<i32>} : memref<576xf32, #tpu.memory_space<vmem>>, vector<16xf32>, vector<16xi1>
        %all_reduce_population_count3A_767 = tpu.all_reduce %and3A_755 {dim = 0 : i64, kind = #tpu.reduction_kind<sum>} : vector<16xi1> -> vector<16xi32>
        %slice3A_768 = vector.extract_strided_slice %all_reduce_population_count3A_767 {offsets = [0], sizes = [1], strides = [1]} : vector<16xi32> to vector<1xi32>
        %squeeze3A_769 = vector.extract %slice3A_768[0] : i32 from vector<1xi32>
        scf.yield %select_n3A_661, %squeeze3A_708, %select_n3A_664, %select_n3A_666, %select_n3A_721, %squeeze3A_769, %select_n3A_724, %select_n3A_726 : i32, i32, i32, i32, i32, i32, i32, i32
      }
      %scan3A_585 = arith.constant 125 : i32
      %mul3A_586 = arith.constant 2 : i32
      %mul3A_587 = arith.muli %mul3A_586, %scan3A_522 : i32
      %add3A_588 = arith.constant 2 : i32
      %add3A_589 = arith.addi %mul3A_587, %add3A_588 : i32
      %min3A = arith.constant 39 : i32
      %min3A_590 = arith.minsi %add3A_589, %min3A : i32
      %add3A_591 = arith.addi %mul3A_326, %min3A_590 : i32
      %mul3A_592 = arith.constant 4000 : i32
      %mul3A_593 = arith.muli %add3A_591, %mul3A_592 : i32
      %dma_start3A_594 = arith.constant 0 : i32
      %dma_start3A_595 = tpu.memref_slice %arg8[%dma_start3A_594] : memref<8000xi32, #tpu.memory_space<vmem>> -> memref<4000xi32, #tpu.memory_space<vmem>>
      %dma_start3A_596 = tpu.memref_slice %arg4[%mul3A_593] : memref<320000xi32, #tpu.memory_space<hbm>> -> memref<4000xi32, #tpu.memory_space<hbm>>
      %dma_start3A_597 = arith.constant 0 : i32
      %dma_start3A_598 = tpu.memref_slice %arg8[%dma_start3A_597] : memref<8000xi32, #tpu.memory_space<vmem>> -> memref<4000xi32, #tpu.memory_space<vmem>>
      %dma_start3A_599 = tpu.memref_slice %arg4[%mul3A_593] : memref<320000xi32, #tpu.memory_space<hbm>> -> memref<4000xi32, #tpu.memory_space<hbm>>
      tpu.enqueue_dma source(%dma_start3A_599 : memref<4000xi32, #tpu.memory_space<hbm>>) target(%dma_start3A_598 : memref<4000xi32, #tpu.memory_space<vmem>>) target_semaphore(%arg18 : memref<!tpu.dma_semaphore, #tpu.memory_space<semaphore_mem>>)
      %dma_start3A_600 = arith.constant 0 : i32
      %dma_start3A_601 = tpu.memref_slice %arg9[%dma_start3A_600] : memref<8000xi32, #tpu.memory_space<vmem>> -> memref<4000xi32, #tpu.memory_space<vmem>>
      %dma_start3A_602 = tpu.memref_slice %arg3[%mul3A_593] : memref<320000xi32, #tpu.memory_space<hbm>> -> memref<4000xi32, #tpu.memory_space<hbm>>
      %dma_start3A_603 = arith.constant 0 : i32
      %dma_start3A_604 = tpu.memref_slice %arg9[%dma_start3A_603] : memref<8000xi32, #tpu.memory_space<vmem>> -> memref<4000xi32, #tpu.memory_space<vmem>>
      %dma_start3A_605 = tpu.memref_slice %arg3[%mul3A_593] : memref<320000xi32, #tpu.memory_space<hbm>> -> memref<4000xi32, #tpu.memory_space<hbm>>
      tpu.enqueue_dma source(%dma_start3A_605 : memref<4000xi32, #tpu.memory_space<hbm>>) target(%dma_start3A_604 : memref<4000xi32, #tpu.memory_space<vmem>>) target_semaphore(%arg18 : memref<!tpu.dma_semaphore, #tpu.memory_space<semaphore_mem>>)
      %dma_start3A_606 = arith.constant 0 : i32
      %dma_start3A_607 = tpu.memref_slice %arg10[%dma_start3A_606] : memref<8000xf32, #tpu.memory_space<vmem>> -> memref<4000xf32, #tpu.memory_space<vmem>>
      %dma_start3A_608 = tpu.memref_slice %arg5[%mul3A_593] : memref<320000xf32, #tpu.memory_space<hbm>> -> memref<4000xf32, #tpu.memory_space<hbm>>
      %dma_start3A_609 = arith.constant 0 : i32
      %dma_start3A_610 = tpu.memref_slice %arg10[%dma_start3A_609] : memref<8000xf32, #tpu.memory_space<vmem>> -> memref<4000xf32, #tpu.memory_space<vmem>>
      %dma_start3A_611 = tpu.memref_slice %arg5[%mul3A_593] : memref<320000xf32, #tpu.memory_space<hbm>> -> memref<4000xf32, #tpu.memory_space<hbm>>
      tpu.enqueue_dma source(%dma_start3A_611 : memref<4000xf32, #tpu.memory_space<hbm>>) target(%dma_start3A_610 : memref<4000xf32, #tpu.memory_space<vmem>>) target_semaphore(%arg18 : memref<!tpu.dma_semaphore, #tpu.memory_space<semaphore_mem>>)
      %dma_wait3A_612 = arith.constant 4000 : i32
      %dma_wait3A_613 = tpu.memref_slice %arg8[%dma_wait3A_612] : memref<8000xi32, #tpu.memory_space<vmem>> -> memref<4000xi32, #tpu.memory_space<vmem>>
      %dma_wait3A_614 = arith.constant 0 : i32
      %dma_wait3A_615 = tpu.memref_slice %arg4[%dma_wait3A_614] : memref<320000xi32, #tpu.memory_space<hbm>> -> memref<4000xi32, #tpu.memory_space<hbm>>
      %dma_wait3A_616 = arith.constant 4000 : i32
      %dma_wait3A_617 = tpu.memref_slice %arg8[%dma_wait3A_616] : memref<8000xi32, #tpu.memory_space<vmem>> -> memref<4000xi32, #tpu.memory_space<vmem>>
      %dma_wait3A_618 = arith.constant 0 : i32
      %dma_wait3A_619 = tpu.memref_slice %arg4[%dma_wait3A_618] : memref<320000xi32, #tpu.memory_space<hbm>> -> memref<4000xi32, #tpu.memory_space<hbm>>
      tpu.wait_dma2 semaphore(%arg19 : memref<!tpu.dma_semaphore, #tpu.memory_space<semaphore_mem>>) src(%dma_wait3A_619 : memref<4000xi32, #tpu.memory_space<hbm>>) dst(%dma_wait3A_617 : memref<4000xi32, #tpu.memory_space<vmem>>)
      %dma_wait3A_620 = arith.constant 4000 : i32
      %dma_wait3A_621 = tpu.memref_slice %arg9[%dma_wait3A_620] : memref<8000xi32, #tpu.memory_space<vmem>> -> memref<4000xi32, #tpu.memory_space<vmem>>
      %dma_wait3A_622 = arith.constant 0 : i32
      %dma_wait3A_623 = tpu.memref_slice %arg3[%dma_wait3A_622] : memref<320000xi32, #tpu.memory_space<hbm>> -> memref<4000xi32, #tpu.memory_space<hbm>>
      %dma_wait3A_624 = arith.constant 4000 : i32
      %dma_wait3A_625 = tpu.memref_slice %arg9[%dma_wait3A_624] : memref<8000xi32, #tpu.memory_space<vmem>> -> memref<4000xi32, #tpu.memory_space<vmem>>
      %dma_wait3A_626 = arith.constant 0 : i32
      %dma_wait3A_627 = tpu.memref_slice %arg3[%dma_wait3A_626] : memref<320000xi32, #tpu.memory_space<hbm>> -> memref<4000xi32, #tpu.memory_space<hbm>>
      tpu.wait_dma2 semaphore(%arg19 : memref<!tpu.dma_semaphore, #tpu.memory_space<semaphore_mem>>) src(%dma_wait3A_627 : memref<4000xi32, #tpu.memory_space<hbm>>) dst(%dma_wait3A_625 : memref<4000xi32, #tpu.memory_space<vmem>>)
      %dma_wait3A_628 = arith.constant 4000 : i32
      %dma_wait3A_629 = tpu.memref_slice %arg10[%dma_wait3A_628] : memref<8000xf32, #tpu.memory_space<vmem>> -> memref<4000xf32, #tpu.memory_space<vmem>>
      %dma_wait3A_630 = arith.constant 0 : i32
      %dma_wait3A_631 = tpu.memref_slice %arg5[%dma_wait3A_630] : memref<320000xf32, #tpu.memory_space<hbm>> -> memref<4000xf32, #tpu.memory_space<hbm>>
      %dma_wait3A_632 = arith.constant 4000 : i32
      %dma_wait3A_633 = tpu.memref_slice %arg10[%dma_wait3A_632] : memref<8000xf32, #tpu.memory_space<vmem>> -> memref<4000xf32, #tpu.memory_space<vmem>>
      %dma_wait3A_634 = arith.constant 0 : i32
      %dma_wait3A_635 = tpu.memref_slice %arg5[%dma_wait3A_634] : memref<320000xf32, #tpu.memory_space<hbm>> -> memref<4000xf32, #tpu.memory_space<hbm>>
      tpu.wait_dma2 semaphore(%arg19 : memref<!tpu.dma_semaphore, #tpu.memory_space<semaphore_mem>>) src(%dma_wait3A_635 : memref<4000xf32, #tpu.memory_space<hbm>>) dst(%dma_wait3A_633 : memref<4000xf32, #tpu.memory_space<vmem>>)
      %scan3A_636 = arith.constant 0 : i32
      %scan3A_637 = arith.constant 125 : i32
      %scan3A_638 = arith.addi %scan3A_636, %scan3A_637 : i32
      %scan3A_639 = arith.constant 1 : i32
      %scan3A_640:8 = scf.for %scan3A_642 = %scan3A_636 to %scan3A_638 step %scan3A_639 iter_args(%scan3A_643 = %scan3A_584#0, %scan3A_644 = %scan3A_584#1, %scan3A_645 = %scan3A_584#2, %scan3A_646 = %scan3A_584#3, %scan3A_647 = %scan3A_584#4, %scan3A_648 = %scan3A_584#5, %scan3A_649 = %scan3A_584#6, %scan3A_650 = %scan3A_584#7) -> (i32, i32, i32, i32, i32, i32, i32, i32)  : i32 {
        %mul3A_651 = arith.constant 2 : i32
        %mul3A_652 = arith.muli %mul3A_651, %scan3A_642 : i32
        %add3A_653 = arith.addi %scan3A_643, %scan3A_644 : i32
        %ge3A_654 = arith.constant 128 : i32
        %ge3A_655 = arith.cmpi sge, %add3A_653, %ge3A_654 : i32
        %convert_element_type3A_656 = arith.extui %ge3A_655 : i1 to i32
        %cond3A_657 = arith.constant 0 : i32
        %cond3A_658 = arith.cmpi ne, %convert_element_type3A_656, %cond3A_657 : i32
        scf.if %cond3A_658 {
          %add3A_770 = arith.constant 0 : i32
          %add3A_771 = arith.addi %add3A_770, %scan3A_645 : i32
          %sub3A_772 = arith.constant 1 : i32
          %sub3A_773 = arith.subi %sub3A_772, %scan3A_645 : i32
          %eq3A_774 = arith.constant 1 : i32
          %eq3A_775 = arith.cmpi eq, %scan3A_646, %eq3A_774 : i32
          %convert_element_type3A_776 = arith.extui %eq3A_775 : i1 to i32
          %cond3A_777 = arith.constant 0 : i32
          %cond3A_778 = arith.cmpi ne, %convert_element_type3A_776, %cond3A_777 : i32
          scf.if %cond3A_778 {
            %mul3A_811 = arith.constant 144 : i32
            %mul3A_812 = arith.muli %sub3A_773, %mul3A_811 : i32
            %mul3A_813 = arith.constant 128 : i32
            %mul3A_814 = arith.muli %sub3A_773, %mul3A_813 : i32
            %dma_wait3A_815 = arith.constant 0 : i32
            %dma_wait3A_816 = tpu.memref_slice %arg14[%mul3A_814, %dma_wait3A_815] : memref<512x64xi32, #tpu.memory_space<vmem>> -> memref<128x64xi32, #tpu.memory_space<vmem>>
            %dma_wait3A_817 = tpu.memref_slice %arg11[%mul3A_812] : memref<576xi32, #tpu.memory_space<vmem>> -> memref<128xi32, #tpu.memory_space<vmem>>
            %dma_wait3A_818 = arith.constant 0 : i32
            %dma_wait3A_819 = arith.constant 0 : i32
            %dma_wait3A_820 = tpu.memref_slice %arg2[%dma_wait3A_818, %dma_wait3A_819] : memref<10000x64xi32, #tpu.memory_space<hbm>> -> memref<10000x64xi32, #tpu.memory_space<hbm>>
            tpu.wait_indirect_dma semaphore(%arg16 : memref<!tpu.dma_semaphore, #tpu.memory_space<semaphore_mem>>) src(%dma_wait3A_820 : memref<10000x64xi32, #tpu.memory_space<hbm>>) dst(%dma_wait3A_816 : memref<128x64xi32, #tpu.memory_space<vmem>>)
            %mul3A_821 = arith.constant 144 : i32
            %mul3A_822 = arith.muli %sub3A_773, %mul3A_821 : i32
            %mul3A_823 = arith.constant 128 : i32
            %mul3A_824 = arith.muli %sub3A_773, %mul3A_823 : i32
            %get3A_825 = arith.index_cast %mul3A_822 : i32 to index
            %get3A_826 = tpu.vector_load %arg12[%get3A_825] {strides = array<i32>} : memref<576xi32, #tpu.memory_space<vmem>>, vector<16xi32>,
            %slice3A_827 = vector.extract_strided_slice %get3A_826 {offsets = [0], sizes = [1], strides = [1]} : vector<16xi32> to vector<1xi32>
            %squeeze3A_828 = vector.extract %slice3A_827[0] : i32 from vector<1xi32>
            %mul3A_829 = arith.constant 128 : i32
            %mul3A_830 = arith.muli %squeeze3A_828, %mul3A_829 : i32
            %scan3A_831 = arith.constant 0 : i32
            %scan3A_832 = arith.constant 128 : i32
            %scan3A_833 = arith.addi %scan3A_831, %scan3A_832 : i32
            %scan3A_834 = arith.constant 1 : i32
            %scan3A_835 = scf.for %scan3A_837 = %scan3A_831 to %scan3A_833 step %scan3A_834 iter_args(%scan3A_838 = %mul3A_830) -> (i32)  : i32 {
              %add3A_839 = arith.addi %mul3A_822, %scan3A_837 : i32
              %add3A_840 = arith.constant 1 : i32
              %add3A_841 = arith.addi %add3A_839, %add3A_840 : i32
              %get3A_842 = arith.index_cast %add3A_841 : i32 to index
              %get3A_843 = tpu.vector_load %arg12[%get3A_842] {strides = array<i32>} : memref<576xi32, #tpu.memory_space<vmem>>, vector<16xi32>,
              %slice3A_844 = vector.extract_strided_slice %get3A_843 {offsets = [0], sizes = [1], strides = [1]} : vector<16xi32> to vector<1xi32>
              %squeeze3A_845 = vector.extract %slice3A_844[0] : i32 from vector<1xi32>
              %mul3A_846 = arith.constant 128 : i32
              %mul3A_847 = arith.muli %squeeze3A_845, %mul3A_846 : i32
              %add3A_848 = arith.addi %mul3A_822, %scan3A_837 : i32
              %get3A_849 = arith.index_cast %add3A_848 : i32 to index
              %get3A_850 = tpu.vector_load %arg13[%get3A_849] {strides = array<i32>} : memref<576xf32, #tpu.memory_space<vmem>>, vector<16xf32>,
              %slice3A_851 = vector.extract_strided_slice %get3A_850 {offsets = [0], sizes = [1], strides = [1]} : vector<16xf32> to vector<1xf32>
              %squeeze3A_852 = vector.extract %slice3A_851[0] : f32 from vector<1xf32>
              %broadcast_in_dim3A_853 = vector.broadcast %squeeze3A_852 : f32 to vector<16xf32>
              %broadcast_in_dim3A_854 = vector.broadcast %squeeze3A_852 : f32 to vector<16xf32>
              %pack3A = tpu.pack_subelements %broadcast_in_dim3A_853, %broadcast_in_dim3A_854 {pack_format = #tpu.pack_format<interleaved>, positions = array<i32: 0, 1>} : vector<16xf32>, vector<16xf32> -> vector<32xbf16>
              %add3A_855 = arith.constant 0 : i32
              %add3A_856 = arith.addi %scan3A_838, %add3A_855 : i32
              %get3A_857 = arith.index_cast %add3A_856 : i32 to index
              %get3A_858 = tpu.vector_load %arg7[%get3A_857] {strides = array<i32>} : memref<81920xbf16, #tpu.memory_space<vmem>>, vector<32xbf16>,
              %add3A_859 = arith.constant 32 : i32
              %add3A_860 = arith.addi %scan3A_838, %add3A_859 : i32
              %get3A_861 = arith.index_cast %add3A_860 : i32 to index
              %get3A_862 = tpu.vector_load %arg7[%get3A_861] {strides = array<i32>} : memref<81920xbf16, #tpu.memory_space<vmem>>, vector<32xbf16>,
              %add3A_863 = arith.constant 64 : i32
              %add3A_864 = arith.addi %scan3A_838, %add3A_863 : i32
              %get3A_865 = arith.index_cast %add3A_864 : i32 to index
              %get3A_866 = tpu.vector_load %arg7[%get3A_865] {strides = array<i32>} : memref<81920xbf16, #tpu.memory_space<vmem>>, vector<32xbf16>,
              %add3A_867 = arith.constant 96 : i32
              %add3A_868 = arith.addi %scan3A_838, %add3A_867 : i32
              %get3A_869 = arith.index_cast %add3A_868 : i32 to index
              %get3A_870 = tpu.vector_load %arg7[%get3A_869] {strides = array<i32>} : memref<81920xbf16, #tpu.memory_space<vmem>>, vector<32xbf16>,
              %add3A_871 = arith.addi %mul3A_824, %scan3A_837 : i32
              %get3A_872 = arith.index_cast %add3A_871 : i32 to index
              %get3A_873 = arith.constant 0 : index
              %get3A_874 = tpu.vector_load %arg14[%get3A_872, %get3A_873] {strides = array<i32>} : memref<512x64xi32, #tpu.memory_space<vmem>>, vector<16xi32>,
              %bitcast3A = vector.bitcast %get3A_874 : vector<16xi32> to vector<32xbf16>
              %add3A_875 = arith.addi %mul3A_824, %scan3A_837 : i32
              %get3A_876 = arith.index_cast %add3A_875 : i32 to index
              %get3A_877 = arith.constant 16 : index
              %get3A_878 = tpu.vector_load %arg14[%get3A_876, %get3A_877] {strides = array<i32>} : memref<512x64xi32, #tpu.memory_space<vmem>>, vector<16xi32>,
              %bitcast3A_879 = vector.bitcast %get3A_878 : vector<16xi32> to vector<32xbf16>
              %add3A_880 = arith.addi %mul3A_824, %scan3A_837 : i32
              %get3A_881 = arith.index_cast %add3A_880 : i32 to index
              %get3A_882 = arith.constant 32 : index
              %get3A_883 = tpu.vector_load %arg14[%get3A_881, %get3A_882] {strides = array<i32>} : memref<512x64xi32, #tpu.memory_space<vmem>>, vector<16xi32>,
              %bitcast3A_884 = vector.bitcast %get3A_883 : vector<16xi32> to vector<32xbf16>
              %add3A_885 = arith.addi %mul3A_824, %scan3A_837 : i32
              %get3A_886 = arith.index_cast %add3A_885 : i32 to index
              %get3A_887 = arith.constant 48 : index
              %get3A_888 = tpu.vector_load %arg14[%get3A_886, %get3A_887] {strides = array<i32>} : memref<512x64xi32, #tpu.memory_space<vmem>>, vector<16xi32>,
              %bitcast3A_889 = vector.bitcast %get3A_888 : vector<16xi32> to vector<32xbf16>
              %mul3A_890 = arith.mulf %bitcast3A, %pack3A : vector<32xbf16>
              %max3A = arith.maximumf %get3A_858, %mul3A_890 : vector<32xbf16>
              %add3A_891 = arith.constant 0 : i32
              %add3A_892 = arith.addi %scan3A_838, %add3A_891 : i32
              %swap3A_893 = arith.index_cast %add3A_892 : i32 to index
              %swap3A_894 = tpu.vector_load %arg7[%swap3A_893] {strides = array<i32>} : memref<81920xbf16, #tpu.memory_space<vmem>>, vector<32xbf16>,
              tpu.vector_store %arg7[%swap3A_893], %max3A {strides = array<i32>} : memref<81920xbf16, #tpu.memory_space<vmem>>, vector<32xbf16>,
              %mul3A_895 = arith.mulf %bitcast3A_879, %pack3A : vector<32xbf16>
              %max3A_896 = arith.maximumf %get3A_862, %mul3A_895 : vector<32xbf16>
              %add3A_897 = arith.constant 32 : i32
              %add3A_898 = arith.addi %scan3A_838, %add3A_897 : i32
              %swap3A_899 = arith.index_cast %add3A_898 : i32 to index
              %swap3A_900 = tpu.vector_load %arg7[%swap3A_899] {strides = array<i32>} : memref<81920xbf16, #tpu.memory_space<vmem>>, vector<32xbf16>,
              tpu.vector_store %arg7[%swap3A_899], %max3A_896 {strides = array<i32>} : memref<81920xbf16, #tpu.memory_space<vmem>>, vector<32xbf16>,
              %mul3A_901 = arith.mulf %bitcast3A_884, %pack3A : vector<32xbf16>
              %max3A_902 = arith.maximumf %get3A_866, %mul3A_901 : vector<32xbf16>
              %add3A_903 = arith.constant 64 : i32
              %add3A_904 = arith.addi %scan3A_838, %add3A_903 : i32
              %swap3A_905 = arith.index_cast %add3A_904 : i32 to index
              %swap3A_906 = tpu.vector_load %arg7[%swap3A_905] {strides = array<i32>} : memref<81920xbf16, #tpu.memory_space<vmem>>, vector<32xbf16>,
              tpu.vector_store %arg7[%swap3A_905], %max3A_902 {strides = array<i32>} : memref<81920xbf16, #tpu.memory_space<vmem>>, vector<32xbf16>,
              %mul3A_907 = arith.mulf %bitcast3A_889, %pack3A : vector<32xbf16>
              %max3A_908 = arith.maximumf %get3A_870, %mul3A_907 : vector<32xbf16>
              %add3A_909 = arith.constant 96 : i32
              %add3A_910 = arith.addi %scan3A_838, %add3A_909 : i32
              %swap3A_911 = arith.index_cast %add3A_910 : i32 to index
              %swap3A_912 = tpu.vector_load %arg7[%swap3A_911] {strides = array<i32>} : memref<81920xbf16, #tpu.memory_space<vmem>>, vector<32xbf16>,
              tpu.vector_store %arg7[%swap3A_911], %max3A_908 {strides = array<i32>} : memref<81920xbf16, #tpu.memory_space<vmem>>, vector<32xbf16>,
              scf.yield %mul3A_847 : i32
            }
            %scan3A_836 = arith.constant 128 : i32
          } else {
          }
          %mul3A_779 = arith.constant 144 : i32
          %mul3A_780 = arith.muli %add3A_771, %mul3A_779 : i32
          %mul3A_781 = arith.constant 128 : i32
          %mul3A_782 = arith.muli %add3A_771, %mul3A_781 : i32
          %dma_start3A_783 = arith.constant 0 : i32
          %dma_start3A_784 = tpu.memref_slice %arg14[%mul3A_782, %dma_start3A_783] : memref<512x64xi32, #tpu.memory_space<vmem>> -> memref<128x64xi32, #tpu.memory_space<vmem>>
          %dma_start3A_785 = tpu.memref_slice %arg11[%mul3A_780] : memref<576xi32, #tpu.memory_space<vmem>> -> memref<128xi32, #tpu.memory_space<vmem>>
          %dma_start3A_786 = arith.constant 0 : i32
          %dma_start3A_787 = arith.constant 0 : i32
          %dma_start3A_788 = tpu.memref_slice %arg2[%dma_start3A_786, %dma_start3A_787] : memref<10000x64xi32, #tpu.memory_space<hbm>> -> memref<10000x64xi32, #tpu.memory_space<hbm>>
          tpu.enqueue_indirect_dma source(%dma_start3A_788 : memref<10000x64xi32, #tpu.memory_space<hbm>>) target(%dma_start3A_784 : memref<128x64xi32, #tpu.memory_space<vmem>>) offsets(%dma_start3A_785 : memref<128xi32, #tpu.memory_space<vmem>>) semaphore(%arg16 : memref<!tpu.dma_semaphore, #tpu.memory_space<semaphore_mem>>)
          %mul3A_789 = arith.constant 144 : i32
          %mul3A_790 = arith.muli %sub3A_773, %mul3A_789 : i32
          %mul3A_791 = arith.constant 144 : i32
          %mul3A_792 = arith.muli %add3A_771, %mul3A_791 : i32
          %add3A_793 = arith.constant 128 : i32
          %add3A_794 = arith.addi %mul3A_792, %add3A_793 : i32
          %get3A_795 = arith.index_cast %add3A_794 : i32 to index
          %get3A_796 = tpu.vector_load %arg11[%get3A_795] {strides = array<i32>} : memref<576xi32, #tpu.memory_space<vmem>>, vector<16xi32>,
          %swap3A_797 = arith.index_cast %mul3A_790 : i32 to index
          %swap3A_798 = tpu.vector_load %arg11[%swap3A_797] {strides = array<i32>} : memref<576xi32, #tpu.memory_space<vmem>>, vector<16xi32>,
          tpu.vector_store %arg11[%swap3A_797], %get3A_796 {strides = array<i32>} : memref<576xi32, #tpu.memory_space<vmem>>, vector<16xi32>,
          %add3A_799 = arith.constant 128 : i32
          %add3A_800 = arith.addi %mul3A_792, %add3A_799 : i32
          %get3A_801 = arith.index_cast %add3A_800 : i32 to index
          %get3A_802 = tpu.vector_load %arg12[%get3A_801] {strides = array<i32>} : memref<576xi32, #tpu.memory_space<vmem>>, vector<16xi32>,
          %swap3A_803 = arith.index_cast %mul3A_790 : i32 to index
          %swap3A_804 = tpu.vector_load %arg12[%swap3A_803] {strides = array<i32>} : memref<576xi32, #tpu.memory_space<vmem>>, vector<16xi32>,
          tpu.vector_store %arg12[%swap3A_803], %get3A_802 {strides = array<i32>} : memref<576xi32, #tpu.memory_space<vmem>>, vector<16xi32>,
          %add3A_805 = arith.constant 128 : i32
          %add3A_806 = arith.addi %mul3A_792, %add3A_805 : i32
          %get3A_807 = arith.index_cast %add3A_806 : i32 to index
          %get3A_808 = tpu.vector_load %arg13[%get3A_807] {strides = array<i32>} : memref<576xf32, #tpu.memory_space<vmem>>, vector<16xf32>,
          %swap3A_809 = arith.index_cast %mul3A_790 : i32 to index
          %swap3A_810 = tpu.vector_load %arg13[%swap3A_809] {strides = array<i32>} : memref<576xf32, #tpu.memory_space<vmem>>, vector<16xf32>,
          tpu.vector_store %arg13[%swap3A_809], %get3A_808 {strides = array<i32>} : memref<576xf32, #tpu.memory_space<vmem>>, vector<16xf32>,
        } else {
        }
        %sub3A_659 = arith.constant 128 : i32
        %sub3A_660 = arith.subi %add3A_653, %sub3A_659 : i32
        %select_n3A_661 = arith.select %ge3A_655, %sub3A_660, %add3A_653 : i32
        %sub3A_662 = arith.constant 1 : i32
        %sub3A_663 = arith.subi %sub3A_662, %scan3A_645 : i32
        %select_n3A_664 = arith.select %ge3A_655, %sub3A_663, %scan3A_645 : i32
        %jit3A_665 = arith.constant 1 : i32
        %select_n3A_666 = arith.select %ge3A_655, %jit3A_665, %scan3A_646 : i32
        %add3A_667 = arith.constant 0 : i32
        %add3A_668 = arith.addi %add3A_667, %select_n3A_664 : i32
        %mul3A_669 = arith.constant 144 : i32
        %mul3A_670 = arith.muli %add3A_668, %mul3A_669 : i32
        %mul3A_671 = arith.constant 16 : i32
        %mul3A_672 = arith.muli %mul3A_652, %mul3A_671 : i32
        %add3A_673 = arith.constant 4000 : i32
        %add3A_674 = arith.addi %add3A_673, %mul3A_672 : i32
        %get3A_675 = arith.index_cast %add3A_674 : i32 to index
        %get3A_676 = tpu.vector_load %arg8[%get3A_675] {strides = array<i32>} : memref<8000xi32, #tpu.memory_space<vmem>>, vector<16xi32>,
        %mul3A_677 = arith.constant 16 : i32
        %mul3A_678 = arith.muli %mul3A_652, %mul3A_677 : i32
        %add3A_679 = arith.constant 4000 : i32
        %add3A_680 = arith.addi %add3A_679, %mul3A_678 : i32
        %get3A_681 = arith.index_cast %add3A_680 : i32 to index
        %get3A_682 = tpu.vector_load %arg9[%get3A_681] {strides = array<i32>} : memref<8000xi32, #tpu.memory_space<vmem>>, vector<16xi32>,
        %mul3A_683 = arith.constant 16 : i32
        %mul3A_684 = arith.muli %mul3A_652, %mul3A_683 : i32
        %add3A_685 = arith.constant 4000 : i32
        %add3A_686 = arith.addi %add3A_685, %mul3A_684 : i32
        %get3A_687 = arith.index_cast %add3A_686 : i32 to index
        %get3A_688 = tpu.vector_load %arg10[%get3A_687] {strides = array<i32>} : memref<8000xf32, #tpu.memory_space<vmem>>, vector<16xf32>,
        %ge3A_689 = vector.broadcast %mul3A_32 : i32 to vector<16xi32>
        %ge3A_690 = arith.cmpi sge, %get3A_676, %ge3A_689 : vector<16xi32>
        %add3A_691 = arith.constant 640 : i32
        %add3A_692 = arith.addi %mul3A_32, %add3A_691 : i32
        %lt3A_693 = vector.broadcast %add3A_692 : i32 to vector<16xi32>
        %lt3A_694 = arith.cmpi slt, %get3A_676, %lt3A_693 : vector<16xi32>
        %and3A_695 = arith.andi %ge3A_690, %lt3A_694 : vector<16xi1>
        %add3A_696 = arith.addi %mul3A_670, %select_n3A_661 : i32
        %swap3A_697 = arith.index_cast %add3A_696 : i32 to index
        %swap3A_698 = tpu.vector_load %arg11[%swap3A_697] masked %and3A_695 {strides = array<i32>} : memref<576xi32, #tpu.memory_space<vmem>>, vector<16xi32>, vector<16xi1>
        tpu.vector_store %arg11[%swap3A_697], %get3A_682 masked %and3A_695 {strides = array<i32>} : memref<576xi32, #tpu.memory_space<vmem>>, vector<16xi32>, vector<16xi1>
        %add3A_699 = arith.addi %mul3A_670, %select_n3A_661 : i32
        %sub3A_700 = vector.broadcast %mul3A_32 : i32 to vector<16xi32>
        %sub3A_701 = arith.subi %get3A_676, %sub3A_700 : vector<16xi32>
        %swap3A_702 = arith.index_cast %add3A_699 : i32 to index
        %swap3A_703 = tpu.vector_load %arg12[%swap3A_702] masked %and3A_695 {strides = array<i32>} : memref<576xi32, #tpu.memory_space<vmem>>, vector<16xi32>, vector<16xi1>
        tpu.vector_store %arg12[%swap3A_702], %sub3A_701 masked %and3A_695 {strides = array<i32>} : memref<576xi32, #tpu.memory_space<vmem>>, vector<16xi32>, vector<16xi1>
        %add3A_704 = arith.addi %mul3A_670, %select_n3A_661 : i32
        %swap3A_705 = arith.index_cast %add3A_704 : i32 to index
        %swap3A_706 = tpu.vector_load %arg13[%swap3A_705] masked %and3A_695 {strides = array<i32>} : memref<576xf32, #tpu.memory_space<vmem>>, vector<16xf32>, vector<16xi1>
        tpu.vector_store %arg13[%swap3A_705], %get3A_688 masked %and3A_695 {strides = array<i32>} : memref<576xf32, #tpu.memory_space<vmem>>, vector<16xf32>, vector<16xi1>
        %all_reduce_population_count3A = tpu.all_reduce %and3A_695 {dim = 0 : i64, kind = #tpu.reduction_kind<sum>} : vector<16xi1> -> vector<16xi32>
        %slice3A_707 = vector.extract_strided_slice %all_reduce_population_count3A {offsets = [0], sizes = [1], strides = [1]} : vector<16xi32> to vector<1xi32>
        %squeeze3A_708 = vector.extract %slice3A_707[0] : i32 from vector<1xi32>
        %mul3A_709 = arith.constant 2 : i32
        %mul3A_710 = arith.muli %mul3A_709, %scan3A_642 : i32
        %add3A_711 = arith.constant 1 : i32
        %add3A_712 = arith.addi %mul3A_710, %add3A_711 : i32
        %add3A_713 = arith.addi %scan3A_647, %scan3A_648 : i32
        %ge3A_714 = arith.constant 128 : i32
        %ge3A_715 = arith.cmpi sge, %add3A_713, %ge3A_714 : i32
        %convert_element_type3A_716 = arith.extui %ge3A_715 : i1 to i32
        %cond3A_717 = arith.constant 0 : i32
        %cond3A_718 = arith.cmpi ne, %convert_element_type3A_716, %cond3A_717 : i32
        scf.if %cond3A_718 {
          %add3A_770 = arith.constant 2 : i32
          %add3A_771 = arith.addi %add3A_770, %scan3A_649 : i32
          %sub3A_772 = arith.constant 3 : i32
          %sub3A_773 = arith.subi %sub3A_772, %scan3A_649 : i32
          %eq3A_774 = arith.constant 1 : i32
          %eq3A_775 = arith.cmpi eq, %scan3A_650, %eq3A_774 : i32
          %convert_element_type3A_776 = arith.extui %eq3A_775 : i1 to i32
          %cond3A_777 = arith.constant 0 : i32
          %cond3A_778 = arith.cmpi ne, %convert_element_type3A_776, %cond3A_777 : i32
          scf.if %cond3A_778 {
            %mul3A_811 = arith.constant 144 : i32
            %mul3A_812 = arith.muli %sub3A_773, %mul3A_811 : i32
            %mul3A_813 = arith.constant 128 : i32
            %mul3A_814 = arith.muli %sub3A_773, %mul3A_813 : i32
            %dma_wait3A_815 = arith.constant 0 : i32
            %dma_wait3A_816 = tpu.memref_slice %arg14[%mul3A_814, %dma_wait3A_815] : memref<512x64xi32, #tpu.memory_space<vmem>> -> memref<128x64xi32, #tpu.memory_space<vmem>>
            %dma_wait3A_817 = tpu.memref_slice %arg11[%mul3A_812] : memref<576xi32, #tpu.memory_space<vmem>> -> memref<128xi32, #tpu.memory_space<vmem>>
            %dma_wait3A_818 = arith.constant 0 : i32
            %dma_wait3A_819 = arith.constant 0 : i32
            %dma_wait3A_820 = tpu.memref_slice %arg2[%dma_wait3A_818, %dma_wait3A_819] : memref<10000x64xi32, #tpu.memory_space<hbm>> -> memref<10000x64xi32, #tpu.memory_space<hbm>>
            tpu.wait_indirect_dma semaphore(%arg17 : memref<!tpu.dma_semaphore, #tpu.memory_space<semaphore_mem>>) src(%dma_wait3A_820 : memref<10000x64xi32, #tpu.memory_space<hbm>>) dst(%dma_wait3A_816 : memref<128x64xi32, #tpu.memory_space<vmem>>)
            %mul3A_821 = arith.constant 144 : i32
            %mul3A_822 = arith.muli %sub3A_773, %mul3A_821 : i32
            %mul3A_823 = arith.constant 128 : i32
            %mul3A_824 = arith.muli %sub3A_773, %mul3A_823 : i32
            %get3A_825 = arith.index_cast %mul3A_822 : i32 to index
            %get3A_826 = tpu.vector_load %arg12[%get3A_825] {strides = array<i32>} : memref<576xi32, #tpu.memory_space<vmem>>, vector<16xi32>,
            %slice3A_827 = vector.extract_strided_slice %get3A_826 {offsets = [0], sizes = [1], strides = [1]} : vector<16xi32> to vector<1xi32>
            %squeeze3A_828 = vector.extract %slice3A_827[0] : i32 from vector<1xi32>
            %mul3A_829 = arith.constant 128 : i32
            %mul3A_830 = arith.muli %squeeze3A_828, %mul3A_829 : i32
            %scan3A_831 = arith.constant 0 : i32
            %scan3A_832 = arith.constant 128 : i32
            %scan3A_833 = arith.addi %scan3A_831, %scan3A_832 : i32
            %scan3A_834 = arith.constant 1 : i32
            %scan3A_835 = scf.for %scan3A_837 = %scan3A_831 to %scan3A_833 step %scan3A_834 iter_args(%scan3A_838 = %mul3A_830) -> (i32)  : i32 {
              %add3A_839 = arith.addi %mul3A_822, %scan3A_837 : i32
              %add3A_840 = arith.constant 1 : i32
              %add3A_841 = arith.addi %add3A_839, %add3A_840 : i32
              %get3A_842 = arith.index_cast %add3A_841 : i32 to index
              %get3A_843 = tpu.vector_load %arg12[%get3A_842] {strides = array<i32>} : memref<576xi32, #tpu.memory_space<vmem>>, vector<16xi32>,
              %slice3A_844 = vector.extract_strided_slice %get3A_843 {offsets = [0], sizes = [1], strides = [1]} : vector<16xi32> to vector<1xi32>
              %squeeze3A_845 = vector.extract %slice3A_844[0] : i32 from vector<1xi32>
              %mul3A_846 = arith.constant 128 : i32
              %mul3A_847 = arith.muli %squeeze3A_845, %mul3A_846 : i32
              %add3A_848 = arith.addi %mul3A_822, %scan3A_837 : i32
              %get3A_849 = arith.index_cast %add3A_848 : i32 to index
              %get3A_850 = tpu.vector_load %arg13[%get3A_849] {strides = array<i32>} : memref<576xf32, #tpu.memory_space<vmem>>, vector<16xf32>,
              %slice3A_851 = vector.extract_strided_slice %get3A_850 {offsets = [0], sizes = [1], strides = [1]} : vector<16xf32> to vector<1xf32>
              %squeeze3A_852 = vector.extract %slice3A_851[0] : f32 from vector<1xf32>
              %broadcast_in_dim3A_853 = vector.broadcast %squeeze3A_852 : f32 to vector<16xf32>
              %broadcast_in_dim3A_854 = vector.broadcast %squeeze3A_852 : f32 to vector<16xf32>
              %pack3A = tpu.pack_subelements %broadcast_in_dim3A_853, %broadcast_in_dim3A_854 {pack_format = #tpu.pack_format<interleaved>, positions = array<i32: 0, 1>} : vector<16xf32>, vector<16xf32> -> vector<32xbf16>
              %add3A_855 = arith.constant 0 : i32
              %add3A_856 = arith.addi %scan3A_838, %add3A_855 : i32
              %get3A_857 = arith.index_cast %add3A_856 : i32 to index
              %get3A_858 = tpu.vector_load %arg7[%get3A_857] {strides = array<i32>} : memref<81920xbf16, #tpu.memory_space<vmem>>, vector<32xbf16>,
              %add3A_859 = arith.constant 32 : i32
              %add3A_860 = arith.addi %scan3A_838, %add3A_859 : i32
              %get3A_861 = arith.index_cast %add3A_860 : i32 to index
              %get3A_862 = tpu.vector_load %arg7[%get3A_861] {strides = array<i32>} : memref<81920xbf16, #tpu.memory_space<vmem>>, vector<32xbf16>,
              %add3A_863 = arith.constant 64 : i32
              %add3A_864 = arith.addi %scan3A_838, %add3A_863 : i32
              %get3A_865 = arith.index_cast %add3A_864 : i32 to index
              %get3A_866 = tpu.vector_load %arg7[%get3A_865] {strides = array<i32>} : memref<81920xbf16, #tpu.memory_space<vmem>>, vector<32xbf16>,
              %add3A_867 = arith.constant 96 : i32
              %add3A_868 = arith.addi %scan3A_838, %add3A_867 : i32
              %get3A_869 = arith.index_cast %add3A_868 : i32 to index
              %get3A_870 = tpu.vector_load %arg7[%get3A_869] {strides = array<i32>} : memref<81920xbf16, #tpu.memory_space<vmem>>, vector<32xbf16>,
              %add3A_871 = arith.addi %mul3A_824, %scan3A_837 : i32
              %get3A_872 = arith.index_cast %add3A_871 : i32 to index
              %get3A_873 = arith.constant 0 : index
              %get3A_874 = tpu.vector_load %arg14[%get3A_872, %get3A_873] {strides = array<i32>} : memref<512x64xi32, #tpu.memory_space<vmem>>, vector<16xi32>,
              %bitcast3A = vector.bitcast %get3A_874 : vector<16xi32> to vector<32xbf16>
              %add3A_875 = arith.addi %mul3A_824, %scan3A_837 : i32
              %get3A_876 = arith.index_cast %add3A_875 : i32 to index
              %get3A_877 = arith.constant 16 : index
              %get3A_878 = tpu.vector_load %arg14[%get3A_876, %get3A_877] {strides = array<i32>} : memref<512x64xi32, #tpu.memory_space<vmem>>, vector<16xi32>,
              %bitcast3A_879 = vector.bitcast %get3A_878 : vector<16xi32> to vector<32xbf16>
              %add3A_880 = arith.addi %mul3A_824, %scan3A_837 : i32
              %get3A_881 = arith.index_cast %add3A_880 : i32 to index
              %get3A_882 = arith.constant 32 : index
              %get3A_883 = tpu.vector_load %arg14[%get3A_881, %get3A_882] {strides = array<i32>} : memref<512x64xi32, #tpu.memory_space<vmem>>, vector<16xi32>,
              %bitcast3A_884 = vector.bitcast %get3A_883 : vector<16xi32> to vector<32xbf16>
              %add3A_885 = arith.addi %mul3A_824, %scan3A_837 : i32
              %get3A_886 = arith.index_cast %add3A_885 : i32 to index
              %get3A_887 = arith.constant 48 : index
              %get3A_888 = tpu.vector_load %arg14[%get3A_886, %get3A_887] {strides = array<i32>} : memref<512x64xi32, #tpu.memory_space<vmem>>, vector<16xi32>,
              %bitcast3A_889 = vector.bitcast %get3A_888 : vector<16xi32> to vector<32xbf16>
              %mul3A_890 = arith.mulf %bitcast3A, %pack3A : vector<32xbf16>
              %max3A = arith.maximumf %get3A_858, %mul3A_890 : vector<32xbf16>
              %add3A_891 = arith.constant 0 : i32
              %add3A_892 = arith.addi %scan3A_838, %add3A_891 : i32
              %swap3A_893 = arith.index_cast %add3A_892 : i32 to index
              %swap3A_894 = tpu.vector_load %arg7[%swap3A_893] {strides = array<i32>} : memref<81920xbf16, #tpu.memory_space<vmem>>, vector<32xbf16>,
              tpu.vector_store %arg7[%swap3A_893], %max3A {strides = array<i32>} : memref<81920xbf16, #tpu.memory_space<vmem>>, vector<32xbf16>,
              %mul3A_895 = arith.mulf %bitcast3A_879, %pack3A : vector<32xbf16>
              %max3A_896 = arith.maximumf %get3A_862, %mul3A_895 : vector<32xbf16>
              %add3A_897 = arith.constant 32 : i32
              %add3A_898 = arith.addi %scan3A_838, %add3A_897 : i32
              %swap3A_899 = arith.index_cast %add3A_898 : i32 to index
              %swap3A_900 = tpu.vector_load %arg7[%swap3A_899] {strides = array<i32>} : memref<81920xbf16, #tpu.memory_space<vmem>>, vector<32xbf16>,
              tpu.vector_store %arg7[%swap3A_899], %max3A_896 {strides = array<i32>} : memref<81920xbf16, #tpu.memory_space<vmem>>, vector<32xbf16>,
              %mul3A_901 = arith.mulf %bitcast3A_884, %pack3A : vector<32xbf16>
              %max3A_902 = arith.maximumf %get3A_866, %mul3A_901 : vector<32xbf16>
              %add3A_903 = arith.constant 64 : i32
              %add3A_904 = arith.addi %scan3A_838, %add3A_903 : i32
              %swap3A_905 = arith.index_cast %add3A_904 : i32 to index
              %swap3A_906 = tpu.vector_load %arg7[%swap3A_905] {strides = array<i32>} : memref<81920xbf16, #tpu.memory_space<vmem>>, vector<32xbf16>,
              tpu.vector_store %arg7[%swap3A_905], %max3A_902 {strides = array<i32>} : memref<81920xbf16, #tpu.memory_space<vmem>>, vector<32xbf16>,
              %mul3A_907 = arith.mulf %bitcast3A_889, %pack3A : vector<32xbf16>
              %max3A_908 = arith.maximumf %get3A_870, %mul3A_907 : vector<32xbf16>
              %add3A_909 = arith.constant 96 : i32
              %add3A_910 = arith.addi %scan3A_838, %add3A_909 : i32
              %swap3A_911 = arith.index_cast %add3A_910 : i32 to index
              %swap3A_912 = tpu.vector_load %arg7[%swap3A_911] {strides = array<i32>} : memref<81920xbf16, #tpu.memory_space<vmem>>, vector<32xbf16>,
              tpu.vector_store %arg7[%swap3A_911], %max3A_908 {strides = array<i32>} : memref<81920xbf16, #tpu.memory_space<vmem>>, vector<32xbf16>,
              scf.yield %mul3A_847 : i32
            }
            %scan3A_836 = arith.constant 128 : i32
          } else {
          }
          %mul3A_779 = arith.constant 144 : i32
          %mul3A_780 = arith.muli %add3A_771, %mul3A_779 : i32
          %mul3A_781 = arith.constant 128 : i32
          %mul3A_782 = arith.muli %add3A_771, %mul3A_781 : i32
          %dma_start3A_783 = arith.constant 0 : i32
          %dma_start3A_784 = tpu.memref_slice %arg14[%mul3A_782, %dma_start3A_783] : memref<512x64xi32, #tpu.memory_space<vmem>> -> memref<128x64xi32, #tpu.memory_space<vmem>>
          %dma_start3A_785 = tpu.memref_slice %arg11[%mul3A_780] : memref<576xi32, #tpu.memory_space<vmem>> -> memref<128xi32, #tpu.memory_space<vmem>>
          %dma_start3A_786 = arith.constant 0 : i32
          %dma_start3A_787 = arith.constant 0 : i32
          %dma_start3A_788 = tpu.memref_slice %arg2[%dma_start3A_786, %dma_start3A_787] : memref<10000x64xi32, #tpu.memory_space<hbm>> -> memref<10000x64xi32, #tpu.memory_space<hbm>>
          tpu.enqueue_indirect_dma source(%dma_start3A_788 : memref<10000x64xi32, #tpu.memory_space<hbm>>) target(%dma_start3A_784 : memref<128x64xi32, #tpu.memory_space<vmem>>) offsets(%dma_start3A_785 : memref<128xi32, #tpu.memory_space<vmem>>) semaphore(%arg17 : memref<!tpu.dma_semaphore, #tpu.memory_space<semaphore_mem>>)
          %mul3A_789 = arith.constant 144 : i32
          %mul3A_790 = arith.muli %sub3A_773, %mul3A_789 : i32
          %mul3A_791 = arith.constant 144 : i32
          %mul3A_792 = arith.muli %add3A_771, %mul3A_791 : i32
          %add3A_793 = arith.constant 128 : i32
          %add3A_794 = arith.addi %mul3A_792, %add3A_793 : i32
          %get3A_795 = arith.index_cast %add3A_794 : i32 to index
          %get3A_796 = tpu.vector_load %arg11[%get3A_795] {strides = array<i32>} : memref<576xi32, #tpu.memory_space<vmem>>, vector<16xi32>,
          %swap3A_797 = arith.index_cast %mul3A_790 : i32 to index
          %swap3A_798 = tpu.vector_load %arg11[%swap3A_797] {strides = array<i32>} : memref<576xi32, #tpu.memory_space<vmem>>, vector<16xi32>,
          tpu.vector_store %arg11[%swap3A_797], %get3A_796 {strides = array<i32>} : memref<576xi32, #tpu.memory_space<vmem>>, vector<16xi32>,
          %add3A_799 = arith.constant 128 : i32
          %add3A_800 = arith.addi %mul3A_792, %add3A_799 : i32
          %get3A_801 = arith.index_cast %add3A_800 : i32 to index
          %get3A_802 = tpu.vector_load %arg12[%get3A_801] {strides = array<i32>} : memref<576xi32, #tpu.memory_space<vmem>>, vector<16xi32>,
          %swap3A_803 = arith.index_cast %mul3A_790 : i32 to index
          %swap3A_804 = tpu.vector_load %arg12[%swap3A_803] {strides = array<i32>} : memref<576xi32, #tpu.memory_space<vmem>>, vector<16xi32>,
          tpu.vector_store %arg12[%swap3A_803], %get3A_802 {strides = array<i32>} : memref<576xi32, #tpu.memory_space<vmem>>, vector<16xi32>,
          %add3A_805 = arith.constant 128 : i32
          %add3A_806 = arith.addi %mul3A_792, %add3A_805 : i32
          %get3A_807 = arith.index_cast %add3A_806 : i32 to index
          %get3A_808 = tpu.vector_load %arg13[%get3A_807] {strides = array<i32>} : memref<576xf32, #tpu.memory_space<vmem>>, vector<16xf32>,
          %swap3A_809 = arith.index_cast %mul3A_790 : i32 to index
          %swap3A_810 = tpu.vector_load %arg13[%swap3A_809] {strides = array<i32>} : memref<576xf32, #tpu.memory_space<vmem>>, vector<16xf32>,
          tpu.vector_store %arg13[%swap3A_809], %get3A_808 {strides = array<i32>} : memref<576xf32, #tpu.memory_space<vmem>>, vector<16xf32>,
        } else {
        }
        %sub3A_719 = arith.constant 128 : i32
        %sub3A_720 = arith.subi %add3A_713, %sub3A_719 : i32
        %select_n3A_721 = arith.select %ge3A_715, %sub3A_720, %add3A_713 : i32
        %sub3A_722 = arith.constant 1 : i32
        %sub3A_723 = arith.subi %sub3A_722, %scan3A_649 : i32
        %select_n3A_724 = arith.select %ge3A_715, %sub3A_723, %scan3A_649 : i32
        %jit3A_725 = arith.constant 1 : i32
        %select_n3A_726 = arith.select %ge3A_715, %jit3A_725, %scan3A_650 : i32
        %add3A_727 = arith.constant 2 : i32
        %add3A_728 = arith.addi %add3A_727, %select_n3A_724 : i32
        %mul3A_729 = arith.constant 144 : i32
        %mul3A_730 = arith.muli %add3A_728, %mul3A_729 : i32
        %mul3A_731 = arith.constant 16 : i32
        %mul3A_732 = arith.muli %add3A_712, %mul3A_731 : i32
        %add3A_733 = arith.constant 4000 : i32
        %add3A_734 = arith.addi %add3A_733, %mul3A_732 : i32
        %get3A_735 = arith.index_cast %add3A_734 : i32 to index
        %get3A_736 = tpu.vector_load %arg8[%get3A_735] {strides = array<i32>} : memref<8000xi32, #tpu.memory_space<vmem>>, vector<16xi32>,
        %mul3A_737 = arith.constant 16 : i32
        %mul3A_738 = arith.muli %add3A_712, %mul3A_737 : i32
        %add3A_739 = arith.constant 4000 : i32
        %add3A_740 = arith.addi %add3A_739, %mul3A_738 : i32
        %get3A_741 = arith.index_cast %add3A_740 : i32 to index
        %get3A_742 = tpu.vector_load %arg9[%get3A_741] {strides = array<i32>} : memref<8000xi32, #tpu.memory_space<vmem>>, vector<16xi32>,
        %mul3A_743 = arith.constant 16 : i32
        %mul3A_744 = arith.muli %add3A_712, %mul3A_743 : i32
        %add3A_745 = arith.constant 4000 : i32
        %add3A_746 = arith.addi %add3A_745, %mul3A_744 : i32
        %get3A_747 = arith.index_cast %add3A_746 : i32 to index
        %get3A_748 = tpu.vector_load %arg10[%get3A_747] {strides = array<i32>} : memref<8000xf32, #tpu.memory_space<vmem>>, vector<16xf32>,
        %ge3A_749 = vector.broadcast %mul3A_32 : i32 to vector<16xi32>
        %ge3A_750 = arith.cmpi sge, %get3A_736, %ge3A_749 : vector<16xi32>
        %add3A_751 = arith.constant 640 : i32
        %add3A_752 = arith.addi %mul3A_32, %add3A_751 : i32
        %lt3A_753 = vector.broadcast %add3A_752 : i32 to vector<16xi32>
        %lt3A_754 = arith.cmpi slt, %get3A_736, %lt3A_753 : vector<16xi32>
        %and3A_755 = arith.andi %ge3A_750, %lt3A_754 : vector<16xi1>
        %add3A_756 = arith.addi %mul3A_730, %select_n3A_721 : i32
        %swap3A_757 = arith.index_cast %add3A_756 : i32 to index
        %swap3A_758 = tpu.vector_load %arg11[%swap3A_757] masked %and3A_755 {strides = array<i32>} : memref<576xi32, #tpu.memory_space<vmem>>, vector<16xi32>, vector<16xi1>
        tpu.vector_store %arg11[%swap3A_757], %get3A_742 masked %and3A_755 {strides = array<i32>} : memref<576xi32, #tpu.memory_space<vmem>>, vector<16xi32>, vector<16xi1>
        %add3A_759 = arith.addi %mul3A_730, %select_n3A_721 : i32
        %sub3A_760 = vector.broadcast %mul3A_32 : i32 to vector<16xi32>
        %sub3A_761 = arith.subi %get3A_736, %sub3A_760 : vector<16xi32>
        %swap3A_762 = arith.index_cast %add3A_759 : i32 to index
        %swap3A_763 = tpu.vector_load %arg12[%swap3A_762] masked %and3A_755 {strides = array<i32>} : memref<576xi32, #tpu.memory_space<vmem>>, vector<16xi32>, vector<16xi1>
        tpu.vector_store %arg12[%swap3A_762], %sub3A_761 masked %and3A_755 {strides = array<i32>} : memref<576xi32, #tpu.memory_space<vmem>>, vector<16xi32>, vector<16xi1>
        %add3A_764 = arith.addi %mul3A_730, %select_n3A_721 : i32
        %swap3A_765 = arith.index_cast %add3A_764 : i32 to index
        %swap3A_766 = tpu.vector_load %arg13[%swap3A_765] masked %and3A_755 {strides = array<i32>} : memref<576xf32, #tpu.memory_space<vmem>>, vector<16xf32>, vector<16xi1>
        tpu.vector_store %arg13[%swap3A_765], %get3A_748 masked %and3A_755 {strides = array<i32>} : memref<576xf32, #tpu.memory_space<vmem>>, vector<16xf32>, vector<16xi1>
        %all_reduce_population_count3A_767 = tpu.all_reduce %and3A_755 {dim = 0 : i64, kind = #tpu.reduction_kind<sum>} : vector<16xi1> -> vector<16xi32>
        %slice3A_768 = vector.extract_strided_slice %all_reduce_population_count3A_767 {offsets = [0], sizes = [1], strides = [1]} : vector<16xi32> to vector<1xi32>
        %squeeze3A_769 = vector.extract %slice3A_768[0] : i32 from vector<1xi32>
        scf.yield %select_n3A_661, %squeeze3A_708, %select_n3A_664, %select_n3A_666, %select_n3A_721, %squeeze3A_769, %select_n3A_724, %select_n3A_726 : i32, i32, i32, i32, i32, i32, i32, i32
      }
      %scan3A_641 = arith.constant 125 : i32
      scf.yield %scan3A_640#0, %scan3A_640#1, %scan3A_640#2, %scan3A_640#3, %scan3A_640#4, %scan3A_640#5, %scan3A_640#6, %scan3A_640#7 : i32, i32, i32, i32, i32, i32, i32, i32
    }
    %scan3A_359 = arith.constant 20 : i32
    %dma_wait3A = arith.constant 0 : i32
    %dma_wait3A_360 = tpu.memref_slice %arg8[%dma_wait3A] : memref<8000xi32, #tpu.memory_space<vmem>> -> memref<4000xi32, #tpu.memory_space<vmem>>
    %dma_wait3A_361 = arith.constant 0 : i32
    %dma_wait3A_362 = tpu.memref_slice %arg4[%dma_wait3A_361] : memref<320000xi32, #tpu.memory_space<hbm>> -> memref<4000xi32, #tpu.memory_space<hbm>>
    %dma_wait3A_363 = arith.constant 0 : i32
    %dma_wait3A_364 = tpu.memref_slice %arg8[%dma_wait3A_363] : memref<8000xi32, #tpu.memory_space<vmem>> -> memref<4000xi32, #tpu.memory_space<vmem>>
    %dma_wait3A_365 = arith.constant 0 : i32
    %dma_wait3A_366 = tpu.memref_slice %arg4[%dma_wait3A_365] : memref<320000xi32, #tpu.memory_space<hbm>> -> memref<4000xi32, #tpu.memory_space<hbm>>
    tpu.wait_dma2 semaphore(%arg18 : memref<!tpu.dma_semaphore, #tpu.memory_space<semaphore_mem>>) src(%dma_wait3A_366 : memref<4000xi32, #tpu.memory_space<hbm>>) dst(%dma_wait3A_364 : memref<4000xi32, #tpu.memory_space<vmem>>)
    %dma_wait3A_367 = arith.constant 0 : i32
    %dma_wait3A_368 = tpu.memref_slice %arg9[%dma_wait3A_367] : memref<8000xi32, #tpu.memory_space<vmem>> -> memref<4000xi32, #tpu.memory_space<vmem>>
    %dma_wait3A_369 = arith.constant 0 : i32
    %dma_wait3A_370 = tpu.memref_slice %arg3[%dma_wait3A_369] : memref<320000xi32, #tpu.memory_space<hbm>> -> memref<4000xi32, #tpu.memory_space<hbm>>
    %dma_wait3A_371 = arith.constant 0 : i32
    %dma_wait3A_372 = tpu.memref_slice %arg9[%dma_wait3A_371] : memref<8000xi32, #tpu.memory_space<vmem>> -> memref<4000xi32, #tpu.memory_space<vmem>>
    %dma_wait3A_373 = arith.constant 0 : i32
    %dma_wait3A_374 = tpu.memref_slice %arg3[%dma_wait3A_373] : memref<320000xi32, #tpu.memory_space<hbm>> -> memref<4000xi32, #tpu.memory_space<hbm>>
    tpu.wait_dma2 semaphore(%arg18 : memref<!tpu.dma_semaphore, #tpu.memory_space<semaphore_mem>>) src(%dma_wait3A_374 : memref<4000xi32, #tpu.memory_space<hbm>>) dst(%dma_wait3A_372 : memref<4000xi32, #tpu.memory_space<vmem>>)
    %dma_wait3A_375 = arith.constant 0 : i32
    %dma_wait3A_376 = tpu.memref_slice %arg10[%dma_wait3A_375] : memref<8000xf32, #tpu.memory_space<vmem>> -> memref<4000xf32, #tpu.memory_space<vmem>>
    %dma_wait3A_377 = arith.constant 0 : i32
    %dma_wait3A_378 = tpu.memref_slice %arg5[%dma_wait3A_377] : memref<320000xf32, #tpu.memory_space<hbm>> -> memref<4000xf32, #tpu.memory_space<hbm>>
    %dma_wait3A_379 = arith.constant 0 : i32
    %dma_wait3A_380 = tpu.memref_slice %arg10[%dma_wait3A_379] : memref<8000xf32, #tpu.memory_space<vmem>> -> memref<4000xf32, #tpu.memory_space<vmem>>
    %dma_wait3A_381 = arith.constant 0 : i32
    %dma_wait3A_382 = tpu.memref_slice %arg5[%dma_wait3A_381] : memref<320000xf32, #tpu.memory_space<hbm>> -> memref<4000xf32, #tpu.memory_space<hbm>>
    tpu.wait_dma2 semaphore(%arg18 : memref<!tpu.dma_semaphore, #tpu.memory_space<semaphore_mem>>) src(%dma_wait3A_382 : memref<4000xf32, #tpu.memory_space<hbm>>) dst(%dma_wait3A_380 : memref<4000xf32, #tpu.memory_space<vmem>>)
    %add3A_383 = arith.addi %scan3A_358#0, %scan3A_358#1 : i32
    %ge3A = arith.constant 128 : i32
    %ge3A_384 = arith.cmpi sge, %add3A_383, %ge3A : i32
    %convert_element_type3A = arith.extui %ge3A_384 : i1 to i32
    %cond3A = arith.constant 0 : i32
    %cond3A_385 = arith.cmpi ne, %convert_element_type3A, %cond3A : i32
    scf.if %cond3A_385 {
      %add3A_522 = arith.constant 0 : i32
      %add3A_523 = arith.addi %add3A_522, %scan3A_358#2 : i32
      %sub3A_524 = arith.constant 1 : i32
      %sub3A_525 = arith.subi %sub3A_524, %scan3A_358#2 : i32
      %eq3A_526 = arith.constant 1 : i32
      %eq3A_527 = arith.cmpi eq, %scan3A_358#3, %eq3A_526 : i32
      %convert_element_type3A_528 = arith.extui %eq3A_527 : i1 to i32
      %cond3A_529 = arith.constant 0 : i32
      %cond3A_530 = arith.cmpi ne, %convert_element_type3A_528, %cond3A_529 : i32
      scf.if %cond3A_530 {
        %mul3A_563 = arith.constant 144 : i32
        %mul3A_564 = arith.muli %sub3A_525, %mul3A_563 : i32
        %mul3A_565 = arith.constant 128 : i32
        %mul3A_566 = arith.muli %sub3A_525, %mul3A_565 : i32
        %dma_wait3A_567 = arith.constant 0 : i32
        %dma_wait3A_568 = tpu.memref_slice %arg14[%mul3A_566, %dma_wait3A_567] : memref<512x64xi32, #tpu.memory_space<vmem>> -> memref<128x64xi32, #tpu.memory_space<vmem>>
        %dma_wait3A_569 = tpu.memref_slice %arg11[%mul3A_564] : memref<576xi32, #tpu.memory_space<vmem>> -> memref<128xi32, #tpu.memory_space<vmem>>
        %dma_wait3A_570 = arith.constant 0 : i32
        %dma_wait3A_571 = arith.constant 0 : i32
        %dma_wait3A_572 = tpu.memref_slice %arg2[%dma_wait3A_570, %dma_wait3A_571] : memref<10000x64xi32, #tpu.memory_space<hbm>> -> memref<10000x64xi32, #tpu.memory_space<hbm>>
        tpu.wait_indirect_dma semaphore(%arg16 : memref<!tpu.dma_semaphore, #tpu.memory_space<semaphore_mem>>) src(%dma_wait3A_572 : memref<10000x64xi32, #tpu.memory_space<hbm>>) dst(%dma_wait3A_568 : memref<128x64xi32, #tpu.memory_space<vmem>>)
        %mul3A_573 = arith.constant 144 : i32
        %mul3A_574 = arith.muli %sub3A_525, %mul3A_573 : i32
        %mul3A_575 = arith.constant 128 : i32
        %mul3A_576 = arith.muli %sub3A_525, %mul3A_575 : i32
        %get3A_577 = arith.index_cast %mul3A_574 : i32 to index
        %get3A_578 = tpu.vector_load %arg12[%get3A_577] {strides = array<i32>} : memref<576xi32, #tpu.memory_space<vmem>>, vector<16xi32>,
        %slice3A_579 = vector.extract_strided_slice %get3A_578 {offsets = [0], sizes = [1], strides = [1]} : vector<16xi32> to vector<1xi32>
        %squeeze3A_580 = vector.extract %slice3A_579[0] : i32 from vector<1xi32>
        %mul3A_581 = arith.constant 128 : i32
        %mul3A_582 = arith.muli %squeeze3A_580, %mul3A_581 : i32
        %scan3A_583 = arith.constant 0 : i32
        %scan3A_584 = arith.constant 128 : i32
        %scan3A_585 = arith.addi %scan3A_583, %scan3A_584 : i32
        %scan3A_586 = arith.constant 1 : i32
        %scan3A_587 = scf.for %scan3A_589 = %scan3A_583 to %scan3A_585 step %scan3A_586 iter_args(%scan3A_590 = %mul3A_582) -> (i32)  : i32 {
          %add3A_591 = arith.addi %mul3A_574, %scan3A_589 : i32
          %add3A_592 = arith.constant 1 : i32
          %add3A_593 = arith.addi %add3A_591, %add3A_592 : i32
          %get3A_594 = arith.index_cast %add3A_593 : i32 to index
          %get3A_595 = tpu.vector_load %arg12[%get3A_594] {strides = array<i32>} : memref<576xi32, #tpu.memory_space<vmem>>, vector<16xi32>,
          %slice3A_596 = vector.extract_strided_slice %get3A_595 {offsets = [0], sizes = [1], strides = [1]} : vector<16xi32> to vector<1xi32>
          %squeeze3A_597 = vector.extract %slice3A_596[0] : i32 from vector<1xi32>
          %mul3A_598 = arith.constant 128 : i32
          %mul3A_599 = arith.muli %squeeze3A_597, %mul3A_598 : i32
          %add3A_600 = arith.addi %mul3A_574, %scan3A_589 : i32
          %get3A_601 = arith.index_cast %add3A_600 : i32 to index
          %get3A_602 = tpu.vector_load %arg13[%get3A_601] {strides = array<i32>} : memref<576xf32, #tpu.memory_space<vmem>>, vector<16xf32>,
          %slice3A_603 = vector.extract_strided_slice %get3A_602 {offsets = [0], sizes = [1], strides = [1]} : vector<16xf32> to vector<1xf32>
          %squeeze3A_604 = vector.extract %slice3A_603[0] : f32 from vector<1xf32>
          %broadcast_in_dim3A_605 = vector.broadcast %squeeze3A_604 : f32 to vector<16xf32>
          %broadcast_in_dim3A_606 = vector.broadcast %squeeze3A_604 : f32 to vector<16xf32>
          %pack3A = tpu.pack_subelements %broadcast_in_dim3A_605, %broadcast_in_dim3A_606 {pack_format = #tpu.pack_format<interleaved>, positions = array<i32: 0, 1>} : vector<16xf32>, vector<16xf32> -> vector<32xbf16>
          %add3A_607 = arith.constant 0 : i32
          %add3A_608 = arith.addi %scan3A_590, %add3A_607 : i32
          %get3A_609 = arith.index_cast %add3A_608 : i32 to index
          %get3A_610 = tpu.vector_load %arg7[%get3A_609] {strides = array<i32>} : memref<81920xbf16, #tpu.memory_space<vmem>>, vector<32xbf16>,
          %add3A_611 = arith.constant 32 : i32
          %add3A_612 = arith.addi %scan3A_590, %add3A_611 : i32
          %get3A_613 = arith.index_cast %add3A_612 : i32 to index
          %get3A_614 = tpu.vector_load %arg7[%get3A_613] {strides = array<i32>} : memref<81920xbf16, #tpu.memory_space<vmem>>, vector<32xbf16>,
          %add3A_615 = arith.constant 64 : i32
          %add3A_616 = arith.addi %scan3A_590, %add3A_615 : i32
          %get3A_617 = arith.index_cast %add3A_616 : i32 to index
          %get3A_618 = tpu.vector_load %arg7[%get3A_617] {strides = array<i32>} : memref<81920xbf16, #tpu.memory_space<vmem>>, vector<32xbf16>,
          %add3A_619 = arith.constant 96 : i32
          %add3A_620 = arith.addi %scan3A_590, %add3A_619 : i32
          %get3A_621 = arith.index_cast %add3A_620 : i32 to index
          %get3A_622 = tpu.vector_load %arg7[%get3A_621] {strides = array<i32>} : memref<81920xbf16, #tpu.memory_space<vmem>>, vector<32xbf16>,
          %add3A_623 = arith.addi %mul3A_576, %scan3A_589 : i32
          %get3A_624 = arith.index_cast %add3A_623 : i32 to index
          %get3A_625 = arith.constant 0 : index
          %get3A_626 = tpu.vector_load %arg14[%get3A_624, %get3A_625] {strides = array<i32>} : memref<512x64xi32, #tpu.memory_space<vmem>>, vector<16xi32>,
          %bitcast3A = vector.bitcast %get3A_626 : vector<16xi32> to vector<32xbf16>
          %add3A_627 = arith.addi %mul3A_576, %scan3A_589 : i32
          %get3A_628 = arith.index_cast %add3A_627 : i32 to index
          %get3A_629 = arith.constant 16 : index
          %get3A_630 = tpu.vector_load %arg14[%get3A_628, %get3A_629] {strides = array<i32>} : memref<512x64xi32, #tpu.memory_space<vmem>>, vector<16xi32>,
          %bitcast3A_631 = vector.bitcast %get3A_630 : vector<16xi32> to vector<32xbf16>
          %add3A_632 = arith.addi %mul3A_576, %scan3A_589 : i32
          %get3A_633 = arith.index_cast %add3A_632 : i32 to index
          %get3A_634 = arith.constant 32 : index
          %get3A_635 = tpu.vector_load %arg14[%get3A_633, %get3A_634] {strides = array<i32>} : memref<512x64xi32, #tpu.memory_space<vmem>>, vector<16xi32>,
          %bitcast3A_636 = vector.bitcast %get3A_635 : vector<16xi32> to vector<32xbf16>
          %add3A_637 = arith.addi %mul3A_576, %scan3A_589 : i32
          %get3A_638 = arith.index_cast %add3A_637 : i32 to index
          %get3A_639 = arith.constant 48 : index
          %get3A_640 = tpu.vector_load %arg14[%get3A_638, %get3A_639] {strides = array<i32>} : memref<512x64xi32, #tpu.memory_space<vmem>>, vector<16xi32>,
          %bitcast3A_641 = vector.bitcast %get3A_640 : vector<16xi32> to vector<32xbf16>
          %mul3A_642 = arith.mulf %bitcast3A, %pack3A : vector<32xbf16>
          %max3A = arith.maximumf %get3A_610, %mul3A_642 : vector<32xbf16>
          %add3A_643 = arith.constant 0 : i32
          %add3A_644 = arith.addi %scan3A_590, %add3A_643 : i32
          %swap3A_645 = arith.index_cast %add3A_644 : i32 to index
          %swap3A_646 = tpu.vector_load %arg7[%swap3A_645] {strides = array<i32>} : memref<81920xbf16, #tpu.memory_space<vmem>>, vector<32xbf16>,
          tpu.vector_store %arg7[%swap3A_645], %max3A {strides = array<i32>} : memref<81920xbf16, #tpu.memory_space<vmem>>, vector<32xbf16>,
          %mul3A_647 = arith.mulf %bitcast3A_631, %pack3A : vector<32xbf16>
          %max3A_648 = arith.maximumf %get3A_614, %mul3A_647 : vector<32xbf16>
          %add3A_649 = arith.constant 32 : i32
          %add3A_650 = arith.addi %scan3A_590, %add3A_649 : i32
          %swap3A_651 = arith.index_cast %add3A_650 : i32 to index
          %swap3A_652 = tpu.vector_load %arg7[%swap3A_651] {strides = array<i32>} : memref<81920xbf16, #tpu.memory_space<vmem>>, vector<32xbf16>,
          tpu.vector_store %arg7[%swap3A_651], %max3A_648 {strides = array<i32>} : memref<81920xbf16, #tpu.memory_space<vmem>>, vector<32xbf16>,
          %mul3A_653 = arith.mulf %bitcast3A_636, %pack3A : vector<32xbf16>
          %max3A_654 = arith.maximumf %get3A_618, %mul3A_653 : vector<32xbf16>
          %add3A_655 = arith.constant 64 : i32
          %add3A_656 = arith.addi %scan3A_590, %add3A_655 : i32
          %swap3A_657 = arith.index_cast %add3A_656 : i32 to index
          %swap3A_658 = tpu.vector_load %arg7[%swap3A_657] {strides = array<i32>} : memref<81920xbf16, #tpu.memory_space<vmem>>, vector<32xbf16>,
          tpu.vector_store %arg7[%swap3A_657], %max3A_654 {strides = array<i32>} : memref<81920xbf16, #tpu.memory_space<vmem>>, vector<32xbf16>,
          %mul3A_659 = arith.mulf %bitcast3A_641, %pack3A : vector<32xbf16>
          %max3A_660 = arith.maximumf %get3A_622, %mul3A_659 : vector<32xbf16>
          %add3A_661 = arith.constant 96 : i32
          %add3A_662 = arith.addi %scan3A_590, %add3A_661 : i32
          %swap3A_663 = arith.index_cast %add3A_662 : i32 to index
          %swap3A_664 = tpu.vector_load %arg7[%swap3A_663] {strides = array<i32>} : memref<81920xbf16, #tpu.memory_space<vmem>>, vector<32xbf16>,
          tpu.vector_store %arg7[%swap3A_663], %max3A_660 {strides = array<i32>} : memref<81920xbf16, #tpu.memory_space<vmem>>, vector<32xbf16>,
          scf.yield %mul3A_599 : i32
        }
        %scan3A_588 = arith.constant 128 : i32
      } else {
      }
      %mul3A_531 = arith.constant 144 : i32
      %mul3A_532 = arith.muli %add3A_523, %mul3A_531 : i32
      %mul3A_533 = arith.constant 128 : i32
      %mul3A_534 = arith.muli %add3A_523, %mul3A_533 : i32
      %dma_start3A_535 = arith.constant 0 : i32
      %dma_start3A_536 = tpu.memref_slice %arg14[%mul3A_534, %dma_start3A_535] : memref<512x64xi32, #tpu.memory_space<vmem>> -> memref<128x64xi32, #tpu.memory_space<vmem>>
      %dma_start3A_537 = tpu.memref_slice %arg11[%mul3A_532] : memref<576xi32, #tpu.memory_space<vmem>> -> memref<128xi32, #tpu.memory_space<vmem>>
      %dma_start3A_538 = arith.constant 0 : i32
      %dma_start3A_539 = arith.constant 0 : i32
      %dma_start3A_540 = tpu.memref_slice %arg2[%dma_start3A_538, %dma_start3A_539] : memref<10000x64xi32, #tpu.memory_space<hbm>> -> memref<10000x64xi32, #tpu.memory_space<hbm>>
      tpu.enqueue_indirect_dma source(%dma_start3A_540 : memref<10000x64xi32, #tpu.memory_space<hbm>>) target(%dma_start3A_536 : memref<128x64xi32, #tpu.memory_space<vmem>>) offsets(%dma_start3A_537 : memref<128xi32, #tpu.memory_space<vmem>>) semaphore(%arg16 : memref<!tpu.dma_semaphore, #tpu.memory_space<semaphore_mem>>)
      %mul3A_541 = arith.constant 144 : i32
      %mul3A_542 = arith.muli %sub3A_525, %mul3A_541 : i32
      %mul3A_543 = arith.constant 144 : i32
      %mul3A_544 = arith.muli %add3A_523, %mul3A_543 : i32
      %add3A_545 = arith.constant 128 : i32
      %add3A_546 = arith.addi %mul3A_544, %add3A_545 : i32
      %get3A_547 = arith.index_cast %add3A_546 : i32 to index
      %get3A_548 = tpu.vector_load %arg11[%get3A_547] {strides = array<i32>} : memref<576xi32, #tpu.memory_space<vmem>>, vector<16xi32>,
      %swap3A_549 = arith.index_cast %mul3A_542 : i32 to index
      %swap3A_550 = tpu.vector_load %arg11[%swap3A_549] {strides = array<i32>} : memref<576xi32, #tpu.memory_space<vmem>>, vector<16xi32>,
      tpu.vector_store %arg11[%swap3A_549], %get3A_548 {strides = array<i32>} : memref<576xi32, #tpu.memory_space<vmem>>, vector<16xi32>,
      %add3A_551 = arith.constant 128 : i32
      %add3A_552 = arith.addi %mul3A_544, %add3A_551 : i32
      %get3A_553 = arith.index_cast %add3A_552 : i32 to index
      %get3A_554 = tpu.vector_load %arg12[%get3A_553] {strides = array<i32>} : memref<576xi32, #tpu.memory_space<vmem>>, vector<16xi32>,
      %swap3A_555 = arith.index_cast %mul3A_542 : i32 to index
      %swap3A_556 = tpu.vector_load %arg12[%swap3A_555] {strides = array<i32>} : memref<576xi32, #tpu.memory_space<vmem>>, vector<16xi32>,
      tpu.vector_store %arg12[%swap3A_555], %get3A_554 {strides = array<i32>} : memref<576xi32, #tpu.memory_space<vmem>>, vector<16xi32>,
      %add3A_557 = arith.constant 128 : i32
      %add3A_558 = arith.addi %mul3A_544, %add3A_557 : i32
      %get3A_559 = arith.index_cast %add3A_558 : i32 to index
      %get3A_560 = tpu.vector_load %arg13[%get3A_559] {strides = array<i32>} : memref<576xf32, #tpu.memory_space<vmem>>, vector<16xf32>,
      %swap3A_561 = arith.index_cast %mul3A_542 : i32 to index
      %swap3A_562 = tpu.vector_load %arg13[%swap3A_561] {strides = array<i32>} : memref<576xf32, #tpu.memory_space<vmem>>, vector<16xf32>,
      tpu.vector_store %arg13[%swap3A_561], %get3A_560 {strides = array<i32>} : memref<576xf32, #tpu.memory_space<vmem>>, vector<16xf32>,
    } else {
    }
    %sub3A_386 = arith.constant 128 : i32
    %sub3A_387 = arith.subi %add3A_383, %sub3A_386 : i32
    %select_n3A_388 = arith.select %ge3A_384, %sub3A_387, %add3A_383 : i32
    %sub3A_389 = arith.constant 1 : i32
    %sub3A_390 = arith.subi %sub3A_389, %scan3A_358#2 : i32
    %select_n3A_391 = arith.select %ge3A_384, %sub3A_390, %scan3A_358#2 : i32
    %jit3A_392 = arith.constant 1 : i32
    %select_n3A_393 = arith.select %ge3A_384, %jit3A_392, %scan3A_358#3 : i32
    %eq3A_394 = arith.constant 1 : i32
    %eq3A_395 = arith.cmpi eq, %select_n3A_393, %eq3A_394 : i32
    %convert_element_type3A_396 = arith.extui %eq3A_395 : i1 to i32
    %cond3A_397 = arith.constant 0 : i32
    %cond3A_398 = arith.cmpi ne, %convert_element_type3A_396, %cond3A_397 : i32
    scf.if %cond3A_398 {
      %sub3A_522 = arith.constant 1 : i32
      %sub3A_523 = arith.subi %sub3A_522, %select_n3A_391 : i32
      %mul3A_524 = arith.constant 144 : i32
      %mul3A_525 = arith.muli %sub3A_523, %mul3A_524 : i32
      %mul3A_526 = arith.constant 128 : i32
      %mul3A_527 = arith.muli %sub3A_523, %mul3A_526 : i32
      %dma_wait3A_528 = arith.constant 0 : i32
      %dma_wait3A_529 = tpu.memref_slice %arg14[%mul3A_527, %dma_wait3A_528] : memref<512x64xi32, #tpu.memory_space<vmem>> -> memref<128x64xi32, #tpu.memory_space<vmem>>
      %dma_wait3A_530 = tpu.memref_slice %arg11[%mul3A_525] : memref<576xi32, #tpu.memory_space<vmem>> -> memref<128xi32, #tpu.memory_space<vmem>>
      %dma_wait3A_531 = arith.constant 0 : i32
      %dma_wait3A_532 = arith.constant 0 : i32
      %dma_wait3A_533 = tpu.memref_slice %arg2[%dma_wait3A_531, %dma_wait3A_532] : memref<10000x64xi32, #tpu.memory_space<hbm>> -> memref<10000x64xi32, #tpu.memory_space<hbm>>
      tpu.wait_indirect_dma semaphore(%arg16 : memref<!tpu.dma_semaphore, #tpu.memory_space<semaphore_mem>>) src(%dma_wait3A_533 : memref<10000x64xi32, #tpu.memory_space<hbm>>) dst(%dma_wait3A_529 : memref<128x64xi32, #tpu.memory_space<vmem>>)
      %sub3A_534 = arith.constant 1 : i32
      %sub3A_535 = arith.subi %sub3A_534, %select_n3A_391 : i32
      %mul3A_536 = arith.constant 144 : i32
      %mul3A_537 = arith.muli %sub3A_535, %mul3A_536 : i32
      %mul3A_538 = arith.constant 128 : i32
      %mul3A_539 = arith.muli %sub3A_535, %mul3A_538 : i32
      %get3A_540 = arith.index_cast %mul3A_537 : i32 to index
      %get3A_541 = tpu.vector_load %arg12[%get3A_540] {strides = array<i32>} : memref<576xi32, #tpu.memory_space<vmem>>, vector<16xi32>,
      %slice3A_542 = vector.extract_strided_slice %get3A_541 {offsets = [0], sizes = [1], strides = [1]} : vector<16xi32> to vector<1xi32>
      %squeeze3A_543 = vector.extract %slice3A_542[0] : i32 from vector<1xi32>
      %mul3A_544 = arith.constant 128 : i32
      %mul3A_545 = arith.muli %squeeze3A_543, %mul3A_544 : i32
      %scan3A_546 = arith.constant 0 : i32
      %scan3A_547 = arith.constant 128 : i32
      %scan3A_548 = arith.addi %scan3A_546, %scan3A_547 : i32
      %scan3A_549 = arith.constant 1 : i32
      %scan3A_550 = scf.for %scan3A_552 = %scan3A_546 to %scan3A_548 step %scan3A_549 iter_args(%scan3A_553 = %mul3A_545) -> (i32)  : i32 {
        %add3A_554 = arith.addi %mul3A_537, %scan3A_552 : i32
        %add3A_555 = arith.constant 1 : i32
        %add3A_556 = arith.addi %add3A_554, %add3A_555 : i32
        %get3A_557 = arith.index_cast %add3A_556 : i32 to index
        %get3A_558 = tpu.vector_load %arg12[%get3A_557] {strides = array<i32>} : memref<576xi32, #tpu.memory_space<vmem>>, vector<16xi32>,
        %slice3A_559 = vector.extract_strided_slice %get3A_558 {offsets = [0], sizes = [1], strides = [1]} : vector<16xi32> to vector<1xi32>
        %squeeze3A_560 = vector.extract %slice3A_559[0] : i32 from vector<1xi32>
        %mul3A_561 = arith.constant 128 : i32
        %mul3A_562 = arith.muli %squeeze3A_560, %mul3A_561 : i32
        %add3A_563 = arith.addi %mul3A_537, %scan3A_552 : i32
        %get3A_564 = arith.index_cast %add3A_563 : i32 to index
        %get3A_565 = tpu.vector_load %arg13[%get3A_564] {strides = array<i32>} : memref<576xf32, #tpu.memory_space<vmem>>, vector<16xf32>,
        %slice3A_566 = vector.extract_strided_slice %get3A_565 {offsets = [0], sizes = [1], strides = [1]} : vector<16xf32> to vector<1xf32>
        %squeeze3A_567 = vector.extract %slice3A_566[0] : f32 from vector<1xf32>
        %broadcast_in_dim3A_568 = vector.broadcast %squeeze3A_567 : f32 to vector<16xf32>
        %broadcast_in_dim3A_569 = vector.broadcast %squeeze3A_567 : f32 to vector<16xf32>
        %pack3A = tpu.pack_subelements %broadcast_in_dim3A_568, %broadcast_in_dim3A_569 {pack_format = #tpu.pack_format<interleaved>, positions = array<i32: 0, 1>} : vector<16xf32>, vector<16xf32> -> vector<32xbf16>
        %add3A_570 = arith.constant 0 : i32
        %add3A_571 = arith.addi %scan3A_553, %add3A_570 : i32
        %get3A_572 = arith.index_cast %add3A_571 : i32 to index
        %get3A_573 = tpu.vector_load %arg7[%get3A_572] {strides = array<i32>} : memref<81920xbf16, #tpu.memory_space<vmem>>, vector<32xbf16>,
        %add3A_574 = arith.constant 32 : i32
        %add3A_575 = arith.addi %scan3A_553, %add3A_574 : i32
        %get3A_576 = arith.index_cast %add3A_575 : i32 to index
        %get3A_577 = tpu.vector_load %arg7[%get3A_576] {strides = array<i32>} : memref<81920xbf16, #tpu.memory_space<vmem>>, vector<32xbf16>,
        %add3A_578 = arith.constant 64 : i32
        %add3A_579 = arith.addi %scan3A_553, %add3A_578 : i32
        %get3A_580 = arith.index_cast %add3A_579 : i32 to index
        %get3A_581 = tpu.vector_load %arg7[%get3A_580] {strides = array<i32>} : memref<81920xbf16, #tpu.memory_space<vmem>>, vector<32xbf16>,
        %add3A_582 = arith.constant 96 : i32
        %add3A_583 = arith.addi %scan3A_553, %add3A_582 : i32
        %get3A_584 = arith.index_cast %add3A_583 : i32 to index
        %get3A_585 = tpu.vector_load %arg7[%get3A_584] {strides = array<i32>} : memref<81920xbf16, #tpu.memory_space<vmem>>, vector<32xbf16>,
        %add3A_586 = arith.addi %mul3A_539, %scan3A_552 : i32
        %get3A_587 = arith.index_cast %add3A_586 : i32 to index
        %get3A_588 = arith.constant 0 : index
        %get3A_589 = tpu.vector_load %arg14[%get3A_587, %get3A_588] {strides = array<i32>} : memref<512x64xi32, #tpu.memory_space<vmem>>, vector<16xi32>,
        %bitcast3A = vector.bitcast %get3A_589 : vector<16xi32> to vector<32xbf16>
        %add3A_590 = arith.addi %mul3A_539, %scan3A_552 : i32
        %get3A_591 = arith.index_cast %add3A_590 : i32 to index
        %get3A_592 = arith.constant 16 : index
        %get3A_593 = tpu.vector_load %arg14[%get3A_591, %get3A_592] {strides = array<i32>} : memref<512x64xi32, #tpu.memory_space<vmem>>, vector<16xi32>,
        %bitcast3A_594 = vector.bitcast %get3A_593 : vector<16xi32> to vector<32xbf16>
        %add3A_595 = arith.addi %mul3A_539, %scan3A_552 : i32
        %get3A_596 = arith.index_cast %add3A_595 : i32 to index
        %get3A_597 = arith.constant 32 : index
        %get3A_598 = tpu.vector_load %arg14[%get3A_596, %get3A_597] {strides = array<i32>} : memref<512x64xi32, #tpu.memory_space<vmem>>, vector<16xi32>,
        %bitcast3A_599 = vector.bitcast %get3A_598 : vector<16xi32> to vector<32xbf16>
        %add3A_600 = arith.addi %mul3A_539, %scan3A_552 : i32
        %get3A_601 = arith.index_cast %add3A_600 : i32 to index
        %get3A_602 = arith.constant 48 : index
        %get3A_603 = tpu.vector_load %arg14[%get3A_601, %get3A_602] {strides = array<i32>} : memref<512x64xi32, #tpu.memory_space<vmem>>, vector<16xi32>,
        %bitcast3A_604 = vector.bitcast %get3A_603 : vector<16xi32> to vector<32xbf16>
        %mul3A_605 = arith.mulf %bitcast3A, %pack3A : vector<32xbf16>
        %max3A = arith.maximumf %get3A_573, %mul3A_605 : vector<32xbf16>
        %add3A_606 = arith.constant 0 : i32
        %add3A_607 = arith.addi %scan3A_553, %add3A_606 : i32
        %swap3A_608 = arith.index_cast %add3A_607 : i32 to index
        %swap3A_609 = tpu.vector_load %arg7[%swap3A_608] {strides = array<i32>} : memref<81920xbf16, #tpu.memory_space<vmem>>, vector<32xbf16>,
        tpu.vector_store %arg7[%swap3A_608], %max3A {strides = array<i32>} : memref<81920xbf16, #tpu.memory_space<vmem>>, vector<32xbf16>,
        %mul3A_610 = arith.mulf %bitcast3A_594, %pack3A : vector<32xbf16>
        %max3A_611 = arith.maximumf %get3A_577, %mul3A_610 : vector<32xbf16>
        %add3A_612 = arith.constant 32 : i32
        %add3A_613 = arith.addi %scan3A_553, %add3A_612 : i32
        %swap3A_614 = arith.index_cast %add3A_613 : i32 to index
        %swap3A_615 = tpu.vector_load %arg7[%swap3A_614] {strides = array<i32>} : memref<81920xbf16, #tpu.memory_space<vmem>>, vector<32xbf16>,
        tpu.vector_store %arg7[%swap3A_614], %max3A_611 {strides = array<i32>} : memref<81920xbf16, #tpu.memory_space<vmem>>, vector<32xbf16>,
        %mul3A_616 = arith.mulf %bitcast3A_599, %pack3A : vector<32xbf16>
        %max3A_617 = arith.maximumf %get3A_581, %mul3A_616 : vector<32xbf16>
        %add3A_618 = arith.constant 64 : i32
        %add3A_619 = arith.addi %scan3A_553, %add3A_618 : i32
        %swap3A_620 = arith.index_cast %add3A_619 : i32 to index
        %swap3A_621 = tpu.vector_load %arg7[%swap3A_620] {strides = array<i32>} : memref<81920xbf16, #tpu.memory_space<vmem>>, vector<32xbf16>,
        tpu.vector_store %arg7[%swap3A_620], %max3A_617 {strides = array<i32>} : memref<81920xbf16, #tpu.memory_space<vmem>>, vector<32xbf16>,
        %mul3A_622 = arith.mulf %bitcast3A_604, %pack3A : vector<32xbf16>
        %max3A_623 = arith.maximumf %get3A_585, %mul3A_622 : vector<32xbf16>
        %add3A_624 = arith.constant 96 : i32
        %add3A_625 = arith.addi %scan3A_553, %add3A_624 : i32
        %swap3A_626 = arith.index_cast %add3A_625 : i32 to index
        %swap3A_627 = tpu.vector_load %arg7[%swap3A_626] {strides = array<i32>} : memref<81920xbf16, #tpu.memory_space<vmem>>, vector<32xbf16>,
        tpu.vector_store %arg7[%swap3A_626], %max3A_623 {strides = array<i32>} : memref<81920xbf16, #tpu.memory_space<vmem>>, vector<32xbf16>,
        scf.yield %mul3A_562 : i32
      }
      %scan3A_551 = arith.constant 128 : i32
    } else {
    }
    %add3A_399 = arith.constant 0 : i32
    %add3A_400 = arith.addi %add3A_399, %select_n3A_391 : i32
    %mul3A_401 = arith.constant 144 : i32
    %mul3A_402 = arith.muli %add3A_400, %mul3A_401 : i32
    %mul3A_403 = arith.constant 128 : i32
    %mul3A_404 = arith.muli %add3A_400, %mul3A_403 : i32
    %dma_start3A_405 = arith.constant 0 : i32
    %dma_start3A_406 = tpu.memref_slice %arg14[%mul3A_404, %dma_start3A_405] : memref<512x64xi32, #tpu.memory_space<vmem>> -> memref<128x64xi32, #tpu.memory_space<vmem>>
    %dma_start3A_407 = tpu.memref_slice %arg11[%mul3A_402] : memref<576xi32, #tpu.memory_space<vmem>> -> memref<128xi32, #tpu.memory_space<vmem>>
    %dma_start3A_408 = arith.constant 0 : i32
    %dma_start3A_409 = arith.constant 0 : i32
    %dma_start3A_410 = tpu.memref_slice %arg2[%dma_start3A_408, %dma_start3A_409] : memref<10000x64xi32, #tpu.memory_space<hbm>> -> memref<10000x64xi32, #tpu.memory_space<hbm>>
    tpu.enqueue_indirect_dma source(%dma_start3A_410 : memref<10000x64xi32, #tpu.memory_space<hbm>>) target(%dma_start3A_406 : memref<128x64xi32, #tpu.memory_space<vmem>>) offsets(%dma_start3A_407 : memref<128xi32, #tpu.memory_space<vmem>>) semaphore(%arg16 : memref<!tpu.dma_semaphore, #tpu.memory_space<semaphore_mem>>)
    %add3A_411 = arith.constant 0 : i32
    %add3A_412 = arith.addi %add3A_411, %select_n3A_391 : i32
    %mul3A_413 = arith.constant 144 : i32
    %mul3A_414 = arith.muli %add3A_412, %mul3A_413 : i32
    %mul3A_415 = arith.constant 128 : i32
    %mul3A_416 = arith.muli %add3A_412, %mul3A_415 : i32
    %dma_wait3A_417 = arith.constant 0 : i32
    %dma_wait3A_418 = tpu.memref_slice %arg14[%mul3A_416, %dma_wait3A_417] : memref<512x64xi32, #tpu.memory_space<vmem>> -> memref<128x64xi32, #tpu.memory_space<vmem>>
    %dma_wait3A_419 = tpu.memref_slice %arg11[%mul3A_414] : memref<576xi32, #tpu.memory_space<vmem>> -> memref<128xi32, #tpu.memory_space<vmem>>
    %dma_wait3A_420 = arith.constant 0 : i32
    %dma_wait3A_421 = arith.constant 0 : i32
    %dma_wait3A_422 = tpu.memref_slice %arg2[%dma_wait3A_420, %dma_wait3A_421] : memref<10000x64xi32, #tpu.memory_space<hbm>> -> memref<10000x64xi32, #tpu.memory_space<hbm>>
    tpu.wait_indirect_dma semaphore(%arg16 : memref<!tpu.dma_semaphore, #tpu.memory_space<semaphore_mem>>) src(%dma_wait3A_422 : memref<10000x64xi32, #tpu.memory_space<hbm>>) dst(%dma_wait3A_418 : memref<128x64xi32, #tpu.memory_space<vmem>>)
    %add3A_423 = arith.constant 0 : i32
    %add3A_424 = arith.addi %add3A_423, %select_n3A_391 : i32
    %mul3A_425 = arith.constant 144 : i32
    %mul3A_426 = arith.muli %add3A_424, %mul3A_425 : i32
    %mul3A_427 = arith.constant 128 : i32
    %mul3A_428 = arith.muli %add3A_424, %mul3A_427 : i32
    %get3A = arith.index_cast %mul3A_426 : i32 to index
    %get3A_429 = tpu.vector_load %arg12[%get3A] {strides = array<i32>} : memref<576xi32, #tpu.memory_space<vmem>>, vector<16xi32>,
    %slice3A = vector.extract_strided_slice %get3A_429 {offsets = [0], sizes = [1], strides = [1]} : vector<16xi32> to vector<1xi32>
    %squeeze3A = vector.extract %slice3A[0] : i32 from vector<1xi32>
    %mul3A_430 = arith.constant 128 : i32
    %mul3A_431 = arith.muli %squeeze3A, %mul3A_430 : i32
    %while3A = arith.constant 0 : i32
    %while3A_432 = arith.subi %select_n3A_388, %while3A : i32
    %while3A_433 = arith.addi %while3A, %while3A_432 : i32
    %while3A_434 = arith.constant 1 : i32
    %while3A_435 = arith.divsi %while3A_432, %while3A_434 : i32
    %while3A_436 = arith.muli %while3A_435, %while3A_434 : i32
    %while3A_437 = arith.addi %while3A, %while3A_436 : i32
    %while3A_438 = arith.constant 1 : i32
    %while3A_439 = scf.for %while3A_522 = %while3A to %while3A_437 step %while3A_438 iter_args(%while3A_523 = %mul3A_431) -> (i32)  : i32 {
      %add3A_524 = arith.addi %mul3A_426, %while3A_522 : i32
      %add3A_525 = arith.constant 1 : i32
      %add3A_526 = arith.addi %add3A_524, %add3A_525 : i32
      %get3A_527 = arith.index_cast %add3A_526 : i32 to index
      %get3A_528 = tpu.vector_load %arg12[%get3A_527] {strides = array<i32>} : memref<576xi32, #tpu.memory_space<vmem>>, vector<16xi32>,
      %slice3A_529 = vector.extract_strided_slice %get3A_528 {offsets = [0], sizes = [1], strides = [1]} : vector<16xi32> to vector<1xi32>
      %squeeze3A_530 = vector.extract %slice3A_529[0] : i32 from vector<1xi32>
      %mul3A_531 = arith.constant 128 : i32
      %mul3A_532 = arith.muli %squeeze3A_530, %mul3A_531 : i32
      %add3A_533 = arith.addi %mul3A_426, %while3A_522 : i32
      %get3A_534 = arith.index_cast %add3A_533 : i32 to index
      %get3A_535 = tpu.vector_load %arg13[%get3A_534] {strides = array<i32>} : memref<576xf32, #tpu.memory_space<vmem>>, vector<16xf32>,
      %slice3A_536 = vector.extract_strided_slice %get3A_535 {offsets = [0], sizes = [1], strides = [1]} : vector<16xf32> to vector<1xf32>
      %squeeze3A_537 = vector.extract %slice3A_536[0] : f32 from vector<1xf32>
      %broadcast_in_dim3A_538 = vector.broadcast %squeeze3A_537 : f32 to vector<16xf32>
      %broadcast_in_dim3A_539 = vector.broadcast %squeeze3A_537 : f32 to vector<16xf32>
      %pack3A = tpu.pack_subelements %broadcast_in_dim3A_538, %broadcast_in_dim3A_539 {pack_format = #tpu.pack_format<interleaved>, positions = array<i32: 0, 1>} : vector<16xf32>, vector<16xf32> -> vector<32xbf16>
      %add3A_540 = arith.constant 0 : i32
      %add3A_541 = arith.addi %while3A_523, %add3A_540 : i32
      %get3A_542 = arith.index_cast %add3A_541 : i32 to index
      %get3A_543 = tpu.vector_load %arg7[%get3A_542] {strides = array<i32>} : memref<81920xbf16, #tpu.memory_space<vmem>>, vector<32xbf16>,
      %add3A_544 = arith.constant 32 : i32
      %add3A_545 = arith.addi %while3A_523, %add3A_544 : i32
      %get3A_546 = arith.index_cast %add3A_545 : i32 to index
      %get3A_547 = tpu.vector_load %arg7[%get3A_546] {strides = array<i32>} : memref<81920xbf16, #tpu.memory_space<vmem>>, vector<32xbf16>,
      %add3A_548 = arith.constant 64 : i32
      %add3A_549 = arith.addi %while3A_523, %add3A_548 : i32
      %get3A_550 = arith.index_cast %add3A_549 : i32 to index
      %get3A_551 = tpu.vector_load %arg7[%get3A_550] {strides = array<i32>} : memref<81920xbf16, #tpu.memory_space<vmem>>, vector<32xbf16>,
      %add3A_552 = arith.constant 96 : i32
      %add3A_553 = arith.addi %while3A_523, %add3A_552 : i32
      %get3A_554 = arith.index_cast %add3A_553 : i32 to index
      %get3A_555 = tpu.vector_load %arg7[%get3A_554] {strides = array<i32>} : memref<81920xbf16, #tpu.memory_space<vmem>>, vector<32xbf16>,
      %add3A_556 = arith.addi %mul3A_428, %while3A_522 : i32
      %get3A_557 = arith.index_cast %add3A_556 : i32 to index
      %get3A_558 = arith.constant 0 : index
      %get3A_559 = tpu.vector_load %arg14[%get3A_557, %get3A_558] {strides = array<i32>} : memref<512x64xi32, #tpu.memory_space<vmem>>, vector<16xi32>,
      %bitcast3A = vector.bitcast %get3A_559 : vector<16xi32> to vector<32xbf16>
      %add3A_560 = arith.addi %mul3A_428, %while3A_522 : i32
      %get3A_561 = arith.index_cast %add3A_560 : i32 to index
      %get3A_562 = arith.constant 16 : index
      %get3A_563 = tpu.vector_load %arg14[%get3A_561, %get3A_562] {strides = array<i32>} : memref<512x64xi32, #tpu.memory_space<vmem>>, vector<16xi32>,
      %bitcast3A_564 = vector.bitcast %get3A_563 : vector<16xi32> to vector<32xbf16>
      %add3A_565 = arith.addi %mul3A_428, %while3A_522 : i32
      %get3A_566 = arith.index_cast %add3A_565 : i32 to index
      %get3A_567 = arith.constant 32 : index
      %get3A_568 = tpu.vector_load %arg14[%get3A_566, %get3A_567] {strides = array<i32>} : memref<512x64xi32, #tpu.memory_space<vmem>>, vector<16xi32>,
      %bitcast3A_569 = vector.bitcast %get3A_568 : vector<16xi32> to vector<32xbf16>
      %add3A_570 = arith.addi %mul3A_428, %while3A_522 : i32
      %get3A_571 = arith.index_cast %add3A_570 : i32 to index
      %get3A_572 = arith.constant 48 : index
      %get3A_573 = tpu.vector_load %arg14[%get3A_571, %get3A_572] {strides = array<i32>} : memref<512x64xi32, #tpu.memory_space<vmem>>, vector<16xi32>,
      %bitcast3A_574 = vector.bitcast %get3A_573 : vector<16xi32> to vector<32xbf16>
      %mul3A_575 = arith.mulf %bitcast3A, %pack3A : vector<32xbf16>
      %max3A = arith.maximumf %get3A_543, %mul3A_575 : vector<32xbf16>
      %add3A_576 = arith.constant 0 : i32
      %add3A_577 = arith.addi %while3A_523, %add3A_576 : i32
      %swap3A_578 = arith.index_cast %add3A_577 : i32 to index
      %swap3A_579 = tpu.vector_load %arg7[%swap3A_578] {strides = array<i32>} : memref<81920xbf16, #tpu.memory_space<vmem>>, vector<32xbf16>,
      tpu.vector_store %arg7[%swap3A_578], %max3A {strides = array<i32>} : memref<81920xbf16, #tpu.memory_space<vmem>>, vector<32xbf16>,
      %mul3A_580 = arith.mulf %bitcast3A_564, %pack3A : vector<32xbf16>
      %max3A_581 = arith.maximumf %get3A_547, %mul3A_580 : vector<32xbf16>
      %add3A_582 = arith.constant 32 : i32
      %add3A_583 = arith.addi %while3A_523, %add3A_582 : i32
      %swap3A_584 = arith.index_cast %add3A_583 : i32 to index
      %swap3A_585 = tpu.vector_load %arg7[%swap3A_584] {strides = array<i32>} : memref<81920xbf16, #tpu.memory_space<vmem>>, vector<32xbf16>,
      tpu.vector_store %arg7[%swap3A_584], %max3A_581 {strides = array<i32>} : memref<81920xbf16, #tpu.memory_space<vmem>>, vector<32xbf16>,
      %mul3A_586 = arith.mulf %bitcast3A_569, %pack3A : vector<32xbf16>
      %max3A_587 = arith.maximumf %get3A_551, %mul3A_586 : vector<32xbf16>
      %add3A_588 = arith.constant 64 : i32
      %add3A_589 = arith.addi %while3A_523, %add3A_588 : i32
      %swap3A_590 = arith.index_cast %add3A_589 : i32 to index
      %swap3A_591 = tpu.vector_load %arg7[%swap3A_590] {strides = array<i32>} : memref<81920xbf16, #tpu.memory_space<vmem>>, vector<32xbf16>,
      tpu.vector_store %arg7[%swap3A_590], %max3A_587 {strides = array<i32>} : memref<81920xbf16, #tpu.memory_space<vmem>>, vector<32xbf16>,
      %mul3A_592 = arith.mulf %bitcast3A_574, %pack3A : vector<32xbf16>
      %max3A_593 = arith.maximumf %get3A_555, %mul3A_592 : vector<32xbf16>
      %add3A_594 = arith.constant 96 : i32
      %add3A_595 = arith.addi %while3A_523, %add3A_594 : i32
      %swap3A_596 = arith.index_cast %add3A_595 : i32 to index
      %swap3A_597 = tpu.vector_load %arg7[%swap3A_596] {strides = array<i32>} : memref<81920xbf16, #tpu.memory_space<vmem>>, vector<32xbf16>,
      tpu.vector_store %arg7[%swap3A_596], %max3A_593 {strides = array<i32>} : memref<81920xbf16, #tpu.memory_space<vmem>>, vector<32xbf16>,
      scf.yield %mul3A_532 : i32
    }
    %while3A_440 = arith.constant 1 : i32
    %while3A_441 = scf.for %while3A_522 = %while3A_437 to %while3A_433 step %while3A_440 iter_args(%while3A_523 = %while3A_439) -> (i32)  : i32 {
      %add3A_524 = arith.addi %mul3A_426, %while3A_522 : i32
      %add3A_525 = arith.constant 1 : i32
      %add3A_526 = arith.addi %add3A_524, %add3A_525 : i32
      %get3A_527 = arith.index_cast %add3A_526 : i32 to index
      %get3A_528 = tpu.vector_load %arg12[%get3A_527] {strides = array<i32>} : memref<576xi32, #tpu.memory_space<vmem>>, vector<16xi32>,
      %slice3A_529 = vector.extract_strided_slice %get3A_528 {offsets = [0], sizes = [1], strides = [1]} : vector<16xi32> to vector<1xi32>
      %squeeze3A_530 = vector.extract %slice3A_529[0] : i32 from vector<1xi32>
      %mul3A_531 = arith.constant 128 : i32
      %mul3A_532 = arith.muli %squeeze3A_530, %mul3A_531 : i32
      %add3A_533 = arith.addi %mul3A_426, %while3A_522 : i32
      %get3A_534 = arith.index_cast %add3A_533 : i32 to index
      %get3A_535 = tpu.vector_load %arg13[%get3A_534] {strides = array<i32>} : memref<576xf32, #tpu.memory_space<vmem>>, vector<16xf32>,
      %slice3A_536 = vector.extract_strided_slice %get3A_535 {offsets = [0], sizes = [1], strides = [1]} : vector<16xf32> to vector<1xf32>
      %squeeze3A_537 = vector.extract %slice3A_536[0] : f32 from vector<1xf32>
      %broadcast_in_dim3A_538 = vector.broadcast %squeeze3A_537 : f32 to vector<16xf32>
      %broadcast_in_dim3A_539 = vector.broadcast %squeeze3A_537 : f32 to vector<16xf32>
      %pack3A = tpu.pack_subelements %broadcast_in_dim3A_538, %broadcast_in_dim3A_539 {pack_format = #tpu.pack_format<interleaved>, positions = array<i32: 0, 1>} : vector<16xf32>, vector<16xf32> -> vector<32xbf16>
      %add3A_540 = arith.constant 0 : i32
      %add3A_541 = arith.addi %while3A_523, %add3A_540 : i32
      %get3A_542 = arith.index_cast %add3A_541 : i32 to index
      %get3A_543 = tpu.vector_load %arg7[%get3A_542] {strides = array<i32>} : memref<81920xbf16, #tpu.memory_space<vmem>>, vector<32xbf16>,
      %add3A_544 = arith.constant 32 : i32
      %add3A_545 = arith.addi %while3A_523, %add3A_544 : i32
      %get3A_546 = arith.index_cast %add3A_545 : i32 to index
      %get3A_547 = tpu.vector_load %arg7[%get3A_546] {strides = array<i32>} : memref<81920xbf16, #tpu.memory_space<vmem>>, vector<32xbf16>,
      %add3A_548 = arith.constant 64 : i32
      %add3A_549 = arith.addi %while3A_523, %add3A_548 : i32
      %get3A_550 = arith.index_cast %add3A_549 : i32 to index
      %get3A_551 = tpu.vector_load %arg7[%get3A_550] {strides = array<i32>} : memref<81920xbf16, #tpu.memory_space<vmem>>, vector<32xbf16>,
      %add3A_552 = arith.constant 96 : i32
      %add3A_553 = arith.addi %while3A_523, %add3A_552 : i32
      %get3A_554 = arith.index_cast %add3A_553 : i32 to index
      %get3A_555 = tpu.vector_load %arg7[%get3A_554] {strides = array<i32>} : memref<81920xbf16, #tpu.memory_space<vmem>>, vector<32xbf16>,
      %add3A_556 = arith.addi %mul3A_428, %while3A_522 : i32
      %get3A_557 = arith.index_cast %add3A_556 : i32 to index
      %get3A_558 = arith.constant 0 : index
      %get3A_559 = tpu.vector_load %arg14[%get3A_557, %get3A_558] {strides = array<i32>} : memref<512x64xi32, #tpu.memory_space<vmem>>, vector<16xi32>,
      %bitcast3A = vector.bitcast %get3A_559 : vector<16xi32> to vector<32xbf16>
      %add3A_560 = arith.addi %mul3A_428, %while3A_522 : i32
      %get3A_561 = arith.index_cast %add3A_560 : i32 to index
      %get3A_562 = arith.constant 16 : index
      %get3A_563 = tpu.vector_load %arg14[%get3A_561, %get3A_562] {strides = array<i32>} : memref<512x64xi32, #tpu.memory_space<vmem>>, vector<16xi32>,
      %bitcast3A_564 = vector.bitcast %get3A_563 : vector<16xi32> to vector<32xbf16>
      %add3A_565 = arith.addi %mul3A_428, %while3A_522 : i32
      %get3A_566 = arith.index_cast %add3A_565 : i32 to index
      %get3A_567 = arith.constant 32 : index
      %get3A_568 = tpu.vector_load %arg14[%get3A_566, %get3A_567] {strides = array<i32>} : memref<512x64xi32, #tpu.memory_space<vmem>>, vector<16xi32>,
      %bitcast3A_569 = vector.bitcast %get3A_568 : vector<16xi32> to vector<32xbf16>
      %add3A_570 = arith.addi %mul3A_428, %while3A_522 : i32
      %get3A_571 = arith.index_cast %add3A_570 : i32 to index
      %get3A_572 = arith.constant 48 : index
      %get3A_573 = tpu.vector_load %arg14[%get3A_571, %get3A_572] {strides = array<i32>} : memref<512x64xi32, #tpu.memory_space<vmem>>, vector<16xi32>,
      %bitcast3A_574 = vector.bitcast %get3A_573 : vector<16xi32> to vector<32xbf16>
      %mul3A_575 = arith.mulf %bitcast3A, %pack3A : vector<32xbf16>
      %max3A = arith.maximumf %get3A_543, %mul3A_575 : vector<32xbf16>
      %add3A_576 = arith.constant 0 : i32
      %add3A_577 = arith.addi %while3A_523, %add3A_576 : i32
      %swap3A_578 = arith.index_cast %add3A_577 : i32 to index
      %swap3A_579 = tpu.vector_load %arg7[%swap3A_578] {strides = array<i32>} : memref<81920xbf16, #tpu.memory_space<vmem>>, vector<32xbf16>,
      tpu.vector_store %arg7[%swap3A_578], %max3A {strides = array<i32>} : memref<81920xbf16, #tpu.memory_space<vmem>>, vector<32xbf16>,
      %mul3A_580 = arith.mulf %bitcast3A_564, %pack3A : vector<32xbf16>
      %max3A_581 = arith.maximumf %get3A_547, %mul3A_580 : vector<32xbf16>
      %add3A_582 = arith.constant 32 : i32
      %add3A_583 = arith.addi %while3A_523, %add3A_582 : i32
      %swap3A_584 = arith.index_cast %add3A_583 : i32 to index
      %swap3A_585 = tpu.vector_load %arg7[%swap3A_584] {strides = array<i32>} : memref<81920xbf16, #tpu.memory_space<vmem>>, vector<32xbf16>,
      tpu.vector_store %arg7[%swap3A_584], %max3A_581 {strides = array<i32>} : memref<81920xbf16, #tpu.memory_space<vmem>>, vector<32xbf16>,
      %mul3A_586 = arith.mulf %bitcast3A_569, %pack3A : vector<32xbf16>
      %max3A_587 = arith.maximumf %get3A_551, %mul3A_586 : vector<32xbf16>
      %add3A_588 = arith.constant 64 : i32
      %add3A_589 = arith.addi %while3A_523, %add3A_588 : i32
      %swap3A_590 = arith.index_cast %add3A_589 : i32 to index
      %swap3A_591 = tpu.vector_load %arg7[%swap3A_590] {strides = array<i32>} : memref<81920xbf16, #tpu.memory_space<vmem>>, vector<32xbf16>,
      tpu.vector_store %arg7[%swap3A_590], %max3A_587 {strides = array<i32>} : memref<81920xbf16, #tpu.memory_space<vmem>>, vector<32xbf16>,
      %mul3A_592 = arith.mulf %bitcast3A_574, %pack3A : vector<32xbf16>
      %max3A_593 = arith.maximumf %get3A_555, %mul3A_592 : vector<32xbf16>
      %add3A_594 = arith.constant 96 : i32
      %add3A_595 = arith.addi %while3A_523, %add3A_594 : i32
      %swap3A_596 = arith.index_cast %add3A_595 : i32 to index
      %swap3A_597 = tpu.vector_load %arg7[%swap3A_596] {strides = array<i32>} : memref<81920xbf16, #tpu.memory_space<vmem>>, vector<32xbf16>,
      tpu.vector_store %arg7[%swap3A_596], %max3A_593 {strides = array<i32>} : memref<81920xbf16, #tpu.memory_space<vmem>>, vector<32xbf16>,
      scf.yield %mul3A_532 : i32
    }
    %add3A_442 = arith.addi %scan3A_358#4, %scan3A_358#5 : i32
    %ge3A_443 = arith.constant 128 : i32
    %ge3A_444 = arith.cmpi sge, %add3A_442, %ge3A_443 : i32
    %convert_element_type3A_445 = arith.extui %ge3A_444 : i1 to i32
    %cond3A_446 = arith.constant 0 : i32
    %cond3A_447 = arith.cmpi ne, %convert_element_type3A_445, %cond3A_446 : i32
    scf.if %cond3A_447 {
      %add3A_522 = arith.constant 2 : i32
      %add3A_523 = arith.addi %add3A_522, %scan3A_358#6 : i32
      %sub3A_524 = arith.constant 3 : i32
      %sub3A_525 = arith.subi %sub3A_524, %scan3A_358#6 : i32
      %eq3A_526 = arith.constant 1 : i32
      %eq3A_527 = arith.cmpi eq, %scan3A_358#7, %eq3A_526 : i32
      %convert_element_type3A_528 = arith.extui %eq3A_527 : i1 to i32
      %cond3A_529 = arith.constant 0 : i32
      %cond3A_530 = arith.cmpi ne, %convert_element_type3A_528, %cond3A_529 : i32
      scf.if %cond3A_530 {
        %mul3A_563 = arith.constant 144 : i32
        %mul3A_564 = arith.muli %sub3A_525, %mul3A_563 : i32
        %mul3A_565 = arith.constant 128 : i32
        %mul3A_566 = arith.muli %sub3A_525, %mul3A_565 : i32
        %dma_wait3A_567 = arith.constant 0 : i32
        %dma_wait3A_568 = tpu.memref_slice %arg14[%mul3A_566, %dma_wait3A_567] : memref<512x64xi32, #tpu.memory_space<vmem>> -> memref<128x64xi32, #tpu.memory_space<vmem>>
        %dma_wait3A_569 = tpu.memref_slice %arg11[%mul3A_564] : memref<576xi32, #tpu.memory_space<vmem>> -> memref<128xi32, #tpu.memory_space<vmem>>
        %dma_wait3A_570 = arith.constant 0 : i32
        %dma_wait3A_571 = arith.constant 0 : i32
        %dma_wait3A_572 = tpu.memref_slice %arg2[%dma_wait3A_570, %dma_wait3A_571] : memref<10000x64xi32, #tpu.memory_space<hbm>> -> memref<10000x64xi32, #tpu.memory_space<hbm>>
        tpu.wait_indirect_dma semaphore(%arg17 : memref<!tpu.dma_semaphore, #tpu.memory_space<semaphore_mem>>) src(%dma_wait3A_572 : memref<10000x64xi32, #tpu.memory_space<hbm>>) dst(%dma_wait3A_568 : memref<128x64xi32, #tpu.memory_space<vmem>>)
        %mul3A_573 = arith.constant 144 : i32
        %mul3A_574 = arith.muli %sub3A_525, %mul3A_573 : i32
        %mul3A_575 = arith.constant 128 : i32
        %mul3A_576 = arith.muli %sub3A_525, %mul3A_575 : i32
        %get3A_577 = arith.index_cast %mul3A_574 : i32 to index
        %get3A_578 = tpu.vector_load %arg12[%get3A_577] {strides = array<i32>} : memref<576xi32, #tpu.memory_space<vmem>>, vector<16xi32>,
        %slice3A_579 = vector.extract_strided_slice %get3A_578 {offsets = [0], sizes = [1], strides = [1]} : vector<16xi32> to vector<1xi32>
        %squeeze3A_580 = vector.extract %slice3A_579[0] : i32 from vector<1xi32>
        %mul3A_581 = arith.constant 128 : i32
        %mul3A_582 = arith.muli %squeeze3A_580, %mul3A_581 : i32
        %scan3A_583 = arith.constant 0 : i32
        %scan3A_584 = arith.constant 128 : i32
        %scan3A_585 = arith.addi %scan3A_583, %scan3A_584 : i32
        %scan3A_586 = arith.constant 1 : i32
        %scan3A_587 = scf.for %scan3A_589 = %scan3A_583 to %scan3A_585 step %scan3A_586 iter_args(%scan3A_590 = %mul3A_582) -> (i32)  : i32 {
          %add3A_591 = arith.addi %mul3A_574, %scan3A_589 : i32
          %add3A_592 = arith.constant 1 : i32
          %add3A_593 = arith.addi %add3A_591, %add3A_592 : i32
          %get3A_594 = arith.index_cast %add3A_593 : i32 to index
          %get3A_595 = tpu.vector_load %arg12[%get3A_594] {strides = array<i32>} : memref<576xi32, #tpu.memory_space<vmem>>, vector<16xi32>,
          %slice3A_596 = vector.extract_strided_slice %get3A_595 {offsets = [0], sizes = [1], strides = [1]} : vector<16xi32> to vector<1xi32>
          %squeeze3A_597 = vector.extract %slice3A_596[0] : i32 from vector<1xi32>
          %mul3A_598 = arith.constant 128 : i32
          %mul3A_599 = arith.muli %squeeze3A_597, %mul3A_598 : i32
          %add3A_600 = arith.addi %mul3A_574, %scan3A_589 : i32
          %get3A_601 = arith.index_cast %add3A_600 : i32 to index
          %get3A_602 = tpu.vector_load %arg13[%get3A_601] {strides = array<i32>} : memref<576xf32, #tpu.memory_space<vmem>>, vector<16xf32>,
          %slice3A_603 = vector.extract_strided_slice %get3A_602 {offsets = [0], sizes = [1], strides = [1]} : vector<16xf32> to vector<1xf32>
          %squeeze3A_604 = vector.extract %slice3A_603[0] : f32 from vector<1xf32>
          %broadcast_in_dim3A_605 = vector.broadcast %squeeze3A_604 : f32 to vector<16xf32>
          %broadcast_in_dim3A_606 = vector.broadcast %squeeze3A_604 : f32 to vector<16xf32>
          %pack3A = tpu.pack_subelements %broadcast_in_dim3A_605, %broadcast_in_dim3A_606 {pack_format = #tpu.pack_format<interleaved>, positions = array<i32: 0, 1>} : vector<16xf32>, vector<16xf32> -> vector<32xbf16>
          %add3A_607 = arith.constant 0 : i32
          %add3A_608 = arith.addi %scan3A_590, %add3A_607 : i32
          %get3A_609 = arith.index_cast %add3A_608 : i32 to index
          %get3A_610 = tpu.vector_load %arg7[%get3A_609] {strides = array<i32>} : memref<81920xbf16, #tpu.memory_space<vmem>>, vector<32xbf16>,
          %add3A_611 = arith.constant 32 : i32
          %add3A_612 = arith.addi %scan3A_590, %add3A_611 : i32
          %get3A_613 = arith.index_cast %add3A_612 : i32 to index
          %get3A_614 = tpu.vector_load %arg7[%get3A_613] {strides = array<i32>} : memref<81920xbf16, #tpu.memory_space<vmem>>, vector<32xbf16>,
          %add3A_615 = arith.constant 64 : i32
          %add3A_616 = arith.addi %scan3A_590, %add3A_615 : i32
          %get3A_617 = arith.index_cast %add3A_616 : i32 to index
          %get3A_618 = tpu.vector_load %arg7[%get3A_617] {strides = array<i32>} : memref<81920xbf16, #tpu.memory_space<vmem>>, vector<32xbf16>,
          %add3A_619 = arith.constant 96 : i32
          %add3A_620 = arith.addi %scan3A_590, %add3A_619 : i32
          %get3A_621 = arith.index_cast %add3A_620 : i32 to index
          %get3A_622 = tpu.vector_load %arg7[%get3A_621] {strides = array<i32>} : memref<81920xbf16, #tpu.memory_space<vmem>>, vector<32xbf16>,
          %add3A_623 = arith.addi %mul3A_576, %scan3A_589 : i32
          %get3A_624 = arith.index_cast %add3A_623 : i32 to index
          %get3A_625 = arith.constant 0 : index
          %get3A_626 = tpu.vector_load %arg14[%get3A_624, %get3A_625] {strides = array<i32>} : memref<512x64xi32, #tpu.memory_space<vmem>>, vector<16xi32>,
          %bitcast3A = vector.bitcast %get3A_626 : vector<16xi32> to vector<32xbf16>
          %add3A_627 = arith.addi %mul3A_576, %scan3A_589 : i32
          %get3A_628 = arith.index_cast %add3A_627 : i32 to index
          %get3A_629 = arith.constant 16 : index
          %get3A_630 = tpu.vector_load %arg14[%get3A_628, %get3A_629] {strides = array<i32>} : memref<512x64xi32, #tpu.memory_space<vmem>>, vector<16xi32>,
          %bitcast3A_631 = vector.bitcast %get3A_630 : vector<16xi32> to vector<32xbf16>
          %add3A_632 = arith.addi %mul3A_576, %scan3A_589 : i32
          %get3A_633 = arith.index_cast %add3A_632 : i32 to index
          %get3A_634 = arith.constant 32 : index
          %get3A_635 = tpu.vector_load %arg14[%get3A_633, %get3A_634] {strides = array<i32>} : memref<512x64xi32, #tpu.memory_space<vmem>>, vector<16xi32>,
          %bitcast3A_636 = vector.bitcast %get3A_635 : vector<16xi32> to vector<32xbf16>
          %add3A_637 = arith.addi %mul3A_576, %scan3A_589 : i32
          %get3A_638 = arith.index_cast %add3A_637 : i32 to index
          %get3A_639 = arith.constant 48 : index
          %get3A_640 = tpu.vector_load %arg14[%get3A_638, %get3A_639] {strides = array<i32>} : memref<512x64xi32, #tpu.memory_space<vmem>>, vector<16xi32>,
          %bitcast3A_641 = vector.bitcast %get3A_640 : vector<16xi32> to vector<32xbf16>
          %mul3A_642 = arith.mulf %bitcast3A, %pack3A : vector<32xbf16>
          %max3A = arith.maximumf %get3A_610, %mul3A_642 : vector<32xbf16>
          %add3A_643 = arith.constant 0 : i32
          %add3A_644 = arith.addi %scan3A_590, %add3A_643 : i32
          %swap3A_645 = arith.index_cast %add3A_644 : i32 to index
          %swap3A_646 = tpu.vector_load %arg7[%swap3A_645] {strides = array<i32>} : memref<81920xbf16, #tpu.memory_space<vmem>>, vector<32xbf16>,
          tpu.vector_store %arg7[%swap3A_645], %max3A {strides = array<i32>} : memref<81920xbf16, #tpu.memory_space<vmem>>, vector<32xbf16>,
          %mul3A_647 = arith.mulf %bitcast3A_631, %pack3A : vector<32xbf16>
          %max3A_648 = arith.maximumf %get3A_614, %mul3A_647 : vector<32xbf16>
          %add3A_649 = arith.constant 32 : i32
          %add3A_650 = arith.addi %scan3A_590, %add3A_649 : i32
          %swap3A_651 = arith.index_cast %add3A_650 : i32 to index
          %swap3A_652 = tpu.vector_load %arg7[%swap3A_651] {strides = array<i32>} : memref<81920xbf16, #tpu.memory_space<vmem>>, vector<32xbf16>,
          tpu.vector_store %arg7[%swap3A_651], %max3A_648 {strides = array<i32>} : memref<81920xbf16, #tpu.memory_space<vmem>>, vector<32xbf16>,
          %mul3A_653 = arith.mulf %bitcast3A_636, %pack3A : vector<32xbf16>
          %max3A_654 = arith.maximumf %get3A_618, %mul3A_653 : vector<32xbf16>
          %add3A_655 = arith.constant 64 : i32
          %add3A_656 = arith.addi %scan3A_590, %add3A_655 : i32
          %swap3A_657 = arith.index_cast %add3A_656 : i32 to index
          %swap3A_658 = tpu.vector_load %arg7[%swap3A_657] {strides = array<i32>} : memref<81920xbf16, #tpu.memory_space<vmem>>, vector<32xbf16>,
          tpu.vector_store %arg7[%swap3A_657], %max3A_654 {strides = array<i32>} : memref<81920xbf16, #tpu.memory_space<vmem>>, vector<32xbf16>,
          %mul3A_659 = arith.mulf %bitcast3A_641, %pack3A : vector<32xbf16>
          %max3A_660 = arith.maximumf %get3A_622, %mul3A_659 : vector<32xbf16>
          %add3A_661 = arith.constant 96 : i32
          %add3A_662 = arith.addi %scan3A_590, %add3A_661 : i32
          %swap3A_663 = arith.index_cast %add3A_662 : i32 to index
          %swap3A_664 = tpu.vector_load %arg7[%swap3A_663] {strides = array<i32>} : memref<81920xbf16, #tpu.memory_space<vmem>>, vector<32xbf16>,
          tpu.vector_store %arg7[%swap3A_663], %max3A_660 {strides = array<i32>} : memref<81920xbf16, #tpu.memory_space<vmem>>, vector<32xbf16>,
          scf.yield %mul3A_599 : i32
        }
        %scan3A_588 = arith.constant 128 : i32
      } else {
      }
      %mul3A_531 = arith.constant 144 : i32
      %mul3A_532 = arith.muli %add3A_523, %mul3A_531 : i32
      %mul3A_533 = arith.constant 128 : i32
      %mul3A_534 = arith.muli %add3A_523, %mul3A_533 : i32
      %dma_start3A_535 = arith.constant 0 : i32
      %dma_start3A_536 = tpu.memref_slice %arg14[%mul3A_534, %dma_start3A_535] : memref<512x64xi32, #tpu.memory_space<vmem>> -> memref<128x64xi32, #tpu.memory_space<vmem>>
      %dma_start3A_537 = tpu.memref_slice %arg11[%mul3A_532] : memref<576xi32, #tpu.memory_space<vmem>> -> memref<128xi32, #tpu.memory_space<vmem>>
      %dma_start3A_538 = arith.constant 0 : i32
      %dma_start3A_539 = arith.constant 0 : i32
      %dma_start3A_540 = tpu.memref_slice %arg2[%dma_start3A_538, %dma_start3A_539] : memref<10000x64xi32, #tpu.memory_space<hbm>> -> memref<10000x64xi32, #tpu.memory_space<hbm>>
      tpu.enqueue_indirect_dma source(%dma_start3A_540 : memref<10000x64xi32, #tpu.memory_space<hbm>>) target(%dma_start3A_536 : memref<128x64xi32, #tpu.memory_space<vmem>>) offsets(%dma_start3A_537 : memref<128xi32, #tpu.memory_space<vmem>>) semaphore(%arg17 : memref<!tpu.dma_semaphore, #tpu.memory_space<semaphore_mem>>)
      %mul3A_541 = arith.constant 144 : i32
      %mul3A_542 = arith.muli %sub3A_525, %mul3A_541 : i32
      %mul3A_543 = arith.constant 144 : i32
      %mul3A_544 = arith.muli %add3A_523, %mul3A_543 : i32
      %add3A_545 = arith.constant 128 : i32
      %add3A_546 = arith.addi %mul3A_544, %add3A_545 : i32
      %get3A_547 = arith.index_cast %add3A_546 : i32 to index
      %get3A_548 = tpu.vector_load %arg11[%get3A_547] {strides = array<i32>} : memref<576xi32, #tpu.memory_space<vmem>>, vector<16xi32>,
      %swap3A_549 = arith.index_cast %mul3A_542 : i32 to index
      %swap3A_550 = tpu.vector_load %arg11[%swap3A_549] {strides = array<i32>} : memref<576xi32, #tpu.memory_space<vmem>>, vector<16xi32>,
      tpu.vector_store %arg11[%swap3A_549], %get3A_548 {strides = array<i32>} : memref<576xi32, #tpu.memory_space<vmem>>, vector<16xi32>,
      %add3A_551 = arith.constant 128 : i32
      %add3A_552 = arith.addi %mul3A_544, %add3A_551 : i32
      %get3A_553 = arith.index_cast %add3A_552 : i32 to index
      %get3A_554 = tpu.vector_load %arg12[%get3A_553] {strides = array<i32>} : memref<576xi32, #tpu.memory_space<vmem>>, vector<16xi32>,
      %swap3A_555 = arith.index_cast %mul3A_542 : i32 to index
      %swap3A_556 = tpu.vector_load %arg12[%swap3A_555] {strides = array<i32>} : memref<576xi32, #tpu.memory_space<vmem>>, vector<16xi32>,
      tpu.vector_store %arg12[%swap3A_555], %get3A_554 {strides = array<i32>} : memref<576xi32, #tpu.memory_space<vmem>>, vector<16xi32>,
      %add3A_557 = arith.constant 128 : i32
      %add3A_558 = arith.addi %mul3A_544, %add3A_557 : i32
      %get3A_559 = arith.index_cast %add3A_558 : i32 to index
      %get3A_560 = tpu.vector_load %arg13[%get3A_559] {strides = array<i32>} : memref<576xf32, #tpu.memory_space<vmem>>, vector<16xf32>,
      %swap3A_561 = arith.index_cast %mul3A_542 : i32 to index
      %swap3A_562 = tpu.vector_load %arg13[%swap3A_561] {strides = array<i32>} : memref<576xf32, #tpu.memory_space<vmem>>, vector<16xf32>,
      tpu.vector_store %arg13[%swap3A_561], %get3A_560 {strides = array<i32>} : memref<576xf32, #tpu.memory_space<vmem>>, vector<16xf32>,
    } else {
    }
    %sub3A_448 = arith.constant 128 : i32
    %sub3A_449 = arith.subi %add3A_442, %sub3A_448 : i32
    %select_n3A_450 = arith.select %ge3A_444, %sub3A_449, %add3A_442 : i32
    %sub3A_451 = arith.constant 1 : i32
    %sub3A_452 = arith.subi %sub3A_451, %scan3A_358#6 : i32
    %select_n3A_453 = arith.select %ge3A_444, %sub3A_452, %scan3A_358#6 : i32
    %jit3A_454 = arith.constant 1 : i32
    %select_n3A_455 = arith.select %ge3A_444, %jit3A_454, %scan3A_358#7 : i32
    %eq3A_456 = arith.constant 1 : i32
    %eq3A_457 = arith.cmpi eq, %select_n3A_455, %eq3A_456 : i32
    %convert_element_type3A_458 = arith.extui %eq3A_457 : i1 to i32
    %cond3A_459 = arith.constant 0 : i32
    %cond3A_460 = arith.cmpi ne, %convert_element_type3A_458, %cond3A_459 : i32
    scf.if %cond3A_460 {
      %sub3A_522 = arith.constant 3 : i32
      %sub3A_523 = arith.subi %sub3A_522, %select_n3A_453 : i32
      %mul3A_524 = arith.constant 144 : i32
      %mul3A_525 = arith.muli %sub3A_523, %mul3A_524 : i32
      %mul3A_526 = arith.constant 128 : i32
      %mul3A_527 = arith.muli %sub3A_523, %mul3A_526 : i32
      %dma_wait3A_528 = arith.constant 0 : i32
      %dma_wait3A_529 = tpu.memref_slice %arg14[%mul3A_527, %dma_wait3A_528] : memref<512x64xi32, #tpu.memory_space<vmem>> -> memref<128x64xi32, #tpu.memory_space<vmem>>
      %dma_wait3A_530 = tpu.memref_slice %arg11[%mul3A_525] : memref<576xi32, #tpu.memory_space<vmem>> -> memref<128xi32, #tpu.memory_space<vmem>>
      %dma_wait3A_531 = arith.constant 0 : i32
      %dma_wait3A_532 = arith.constant 0 : i32
      %dma_wait3A_533 = tpu.memref_slice %arg2[%dma_wait3A_531, %dma_wait3A_532] : memref<10000x64xi32, #tpu.memory_space<hbm>> -> memref<10000x64xi32, #tpu.memory_space<hbm>>
      tpu.wait_indirect_dma semaphore(%arg17 : memref<!tpu.dma_semaphore, #tpu.memory_space<semaphore_mem>>) src(%dma_wait3A_533 : memref<10000x64xi32, #tpu.memory_space<hbm>>) dst(%dma_wait3A_529 : memref<128x64xi32, #tpu.memory_space<vmem>>)
      %sub3A_534 = arith.constant 3 : i32
      %sub3A_535 = arith.subi %sub3A_534, %select_n3A_453 : i32
      %mul3A_536 = arith.constant 144 : i32
      %mul3A_537 = arith.muli %sub3A_535, %mul3A_536 : i32
      %mul3A_538 = arith.constant 128 : i32
      %mul3A_539 = arith.muli %sub3A_535, %mul3A_538 : i32
      %get3A_540 = arith.index_cast %mul3A_537 : i32 to index
      %get3A_541 = tpu.vector_load %arg12[%get3A_540] {strides = array<i32>} : memref<576xi32, #tpu.memory_space<vmem>>, vector<16xi32>,
      %slice3A_542 = vector.extract_strided_slice %get3A_541 {offsets = [0], sizes = [1], strides = [1]} : vector<16xi32> to vector<1xi32>
      %squeeze3A_543 = vector.extract %slice3A_542[0] : i32 from vector<1xi32>
      %mul3A_544 = arith.constant 128 : i32
      %mul3A_545 = arith.muli %squeeze3A_543, %mul3A_544 : i32
      %scan3A_546 = arith.constant 0 : i32
      %scan3A_547 = arith.constant 128 : i32
      %scan3A_548 = arith.addi %scan3A_546, %scan3A_547 : i32
      %scan3A_549 = arith.constant 1 : i32
      %scan3A_550 = scf.for %scan3A_552 = %scan3A_546 to %scan3A_548 step %scan3A_549 iter_args(%scan3A_553 = %mul3A_545) -> (i32)  : i32 {
        %add3A_554 = arith.addi %mul3A_537, %scan3A_552 : i32
        %add3A_555 = arith.constant 1 : i32
        %add3A_556 = arith.addi %add3A_554, %add3A_555 : i32
        %get3A_557 = arith.index_cast %add3A_556 : i32 to index
        %get3A_558 = tpu.vector_load %arg12[%get3A_557] {strides = array<i32>} : memref<576xi32, #tpu.memory_space<vmem>>, vector<16xi32>,
        %slice3A_559 = vector.extract_strided_slice %get3A_558 {offsets = [0], sizes = [1], strides = [1]} : vector<16xi32> to vector<1xi32>
        %squeeze3A_560 = vector.extract %slice3A_559[0] : i32 from vector<1xi32>
        %mul3A_561 = arith.constant 128 : i32
        %mul3A_562 = arith.muli %squeeze3A_560, %mul3A_561 : i32
        %add3A_563 = arith.addi %mul3A_537, %scan3A_552 : i32
        %get3A_564 = arith.index_cast %add3A_563 : i32 to index
        %get3A_565 = tpu.vector_load %arg13[%get3A_564] {strides = array<i32>} : memref<576xf32, #tpu.memory_space<vmem>>, vector<16xf32>,
        %slice3A_566 = vector.extract_strided_slice %get3A_565 {offsets = [0], sizes = [1], strides = [1]} : vector<16xf32> to vector<1xf32>
        %squeeze3A_567 = vector.extract %slice3A_566[0] : f32 from vector<1xf32>
        %broadcast_in_dim3A_568 = vector.broadcast %squeeze3A_567 : f32 to vector<16xf32>
        %broadcast_in_dim3A_569 = vector.broadcast %squeeze3A_567 : f32 to vector<16xf32>
        %pack3A = tpu.pack_subelements %broadcast_in_dim3A_568, %broadcast_in_dim3A_569 {pack_format = #tpu.pack_format<interleaved>, positions = array<i32: 0, 1>} : vector<16xf32>, vector<16xf32> -> vector<32xbf16>
        %add3A_570 = arith.constant 0 : i32
        %add3A_571 = arith.addi %scan3A_553, %add3A_570 : i32
        %get3A_572 = arith.index_cast %add3A_571 : i32 to index
        %get3A_573 = tpu.vector_load %arg7[%get3A_572] {strides = array<i32>} : memref<81920xbf16, #tpu.memory_space<vmem>>, vector<32xbf16>,
        %add3A_574 = arith.constant 32 : i32
        %add3A_575 = arith.addi %scan3A_553, %add3A_574 : i32
        %get3A_576 = arith.index_cast %add3A_575 : i32 to index
        %get3A_577 = tpu.vector_load %arg7[%get3A_576] {strides = array<i32>} : memref<81920xbf16, #tpu.memory_space<vmem>>, vector<32xbf16>,
        %add3A_578 = arith.constant 64 : i32
        %add3A_579 = arith.addi %scan3A_553, %add3A_578 : i32
        %get3A_580 = arith.index_cast %add3A_579 : i32 to index
        %get3A_581 = tpu.vector_load %arg7[%get3A_580] {strides = array<i32>} : memref<81920xbf16, #tpu.memory_space<vmem>>, vector<32xbf16>,
        %add3A_582 = arith.constant 96 : i32
        %add3A_583 = arith.addi %scan3A_553, %add3A_582 : i32
        %get3A_584 = arith.index_cast %add3A_583 : i32 to index
        %get3A_585 = tpu.vector_load %arg7[%get3A_584] {strides = array<i32>} : memref<81920xbf16, #tpu.memory_space<vmem>>, vector<32xbf16>,
        %add3A_586 = arith.addi %mul3A_539, %scan3A_552 : i32
        %get3A_587 = arith.index_cast %add3A_586 : i32 to index
        %get3A_588 = arith.constant 0 : index
        %get3A_589 = tpu.vector_load %arg14[%get3A_587, %get3A_588] {strides = array<i32>} : memref<512x64xi32, #tpu.memory_space<vmem>>, vector<16xi32>,
        %bitcast3A = vector.bitcast %get3A_589 : vector<16xi32> to vector<32xbf16>
        %add3A_590 = arith.addi %mul3A_539, %scan3A_552 : i32
        %get3A_591 = arith.index_cast %add3A_590 : i32 to index
        %get3A_592 = arith.constant 16 : index
        %get3A_593 = tpu.vector_load %arg14[%get3A_591, %get3A_592] {strides = array<i32>} : memref<512x64xi32, #tpu.memory_space<vmem>>, vector<16xi32>,
        %bitcast3A_594 = vector.bitcast %get3A_593 : vector<16xi32> to vector<32xbf16>
        %add3A_595 = arith.addi %mul3A_539, %scan3A_552 : i32
        %get3A_596 = arith.index_cast %add3A_595 : i32 to index
        %get3A_597 = arith.constant 32 : index
        %get3A_598 = tpu.vector_load %arg14[%get3A_596, %get3A_597] {strides = array<i32>} : memref<512x64xi32, #tpu.memory_space<vmem>>, vector<16xi32>,
        %bitcast3A_599 = vector.bitcast %get3A_598 : vector<16xi32> to vector<32xbf16>
        %add3A_600 = arith.addi %mul3A_539, %scan3A_552 : i32
        %get3A_601 = arith.index_cast %add3A_600 : i32 to index
        %get3A_602 = arith.constant 48 : index
        %get3A_603 = tpu.vector_load %arg14[%get3A_601, %get3A_602] {strides = array<i32>} : memref<512x64xi32, #tpu.memory_space<vmem>>, vector<16xi32>,
        %bitcast3A_604 = vector.bitcast %get3A_603 : vector<16xi32> to vector<32xbf16>
        %mul3A_605 = arith.mulf %bitcast3A, %pack3A : vector<32xbf16>
        %max3A = arith.maximumf %get3A_573, %mul3A_605 : vector<32xbf16>
        %add3A_606 = arith.constant 0 : i32
        %add3A_607 = arith.addi %scan3A_553, %add3A_606 : i32
        %swap3A_608 = arith.index_cast %add3A_607 : i32 to index
        %swap3A_609 = tpu.vector_load %arg7[%swap3A_608] {strides = array<i32>} : memref<81920xbf16, #tpu.memory_space<vmem>>, vector<32xbf16>,
        tpu.vector_store %arg7[%swap3A_608], %max3A {strides = array<i32>} : memref<81920xbf16, #tpu.memory_space<vmem>>, vector<32xbf16>,
        %mul3A_610 = arith.mulf %bitcast3A_594, %pack3A : vector<32xbf16>
        %max3A_611 = arith.maximumf %get3A_577, %mul3A_610 : vector<32xbf16>
        %add3A_612 = arith.constant 32 : i32
        %add3A_613 = arith.addi %scan3A_553, %add3A_612 : i32
        %swap3A_614 = arith.index_cast %add3A_613 : i32 to index
        %swap3A_615 = tpu.vector_load %arg7[%swap3A_614] {strides = array<i32>} : memref<81920xbf16, #tpu.memory_space<vmem>>, vector<32xbf16>,
        tpu.vector_store %arg7[%swap3A_614], %max3A_611 {strides = array<i32>} : memref<81920xbf16, #tpu.memory_space<vmem>>, vector<32xbf16>,
        %mul3A_616 = arith.mulf %bitcast3A_599, %pack3A : vector<32xbf16>
        %max3A_617 = arith.maximumf %get3A_581, %mul3A_616 : vector<32xbf16>
        %add3A_618 = arith.constant 64 : i32
        %add3A_619 = arith.addi %scan3A_553, %add3A_618 : i32
        %swap3A_620 = arith.index_cast %add3A_619 : i32 to index
        %swap3A_621 = tpu.vector_load %arg7[%swap3A_620] {strides = array<i32>} : memref<81920xbf16, #tpu.memory_space<vmem>>, vector<32xbf16>,
        tpu.vector_store %arg7[%swap3A_620], %max3A_617 {strides = array<i32>} : memref<81920xbf16, #tpu.memory_space<vmem>>, vector<32xbf16>,
        %mul3A_622 = arith.mulf %bitcast3A_604, %pack3A : vector<32xbf16>
        %max3A_623 = arith.maximumf %get3A_585, %mul3A_622 : vector<32xbf16>
        %add3A_624 = arith.constant 96 : i32
        %add3A_625 = arith.addi %scan3A_553, %add3A_624 : i32
        %swap3A_626 = arith.index_cast %add3A_625 : i32 to index
        %swap3A_627 = tpu.vector_load %arg7[%swap3A_626] {strides = array<i32>} : memref<81920xbf16, #tpu.memory_space<vmem>>, vector<32xbf16>,
        tpu.vector_store %arg7[%swap3A_626], %max3A_623 {strides = array<i32>} : memref<81920xbf16, #tpu.memory_space<vmem>>, vector<32xbf16>,
        scf.yield %mul3A_562 : i32
      }
      %scan3A_551 = arith.constant 128 : i32
    } else {
    }
    %add3A_461 = arith.constant 2 : i32
    %add3A_462 = arith.addi %add3A_461, %select_n3A_453 : i32
    %mul3A_463 = arith.constant 144 : i32
    %mul3A_464 = arith.muli %add3A_462, %mul3A_463 : i32
    %mul3A_465 = arith.constant 128 : i32
    %mul3A_466 = arith.muli %add3A_462, %mul3A_465 : i32
    %dma_start3A_467 = arith.constant 0 : i32
    %dma_start3A_468 = tpu.memref_slice %arg14[%mul3A_466, %dma_start3A_467] : memref<512x64xi32, #tpu.memory_space<vmem>> -> memref<128x64xi32, #tpu.memory_space<vmem>>
    %dma_start3A_469 = tpu.memref_slice %arg11[%mul3A_464] : memref<576xi32, #tpu.memory_space<vmem>> -> memref<128xi32, #tpu.memory_space<vmem>>
    %dma_start3A_470 = arith.constant 0 : i32
    %dma_start3A_471 = arith.constant 0 : i32
    %dma_start3A_472 = tpu.memref_slice %arg2[%dma_start3A_470, %dma_start3A_471] : memref<10000x64xi32, #tpu.memory_space<hbm>> -> memref<10000x64xi32, #tpu.memory_space<hbm>>
    tpu.enqueue_indirect_dma source(%dma_start3A_472 : memref<10000x64xi32, #tpu.memory_space<hbm>>) target(%dma_start3A_468 : memref<128x64xi32, #tpu.memory_space<vmem>>) offsets(%dma_start3A_469 : memref<128xi32, #tpu.memory_space<vmem>>) semaphore(%arg17 : memref<!tpu.dma_semaphore, #tpu.memory_space<semaphore_mem>>)
    %add3A_473 = arith.constant 2 : i32
    %add3A_474 = arith.addi %add3A_473, %select_n3A_453 : i32
    %mul3A_475 = arith.constant 144 : i32
    %mul3A_476 = arith.muli %add3A_474, %mul3A_475 : i32
    %mul3A_477 = arith.constant 128 : i32
    %mul3A_478 = arith.muli %add3A_474, %mul3A_477 : i32
    %dma_wait3A_479 = arith.constant 0 : i32
    %dma_wait3A_480 = tpu.memref_slice %arg14[%mul3A_478, %dma_wait3A_479] : memref<512x64xi32, #tpu.memory_space<vmem>> -> memref<128x64xi32, #tpu.memory_space<vmem>>
    %dma_wait3A_481 = tpu.memref_slice %arg11[%mul3A_476] : memref<576xi32, #tpu.memory_space<vmem>> -> memref<128xi32, #tpu.memory_space<vmem>>
    %dma_wait3A_482 = arith.constant 0 : i32
    %dma_wait3A_483 = arith.constant 0 : i32
    %dma_wait3A_484 = tpu.memref_slice %arg2[%dma_wait3A_482, %dma_wait3A_483] : memref<10000x64xi32, #tpu.memory_space<hbm>> -> memref<10000x64xi32, #tpu.memory_space<hbm>>
    tpu.wait_indirect_dma semaphore(%arg17 : memref<!tpu.dma_semaphore, #tpu.memory_space<semaphore_mem>>) src(%dma_wait3A_484 : memref<10000x64xi32, #tpu.memory_space<hbm>>) dst(%dma_wait3A_480 : memref<128x64xi32, #tpu.memory_space<vmem>>)
    %add3A_485 = arith.constant 2 : i32
    %add3A_486 = arith.addi %add3A_485, %select_n3A_453 : i32
    %mul3A_487 = arith.constant 144 : i32
    %mul3A_488 = arith.muli %add3A_486, %mul3A_487 : i32
    %mul3A_489 = arith.constant 128 : i32
    %mul3A_490 = arith.muli %add3A_486, %mul3A_489 : i32
    %get3A_491 = arith.index_cast %mul3A_488 : i32 to index
    %get3A_492 = tpu.vector_load %arg12[%get3A_491] {strides = array<i32>} : memref<576xi32, #tpu.memory_space<vmem>>, vector<16xi32>,
    %slice3A_493 = vector.extract_strided_slice %get3A_492 {offsets = [0], sizes = [1], strides = [1]} : vector<16xi32> to vector<1xi32>
    %squeeze3A_494 = vector.extract %slice3A_493[0] : i32 from vector<1xi32>
    %mul3A_495 = arith.constant 128 : i32
    %mul3A_496 = arith.muli %squeeze3A_494, %mul3A_495 : i32
    %while3A_497 = arith.constant 0 : i32
    %while3A_498 = arith.subi %select_n3A_450, %while3A_497 : i32
    %while3A_499 = arith.addi %while3A_497, %while3A_498 : i32
    %while3A_500 = arith.constant 1 : i32
    %while3A_501 = arith.divsi %while3A_498, %while3A_500 : i32
    %while3A_502 = arith.muli %while3A_501, %while3A_500 : i32
    %while3A_503 = arith.addi %while3A_497, %while3A_502 : i32
    %while3A_504 = arith.constant 1 : i32
    %while3A_505 = scf.for %while3A_522 = %while3A_497 to %while3A_503 step %while3A_504 iter_args(%while3A_523 = %mul3A_496) -> (i32)  : i32 {
      %add3A_524 = arith.addi %mul3A_488, %while3A_522 : i32
      %add3A_525 = arith.constant 1 : i32
      %add3A_526 = arith.addi %add3A_524, %add3A_525 : i32
      %get3A_527 = arith.index_cast %add3A_526 : i32 to index
      %get3A_528 = tpu.vector_load %arg12[%get3A_527] {strides = array<i32>} : memref<576xi32, #tpu.memory_space<vmem>>, vector<16xi32>,
      %slice3A_529 = vector.extract_strided_slice %get3A_528 {offsets = [0], sizes = [1], strides = [1]} : vector<16xi32> to vector<1xi32>
      %squeeze3A_530 = vector.extract %slice3A_529[0] : i32 from vector<1xi32>
      %mul3A_531 = arith.constant 128 : i32
      %mul3A_532 = arith.muli %squeeze3A_530, %mul3A_531 : i32
      %add3A_533 = arith.addi %mul3A_488, %while3A_522 : i32
      %get3A_534 = arith.index_cast %add3A_533 : i32 to index
      %get3A_535 = tpu.vector_load %arg13[%get3A_534] {strides = array<i32>} : memref<576xf32, #tpu.memory_space<vmem>>, vector<16xf32>,
      %slice3A_536 = vector.extract_strided_slice %get3A_535 {offsets = [0], sizes = [1], strides = [1]} : vector<16xf32> to vector<1xf32>
      %squeeze3A_537 = vector.extract %slice3A_536[0] : f32 from vector<1xf32>
      %broadcast_in_dim3A_538 = vector.broadcast %squeeze3A_537 : f32 to vector<16xf32>
      %broadcast_in_dim3A_539 = vector.broadcast %squeeze3A_537 : f32 to vector<16xf32>
      %pack3A = tpu.pack_subelements %broadcast_in_dim3A_538, %broadcast_in_dim3A_539 {pack_format = #tpu.pack_format<interleaved>, positions = array<i32: 0, 1>} : vector<16xf32>, vector<16xf32> -> vector<32xbf16>
      %add3A_540 = arith.constant 0 : i32
      %add3A_541 = arith.addi %while3A_523, %add3A_540 : i32
      %get3A_542 = arith.index_cast %add3A_541 : i32 to index
      %get3A_543 = tpu.vector_load %arg7[%get3A_542] {strides = array<i32>} : memref<81920xbf16, #tpu.memory_space<vmem>>, vector<32xbf16>,
      %add3A_544 = arith.constant 32 : i32
      %add3A_545 = arith.addi %while3A_523, %add3A_544 : i32
      %get3A_546 = arith.index_cast %add3A_545 : i32 to index
      %get3A_547 = tpu.vector_load %arg7[%get3A_546] {strides = array<i32>} : memref<81920xbf16, #tpu.memory_space<vmem>>, vector<32xbf16>,
      %add3A_548 = arith.constant 64 : i32
      %add3A_549 = arith.addi %while3A_523, %add3A_548 : i32
      %get3A_550 = arith.index_cast %add3A_549 : i32 to index
      %get3A_551 = tpu.vector_load %arg7[%get3A_550] {strides = array<i32>} : memref<81920xbf16, #tpu.memory_space<vmem>>, vector<32xbf16>,
      %add3A_552 = arith.constant 96 : i32
      %add3A_553 = arith.addi %while3A_523, %add3A_552 : i32
      %get3A_554 = arith.index_cast %add3A_553 : i32 to index
      %get3A_555 = tpu.vector_load %arg7[%get3A_554] {strides = array<i32>} : memref<81920xbf16, #tpu.memory_space<vmem>>, vector<32xbf16>,
      %add3A_556 = arith.addi %mul3A_490, %while3A_522 : i32
      %get3A_557 = arith.index_cast %add3A_556 : i32 to index
      %get3A_558 = arith.constant 0 : index
      %get3A_559 = tpu.vector_load %arg14[%get3A_557, %get3A_558] {strides = array<i32>} : memref<512x64xi32, #tpu.memory_space<vmem>>, vector<16xi32>,
      %bitcast3A = vector.bitcast %get3A_559 : vector<16xi32> to vector<32xbf16>
      %add3A_560 = arith.addi %mul3A_490, %while3A_522 : i32
      %get3A_561 = arith.index_cast %add3A_560 : i32 to index
      %get3A_562 = arith.constant 16 : index
      %get3A_563 = tpu.vector_load %arg14[%get3A_561, %get3A_562] {strides = array<i32>} : memref<512x64xi32, #tpu.memory_space<vmem>>, vector<16xi32>,
      %bitcast3A_564 = vector.bitcast %get3A_563 : vector<16xi32> to vector<32xbf16>
      %add3A_565 = arith.addi %mul3A_490, %while3A_522 : i32
      %get3A_566 = arith.index_cast %add3A_565 : i32 to index
      %get3A_567 = arith.constant 32 : index
      %get3A_568 = tpu.vector_load %arg14[%get3A_566, %get3A_567] {strides = array<i32>} : memref<512x64xi32, #tpu.memory_space<vmem>>, vector<16xi32>,
      %bitcast3A_569 = vector.bitcast %get3A_568 : vector<16xi32> to vector<32xbf16>
      %add3A_570 = arith.addi %mul3A_490, %while3A_522 : i32
      %get3A_571 = arith.index_cast %add3A_570 : i32 to index
      %get3A_572 = arith.constant 48 : index
      %get3A_573 = tpu.vector_load %arg14[%get3A_571, %get3A_572] {strides = array<i32>} : memref<512x64xi32, #tpu.memory_space<vmem>>, vector<16xi32>,
      %bitcast3A_574 = vector.bitcast %get3A_573 : vector<16xi32> to vector<32xbf16>
      %mul3A_575 = arith.mulf %bitcast3A, %pack3A : vector<32xbf16>
      %max3A = arith.maximumf %get3A_543, %mul3A_575 : vector<32xbf16>
      %add3A_576 = arith.constant 0 : i32
      %add3A_577 = arith.addi %while3A_523, %add3A_576 : i32
      %swap3A_578 = arith.index_cast %add3A_577 : i32 to index
      %swap3A_579 = tpu.vector_load %arg7[%swap3A_578] {strides = array<i32>} : memref<81920xbf16, #tpu.memory_space<vmem>>, vector<32xbf16>,
      tpu.vector_store %arg7[%swap3A_578], %max3A {strides = array<i32>} : memref<81920xbf16, #tpu.memory_space<vmem>>, vector<32xbf16>,
      %mul3A_580 = arith.mulf %bitcast3A_564, %pack3A : vector<32xbf16>
      %max3A_581 = arith.maximumf %get3A_547, %mul3A_580 : vector<32xbf16>
      %add3A_582 = arith.constant 32 : i32
      %add3A_583 = arith.addi %while3A_523, %add3A_582 : i32
      %swap3A_584 = arith.index_cast %add3A_583 : i32 to index
      %swap3A_585 = tpu.vector_load %arg7[%swap3A_584] {strides = array<i32>} : memref<81920xbf16, #tpu.memory_space<vmem>>, vector<32xbf16>,
      tpu.vector_store %arg7[%swap3A_584], %max3A_581 {strides = array<i32>} : memref<81920xbf16, #tpu.memory_space<vmem>>, vector<32xbf16>,
      %mul3A_586 = arith.mulf %bitcast3A_569, %pack3A : vector<32xbf16>
      %max3A_587 = arith.maximumf %get3A_551, %mul3A_586 : vector<32xbf16>
      %add3A_588 = arith.constant 64 : i32
      %add3A_589 = arith.addi %while3A_523, %add3A_588 : i32
      %swap3A_590 = arith.index_cast %add3A_589 : i32 to index
      %swap3A_591 = tpu.vector_load %arg7[%swap3A_590] {strides = array<i32>} : memref<81920xbf16, #tpu.memory_space<vmem>>, vector<32xbf16>,
      tpu.vector_store %arg7[%swap3A_590], %max3A_587 {strides = array<i32>} : memref<81920xbf16, #tpu.memory_space<vmem>>, vector<32xbf16>,
      %mul3A_592 = arith.mulf %bitcast3A_574, %pack3A : vector<32xbf16>
      %max3A_593 = arith.maximumf %get3A_555, %mul3A_592 : vector<32xbf16>
      %add3A_594 = arith.constant 96 : i32
      %add3A_595 = arith.addi %while3A_523, %add3A_594 : i32
      %swap3A_596 = arith.index_cast %add3A_595 : i32 to index
      %swap3A_597 = tpu.vector_load %arg7[%swap3A_596] {strides = array<i32>} : memref<81920xbf16, #tpu.memory_space<vmem>>, vector<32xbf16>,
      tpu.vector_store %arg7[%swap3A_596], %max3A_593 {strides = array<i32>} : memref<81920xbf16, #tpu.memory_space<vmem>>, vector<32xbf16>,
      scf.yield %mul3A_532 : i32
    }
    %while3A_506 = arith.constant 1 : i32
    %while3A_507 = scf.for %while3A_522 = %while3A_503 to %while3A_499 step %while3A_506 iter_args(%while3A_523 = %while3A_505) -> (i32)  : i32 {
      %add3A_524 = arith.addi %mul3A_488, %while3A_522 : i32
      %add3A_525 = arith.constant 1 : i32
      %add3A_526 = arith.addi %add3A_524, %add3A_525 : i32
      %get3A_527 = arith.index_cast %add3A_526 : i32 to index
      %get3A_528 = tpu.vector_load %arg12[%get3A_527] {strides = array<i32>} : memref<576xi32, #tpu.memory_space<vmem>>, vector<16xi32>,
      %slice3A_529 = vector.extract_strided_slice %get3A_528 {offsets = [0], sizes = [1], strides = [1]} : vector<16xi32> to vector<1xi32>
      %squeeze3A_530 = vector.extract %slice3A_529[0] : i32 from vector<1xi32>
      %mul3A_531 = arith.constant 128 : i32
      %mul3A_532 = arith.muli %squeeze3A_530, %mul3A_531 : i32
      %add3A_533 = arith.addi %mul3A_488, %while3A_522 : i32
      %get3A_534 = arith.index_cast %add3A_533 : i32 to index
      %get3A_535 = tpu.vector_load %arg13[%get3A_534] {strides = array<i32>} : memref<576xf32, #tpu.memory_space<vmem>>, vector<16xf32>,
      %slice3A_536 = vector.extract_strided_slice %get3A_535 {offsets = [0], sizes = [1], strides = [1]} : vector<16xf32> to vector<1xf32>
      %squeeze3A_537 = vector.extract %slice3A_536[0] : f32 from vector<1xf32>
      %broadcast_in_dim3A_538 = vector.broadcast %squeeze3A_537 : f32 to vector<16xf32>
      %broadcast_in_dim3A_539 = vector.broadcast %squeeze3A_537 : f32 to vector<16xf32>
      %pack3A = tpu.pack_subelements %broadcast_in_dim3A_538, %broadcast_in_dim3A_539 {pack_format = #tpu.pack_format<interleaved>, positions = array<i32: 0, 1>} : vector<16xf32>, vector<16xf32> -> vector<32xbf16>
      %add3A_540 = arith.constant 0 : i32
      %add3A_541 = arith.addi %while3A_523, %add3A_540 : i32
      %get3A_542 = arith.index_cast %add3A_541 : i32 to index
      %get3A_543 = tpu.vector_load %arg7[%get3A_542] {strides = array<i32>} : memref<81920xbf16, #tpu.memory_space<vmem>>, vector<32xbf16>,
      %add3A_544 = arith.constant 32 : i32
      %add3A_545 = arith.addi %while3A_523, %add3A_544 : i32
      %get3A_546 = arith.index_cast %add3A_545 : i32 to index
      %get3A_547 = tpu.vector_load %arg7[%get3A_546] {strides = array<i32>} : memref<81920xbf16, #tpu.memory_space<vmem>>, vector<32xbf16>,
      %add3A_548 = arith.constant 64 : i32
      %add3A_549 = arith.addi %while3A_523, %add3A_548 : i32
      %get3A_550 = arith.index_cast %add3A_549 : i32 to index
      %get3A_551 = tpu.vector_load %arg7[%get3A_550] {strides = array<i32>} : memref<81920xbf16, #tpu.memory_space<vmem>>, vector<32xbf16>,
      %add3A_552 = arith.constant 96 : i32
      %add3A_553 = arith.addi %while3A_523, %add3A_552 : i32
      %get3A_554 = arith.index_cast %add3A_553 : i32 to index
      %get3A_555 = tpu.vector_load %arg7[%get3A_554] {strides = array<i32>} : memref<81920xbf16, #tpu.memory_space<vmem>>, vector<32xbf16>,
      %add3A_556 = arith.addi %mul3A_490, %while3A_522 : i32
      %get3A_557 = arith.index_cast %add3A_556 : i32 to index
      %get3A_558 = arith.constant 0 : index
      %get3A_559 = tpu.vector_load %arg14[%get3A_557, %get3A_558] {strides = array<i32>} : memref<512x64xi32, #tpu.memory_space<vmem>>, vector<16xi32>,
      %bitcast3A = vector.bitcast %get3A_559 : vector<16xi32> to vector<32xbf16>
      %add3A_560 = arith.addi %mul3A_490, %while3A_522 : i32
      %get3A_561 = arith.index_cast %add3A_560 : i32 to index
      %get3A_562 = arith.constant 16 : index
      %get3A_563 = tpu.vector_load %arg14[%get3A_561, %get3A_562] {strides = array<i32>} : memref<512x64xi32, #tpu.memory_space<vmem>>, vector<16xi32>,
      %bitcast3A_564 = vector.bitcast %get3A_563 : vector<16xi32> to vector<32xbf16>
      %add3A_565 = arith.addi %mul3A_490, %while3A_522 : i32
      %get3A_566 = arith.index_cast %add3A_565 : i32 to index
      %get3A_567 = arith.constant 32 : index
      %get3A_568 = tpu.vector_load %arg14[%get3A_566, %get3A_567] {strides = array<i32>} : memref<512x64xi32, #tpu.memory_space<vmem>>, vector<16xi32>,
      %bitcast3A_569 = vector.bitcast %get3A_568 : vector<16xi32> to vector<32xbf16>
      %add3A_570 = arith.addi %mul3A_490, %while3A_522 : i32
      %get3A_571 = arith.index_cast %add3A_570 : i32 to index
      %get3A_572 = arith.constant 48 : index
      %get3A_573 = tpu.vector_load %arg14[%get3A_571, %get3A_572] {strides = array<i32>} : memref<512x64xi32, #tpu.memory_space<vmem>>, vector<16xi32>,
      %bitcast3A_574 = vector.bitcast %get3A_573 : vector<16xi32> to vector<32xbf16>
      %mul3A_575 = arith.mulf %bitcast3A, %pack3A : vector<32xbf16>
      %max3A = arith.maximumf %get3A_543, %mul3A_575 : vector<32xbf16>
      %add3A_576 = arith.constant 0 : i32
      %add3A_577 = arith.addi %while3A_523, %add3A_576 : i32
      %swap3A_578 = arith.index_cast %add3A_577 : i32 to index
      %swap3A_579 = tpu.vector_load %arg7[%swap3A_578] {strides = array<i32>} : memref<81920xbf16, #tpu.memory_space<vmem>>, vector<32xbf16>,
      tpu.vector_store %arg7[%swap3A_578], %max3A {strides = array<i32>} : memref<81920xbf16, #tpu.memory_space<vmem>>, vector<32xbf16>,
      %mul3A_580 = arith.mulf %bitcast3A_564, %pack3A : vector<32xbf16>
      %max3A_581 = arith.maximumf %get3A_547, %mul3A_580 : vector<32xbf16>
      %add3A_582 = arith.constant 32 : i32
      %add3A_583 = arith.addi %while3A_523, %add3A_582 : i32
      %swap3A_584 = arith.index_cast %add3A_583 : i32 to index
      %swap3A_585 = tpu.vector_load %arg7[%swap3A_584] {strides = array<i32>} : memref<81920xbf16, #tpu.memory_space<vmem>>, vector<32xbf16>,
      tpu.vector_store %arg7[%swap3A_584], %max3A_581 {strides = array<i32>} : memref<81920xbf16, #tpu.memory_space<vmem>>, vector<32xbf16>,
      %mul3A_586 = arith.mulf %bitcast3A_569, %pack3A : vector<32xbf16>
      %max3A_587 = arith.maximumf %get3A_551, %mul3A_586 : vector<32xbf16>
      %add3A_588 = arith.constant 64 : i32
      %add3A_589 = arith.addi %while3A_523, %add3A_588 : i32
      %swap3A_590 = arith.index_cast %add3A_589 : i32 to index
      %swap3A_591 = tpu.vector_load %arg7[%swap3A_590] {strides = array<i32>} : memref<81920xbf16, #tpu.memory_space<vmem>>, vector<32xbf16>,
      tpu.vector_store %arg7[%swap3A_590], %max3A_587 {strides = array<i32>} : memref<81920xbf16, #tpu.memory_space<vmem>>, vector<32xbf16>,
      %mul3A_592 = arith.mulf %bitcast3A_574, %pack3A : vector<32xbf16>
      %max3A_593 = arith.maximumf %get3A_555, %mul3A_592 : vector<32xbf16>
      %add3A_594 = arith.constant 96 : i32
      %add3A_595 = arith.addi %while3A_523, %add3A_594 : i32
      %swap3A_596 = arith.index_cast %add3A_595 : i32 to index
      %swap3A_597 = tpu.vector_load %arg7[%swap3A_596] {strides = array<i32>} : memref<81920xbf16, #tpu.memory_space<vmem>>, vector<32xbf16>,
      tpu.vector_store %arg7[%swap3A_596], %max3A_593 {strides = array<i32>} : memref<81920xbf16, #tpu.memory_space<vmem>>, vector<32xbf16>,
      scf.yield %mul3A_532 : i32
    }
    %mul3A_508 = arith.constant 640 : i32
    %mul3A_509 = arith.muli %add3A, %mul3A_508 : i32
    %mul3A_510 = arith.constant 128 : i32
    %mul3A_511 = arith.muli %mul3A_509, %mul3A_510 : i32
    %eq3A_512 = arith.constant 1 : i32
    %eq3A_513 = arith.cmpi eq, %select_n3A_30, %eq3A_512 : i32
    %convert_element_type3A_514 = arith.extui %eq3A_513 : i1 to i32
    %cond3A_515 = arith.constant 0 : i32
    %cond3A_516 = arith.cmpi ne, %convert_element_type3A_514, %cond3A_515 : i32
    scf.if %cond3A_516 {
      "tpu.region"() ({
        %run_scoped3A = tpu.sem_alloc : memref<!tpu.dma_semaphore, #tpu.memory_space<semaphore_mem>>
        %dma_start3A_522 = tpu.memref_slice %arg6[%mul3A_511] : memref<1310720xbf16, #tpu.memory_space<hbm>> -> memref<81920xbf16, #tpu.memory_space<hbm>>
        %dma_start3A_523 = tpu.memref_slice %arg6[%mul3A_511] : memref<1310720xbf16, #tpu.memory_space<hbm>> -> memref<81920xbf16, #tpu.memory_space<hbm>>
        tpu.enqueue_dma source(%arg7 : memref<81920xbf16, #tpu.memory_space<vmem>>) target(%dma_start3A_523 : memref<81920xbf16, #tpu.memory_space<hbm>>) target_semaphore(%run_scoped3A : memref<!tpu.dma_semaphore, #tpu.memory_space<semaphore_mem>>)
        %dma_wait3A_524 = tpu.memref_slice %arg6[%mul3A_511] : memref<1310720xbf16, #tpu.memory_space<hbm>> -> memref<81920xbf16, #tpu.memory_space<hbm>>
        %dma_wait3A_525 = tpu.memref_slice %arg6[%mul3A_511] : memref<1310720xbf16, #tpu.memory_space<hbm>> -> memref<81920xbf16, #tpu.memory_space<hbm>>
        tpu.wait_dma2 semaphore(%run_scoped3A : memref<!tpu.dma_semaphore, #tpu.memory_space<semaphore_mem>>) src(%arg7 : memref<81920xbf16, #tpu.memory_space<vmem>>) dst(%dma_wait3A_525 : memref<81920xbf16, #tpu.memory_space<hbm>>)
        tpu.yield
      }) : () -> ()
    } else {
    }
    %barrier3A = arith.constant 0 : index
    tpu.barrier barrier_id(%barrier3A)
    %eq3A_517 = arith.constant 0 : i32
    %eq3A_518 = arith.cmpi eq, %select_n3A_30, %eq3A_517 : i32
    %convert_element_type3A_519 = arith.extui %eq3A_518 : i1 to i32
    %cond3A_520 = arith.constant 0 : i32
    %cond3A_521 = arith.cmpi ne, %convert_element_type3A_519, %cond3A_520 : i32
    scf.if %cond3A_521 {
      %scan3A_522 = arith.constant 0 : i32
      %scan3A_523 = arith.constant 0 : i32
      %scan3A_524 = arith.constant 40 : i32
      %scan3A_525 = arith.addi %scan3A_523, %scan3A_524 : i32
      %scan3A_526 = arith.constant 1 : i32
      %scan3A_527 = scf.for %scan3A_529 = %scan3A_523 to %scan3A_525 step %scan3A_526 iter_args(%scan3A_530 = %scan3A_522) -> (i32)  : i32 {
        %mul3A_531 = arith.constant 2048 : i32
        %mul3A_532 = arith.muli %scan3A_529, %mul3A_531 : i32
        %add3A_533 = arith.addi %mul3A_511, %mul3A_532 : i32
        "tpu.region"() ({
          %run_scoped3A = tpu.sem_alloc : memref<!tpu.dma_semaphore, #tpu.memory_space<semaphore_mem>>
          %dma_start3A_542 = tpu.memref_slice %arg6[%add3A_533] : memref<1310720xbf16, #tpu.memory_space<hbm>> -> memref<2048xbf16, #tpu.memory_space<hbm>>
          %dma_start3A_543 = tpu.memref_slice %arg6[%add3A_533] : memref<1310720xbf16, #tpu.memory_space<hbm>> -> memref<2048xbf16, #tpu.memory_space<hbm>>
          tpu.enqueue_dma source(%dma_start3A_543 : memref<2048xbf16, #tpu.memory_space<hbm>>) target(%arg15 : memref<2048xbf16, #tpu.memory_space<vmem>>) target_semaphore(%run_scoped3A : memref<!tpu.dma_semaphore, #tpu.memory_space<semaphore_mem>>)
          %dma_wait3A_544 = tpu.memref_slice %arg6[%add3A_533] : memref<1310720xbf16, #tpu.memory_space<hbm>> -> memref<2048xbf16, #tpu.memory_space<hbm>>
          %dma_wait3A_545 = tpu.memref_slice %arg6[%add3A_533] : memref<1310720xbf16, #tpu.memory_space<hbm>> -> memref<2048xbf16, #tpu.memory_space<hbm>>
          tpu.wait_dma2 semaphore(%run_scoped3A : memref<!tpu.dma_semaphore, #tpu.memory_space<semaphore_mem>>) src(%dma_wait3A_545 : memref<2048xbf16, #tpu.memory_space<hbm>>) dst(%arg15 : memref<2048xbf16, #tpu.memory_space<vmem>>)
          tpu.yield
        }) : () -> ()
        %scan3A_534 = arith.constant 0 : i32
        %scan3A_535 = arith.constant 0 : i32
        %scan3A_536 = arith.constant 64 : i32
        %scan3A_537 = arith.addi %scan3A_535, %scan3A_536 : i32
        %scan3A_538 = arith.constant 1 : i32
        %scan3A_539 = scf.for %scan3A_542 = %scan3A_535 to %scan3A_537 step %scan3A_538 iter_args(%scan3A_543 = %scan3A_534) -> (i32)  : i32 {
          %mul3A_544 = arith.constant 2048 : i32
          %mul3A_545 = arith.muli %scan3A_529, %mul3A_544 : i32
          %mul3A_546 = arith.constant 32 : i32
          %mul3A_547 = arith.muli %scan3A_542, %mul3A_546 : i32
          %add3A_548 = arith.addi %mul3A_545, %mul3A_547 : i32
          %get3A_549 = arith.index_cast %add3A_548 : i32 to index
          %get3A_550 = tpu.vector_load %arg7[%get3A_549] {strides = array<i32>} : memref<81920xbf16, #tpu.memory_space<vmem>>, vector<32xbf16>,
          %mul3A_551 = arith.constant 32 : i32
          %mul3A_552 = arith.muli %scan3A_542, %mul3A_551 : i32
          %get3A_553 = arith.index_cast %mul3A_552 : i32 to index
          %get3A_554 = tpu.vector_load %arg15[%get3A_553] {strides = array<i32>} : memref<2048xbf16, #tpu.memory_space<vmem>>, vector<32xbf16>,
          %max3A = arith.maximumf %get3A_550, %get3A_554 : vector<32xbf16>
          %swap3A_555 = arith.index_cast %add3A_548 : i32 to index
          %swap3A_556 = tpu.vector_load %arg7[%swap3A_555] {strides = array<i32>} : memref<81920xbf16, #tpu.memory_space<vmem>>, vector<32xbf16>,
          tpu.vector_store %arg7[%swap3A_555], %max3A {strides = array<i32>} : memref<81920xbf16, #tpu.memory_space<vmem>>, vector<32xbf16>,
          %scan3A_557 = arith.constant 0 : i32
          scf.yield %scan3A_557 : i32
        }
        %scan3A_540 = arith.constant 64 : i32
        %scan3A_541 = arith.constant 0 : i32
        scf.yield %scan3A_541 : i32
      }
      %scan3A_528 = arith.constant 40 : i32
      "tpu.region"() ({
        %run_scoped3A = tpu.sem_alloc : memref<!tpu.dma_semaphore, #tpu.memory_space<semaphore_mem>>
        %dma_start3A_529 = tpu.memref_slice %arg6[%mul3A_511] : memref<1310720xbf16, #tpu.memory_space<hbm>> -> memref<81920xbf16, #tpu.memory_space<hbm>>
        %dma_start3A_530 = tpu.memref_slice %arg6[%mul3A_511] : memref<1310720xbf16, #tpu.memory_space<hbm>> -> memref<81920xbf16, #tpu.memory_space<hbm>>
        tpu.enqueue_dma source(%arg7 : memref<81920xbf16, #tpu.memory_space<vmem>>) target(%dma_start3A_530 : memref<81920xbf16, #tpu.memory_space<hbm>>) target_semaphore(%run_scoped3A : memref<!tpu.dma_semaphore, #tpu.memory_space<semaphore_mem>>)
        %dma_wait3A_531 = tpu.memref_slice %arg6[%mul3A_511] : memref<1310720xbf16, #tpu.memory_space<hbm>> -> memref<81920xbf16, #tpu.memory_space<hbm>>
        %dma_wait3A_532 = tpu.memref_slice %arg6[%mul3A_511] : memref<1310720xbf16, #tpu.memory_space<hbm>> -> memref<81920xbf16, #tpu.memory_space<hbm>>
        tpu.wait_dma2 semaphore(%run_scoped3A : memref<!tpu.dma_semaphore, #tpu.memory_space<semaphore_mem>>) src(%arg7 : memref<81920xbf16, #tpu.memory_space<vmem>>) dst(%dma_wait3A_532 : memref<81920xbf16, #tpu.memory_space<hbm>>)
        tpu.yield
      }) : () -> ()
    } else {
    }
    return
  }
}

module attributes {stable_mosaic.version = 14 : i64} {
  func.func @_mm_relu_body(%arg0: i32, %arg1: memref<1000x128xf32, #tpu.memory_space<vmem>>, %arg2: memref<128x128xf32, #tpu.memory_space<vmem>>, %arg3: memref<1x128xf32, #tpu.memory_space<vmem>>, %arg4: memref<1000x128xbf16, #tpu.memory_space<vmem>>) attributes {dimension_semantics = [#tpu.dimension_semantics<arbitrary>], iteration_bounds = array<i64: 10>, scalar_prefetch = 0 : i64, scratch_operands = 0 : i64, tpu.core_type = #tpu.core_type<tc>, window_params = [{transform_indices = @transform_0, window_bounds = array<i64: 1000, 128>}, {pipeline_mode = #tpu.pipeline_mode<synchronous>, transform_indices = @transform_1, window_bounds = array<i64: 128, 128>}, {pipeline_mode = #tpu.pipeline_mode<synchronous>, transform_indices = @transform_2, window_bounds = array<i64: 1, 128>}, {transform_indices = @transform_3, window_bounds = array<i64: 1000, 128>}]} {
    %get3A = arith.constant 0 : index
    %get3A_0 = arith.constant 0 : index
    %get3A_1 = vector.load %arg1[%get3A, %get3A_0] : memref<1000x128xf32, #tpu.memory_space<vmem>>, vector<1000x128xf32>
    %get3A_2 = arith.constant 0 : index
    %get3A_3 = arith.constant 0 : index
    %get3A_4 = vector.load %arg2[%get3A_2, %get3A_3] : memref<128x128xf32, #tpu.memory_space<vmem>>, vector<128x128xf32>
    %dot_general3A = arith.constant dense<0.000000e+00> : vector<1000x128xf32>
    %dot_general3A_5 = tpu.matmul %get3A_1, %get3A_4, %dot_general3A {dimension_numbers = #tpu.dot_dimension_numbers<[1], [0], [0], [1], [0, 0, 1, 1], [], []>, transpose_lhs_hint = false} : vector<1000x128xf32>, vector<128x128xf32>, vector<1000x128xf32> -> vector<1000x128xf32>
    %get3A_6 = arith.constant 0 : index
    %get3A_7 = arith.constant 0 : index
    %get3A_8 = vector.load %arg3[%get3A_6, %get3A_7] : memref<1x128xf32, #tpu.memory_space<vmem>>, vector<1x128xf32>
    %add3A = vector.broadcast %get3A_8 : vector<1x128xf32> to vector<1000x128xf32>
    %add3A_9 = arith.addf %dot_general3A_5, %add3A : vector<1000x128xf32>
    %max3A = arith.constant 0.000000e+00 : f32
    %max3A_10 = vector.broadcast %max3A : f32 to vector<1000x128xf32>
    %max3A_11 = arith.maximumf %add3A_9, %max3A_10 : vector<1000x128xf32>
    %convert_element_type3A = arith.truncf %max3A_11 : vector<1000x128xf32> to vector<1000x128xbf16>
    %swap3A = arith.constant 0 : index
    %swap3A_12 = arith.constant 0 : index
    %swap3A_13 = vector.load %arg4[%swap3A, %swap3A_12] : memref<1000x128xbf16, #tpu.memory_space<vmem>>, vector<1000x128xbf16>
    tpu.vector_store %arg4[%swap3A, %swap3A_12], %convert_element_type3A {strides = array<i32>} : memref<1000x128xbf16, #tpu.memory_space<vmem>>, vector<1000x128xbf16>,
    return
  }
  func.func @transform_0(%arg0: i32) -> (i32, i32) {
    %c0_i32 = arith.constant 0 : i32
    %c0_i32_0 = arith.constant 0 : i32
    return %arg0, %c0_i32 : i32, i32
  }
  func.func @transform_1(%arg0: i32) -> (i32, i32) {
    %c0_i32 = arith.constant 0 : i32
    %c0_i32_0 = arith.constant 0 : i32
    %c0_i32_1 = arith.constant 0 : i32
    return %c0_i32, %c0_i32_0 : i32, i32
  }
  func.func @transform_2(%arg0: i32) -> (i32, i32) {
    %c0_i32 = arith.constant 0 : i32
    %c0_i32_0 = arith.constant 0 : i32
    %c0_i32_1 = arith.constant 0 : i32
    return %c0_i32, %c0_i32_0 : i32, i32
  }
  func.func @transform_3(%arg0: i32) -> (i32, i32) {
    %c0_i32 = arith.constant 0 : i32
    %c0_i32_0 = arith.constant 0 : i32
    return %arg0, %c0_i32 : i32, i32
  }
}

module attributes {stable_mosaic.version = 14 : i64} {
  func.func @_final_body(%arg0: i32, %arg1: memref<1000x128xf32, #tpu.memory_space<vmem>>, %arg2: memref<1000x128xbf16, #tpu.memory_space<vmem>>, %arg3: memref<128x128xf32, #tpu.memory_space<vmem>>, %arg4: memref<128x128xbf16, #tpu.memory_space<vmem>>, %arg5: memref<1x128xf32, #tpu.memory_space<vmem>>, %arg6: memref<1000x128xf32, #tpu.memory_space<vmem>>) attributes {dimension_semantics = [#tpu.dimension_semantics<arbitrary>], iteration_bounds = array<i64: 10>, scalar_prefetch = 0 : i64, scratch_operands = 0 : i64, tpu.core_type = #tpu.core_type<tc>, window_params = [{transform_indices = @transform_0, window_bounds = array<i64: 1000, 128>}, {transform_indices = @transform_1, window_bounds = array<i64: 1000, 128>}, {pipeline_mode = #tpu.pipeline_mode<synchronous>, transform_indices = @transform_2, window_bounds = array<i64: 128, 128>}, {pipeline_mode = #tpu.pipeline_mode<synchronous>, transform_indices = @transform_3, window_bounds = array<i64: 128, 128>}, {pipeline_mode = #tpu.pipeline_mode<synchronous>, transform_indices = @transform_4, window_bounds = array<i64: 1, 128>}, {transform_indices = @transform_5, window_bounds = array<i64: 1000, 128>}]} {
    %get3A = arith.constant 0 : index
    %get3A_0 = arith.constant 0 : index
    %get3A_1 = vector.load %arg1[%get3A, %get3A_0] : memref<1000x128xf32, #tpu.memory_space<vmem>>, vector<1000x128xf32>
    %get3A_2 = arith.constant 0 : index
    %get3A_3 = arith.constant 0 : index
    %get3A_4 = vector.load %arg3[%get3A_2, %get3A_3] : memref<128x128xf32, #tpu.memory_space<vmem>>, vector<128x128xf32>
    %dot_general3A = arith.constant dense<0.000000e+00> : vector<1000x128xf32>
    %dot_general3A_5 = tpu.matmul %get3A_1, %get3A_4, %dot_general3A {dimension_numbers = #tpu.dot_dimension_numbers<[1], [0], [0], [1], [0, 0, 1, 1], [], []>, transpose_lhs_hint = false} : vector<1000x128xf32>, vector<128x128xf32>, vector<1000x128xf32> -> vector<1000x128xf32>
    %get3A_6 = arith.constant 0 : index
    %get3A_7 = arith.constant 0 : index
    %get3A_8 = vector.load %arg2[%get3A_6, %get3A_7] : memref<1000x128xbf16, #tpu.memory_space<vmem>>, vector<1000x128xbf16>
    %get3A_9 = arith.constant 0 : index
    %get3A_10 = arith.constant 0 : index
    %get3A_11 = vector.load %arg4[%get3A_9, %get3A_10] : memref<128x128xbf16, #tpu.memory_space<vmem>>, vector<128x128xbf16>
    %dot_general3A_12 = arith.constant dense<0.000000e+00> : vector<1000x128xf32>
    %dot_general3A_13 = tpu.matmul %get3A_8, %get3A_11, %dot_general3A_12 {dimension_numbers = #tpu.dot_dimension_numbers<[1], [0], [0], [1], [0, 0, 1, 1], [], []>, transpose_lhs_hint = false} : vector<1000x128xbf16>, vector<128x128xbf16>, vector<1000x128xf32> -> vector<1000x128xf32>
    %add3A = arith.addf %dot_general3A_5, %dot_general3A_13 : vector<1000x128xf32>
    %get3A_14 = arith.constant 0 : index
    %get3A_15 = arith.constant 0 : index
    %get3A_16 = vector.load %arg5[%get3A_14, %get3A_15] : memref<1x128xf32, #tpu.memory_space<vmem>>, vector<1x128xf32>
    %add3A_17 = vector.broadcast %get3A_16 : vector<1x128xf32> to vector<1000x128xf32>
    %add3A_18 = arith.addf %add3A, %add3A_17 : vector<1000x128xf32>
    %swap3A = arith.constant 0 : index
    %swap3A_19 = arith.constant 0 : index
    %swap3A_20 = vector.load %arg6[%swap3A, %swap3A_19] : memref<1000x128xf32, #tpu.memory_space<vmem>>, vector<1000x128xf32>
    tpu.vector_store %arg6[%swap3A, %swap3A_19], %add3A_18 {strides = array<i32>} : memref<1000x128xf32, #tpu.memory_space<vmem>>, vector<1000x128xf32>,
    return
  }
  func.func @transform_0(%arg0: i32) -> (i32, i32) {
    %c0_i32 = arith.constant 0 : i32
    %c0_i32_0 = arith.constant 0 : i32
    return %arg0, %c0_i32 : i32, i32
  }
  func.func @transform_1(%arg0: i32) -> (i32, i32) {
    %c0_i32 = arith.constant 0 : i32
    %c0_i32_0 = arith.constant 0 : i32
    return %arg0, %c0_i32 : i32, i32
  }
  func.func @transform_2(%arg0: i32) -> (i32, i32) {
    %c0_i32 = arith.constant 0 : i32
    %c0_i32_0 = arith.constant 0 : i32
    %c0_i32_1 = arith.constant 0 : i32
    return %c0_i32, %c0_i32_0 : i32, i32
  }
  func.func @transform_3(%arg0: i32) -> (i32, i32) {
    %c0_i32 = arith.constant 0 : i32
    %c0_i32_0 = arith.constant 0 : i32
    %c0_i32_1 = arith.constant 0 : i32
    return %c0_i32, %c0_i32_0 : i32, i32
  }
  func.func @transform_4(%arg0: i32) -> (i32, i32) {
    %c0_i32 = arith.constant 0 : i32
    %c0_i32_0 = arith.constant 0 : i32
    %c0_i32_1 = arith.constant 0 : i32
    return %c0_i32, %c0_i32_0 : i32, i32
  }
  func.func @transform_5(%arg0: i32) -> (i32, i32) {
    %c0_i32 = arith.constant 0 : i32
    %c0_i32_0 = arith.constant 0 : i32
    return %arg0, %c0_i32 : i32, i32
  }
}

</mosaic_0001>

<sc_bundles>
// kernel: kernel.5.cloned.1.call-start
scs
__scs_entry_jumppad:
0x0: {  	(pc) =	sbr.rel $0x88, $3  }
0x1: {  	(tag) =	ssettag $0x0;
	lr =	simm.s32 $0x1  }
0x2: {  	[smem:$0x3F98] =	sst lr;
	_ =	strace $0xD0000000  }
0x3: {  	_ = 	snop  }
0x4: {  	_ = 	snop  }
0x5: {  	_ = 	snop  }
0x6: {  	_ = 	snop  }
0x7: {  	_ = 	snop  }
__scs_overlays_trampoline_lowered:
0x8: {  	[smem:$0x3FA7] =	sst s0  }
0x9: {  	[smem:$0x3FA8] =	sst s1  }
0xa: {  	[smem:$0x3FA9] =	sst s2  }
0xb: {  	[smem:$0x3FAA] =	sst s3  }
0xc: {  	[smem:$0x3FAB] =	sst s4  }
0xd: {  	[smem:$0x3FAC] =	sst s5  }
0xe: {  	[smem:$0x3FAD] =	sst s6  }
0xf: {  	[smem:$0x3FAE] =	sst s7  }
0x10: {  	[smem:$0x3FAF] =	sst s8  }
0x11: {  	[smem:$0x3FB0] =	sst s9;
	s0 =	simm.s32 @!p0 $0x0  }
0x12: {  	s1 =	sld [smem:$0x3F96];
	s0 =	simm.s32 @p0 $0x1  }
0x13: {  	[smem:$0x3FB1] =	sst s0;
	s0 =	simm.s32 @!p1 $0x0  }
0x14: {  	s2 =	sld [smem:$0x3F95];
	s0 =	simm.s32 @p1 $0x1  }
0x15: {  	[smem:$0x3FB2] =	sst s0;
	s0 =	simm.s32 @!p2 $0x0  }
0x16: {  	s3 =	sld [smem:$0x3FDB];
	s0 =	simm.s32 @p2 $0x1  }
0x17: {  	s4 =	simm.s32 $0x1BF5;
	[smem:$0x3FB4] =	sst s0  }
0x18: {  	s0 =	sld [smem:$0x3F97];
	_ =	swait.ge [sflag:s4], $0x0  }
0x19: {  	s7 =	sld [smem:$0x3F98]  }
0x1a: {  	s8 =	sadd.s32 $0xFFFFE003, lr  }
0x1b: {  	s9 =	sadd.s32 $0xFFFFFEF7, lr;
	s5 =	simm.s32 $0xFFFFFFFF;
	p2 =	slt.u32 s8, $0xFFFFF086  }
0x1c: {  	p1 =	slt.u32 s9, $0xF7A;
	s5 =	simm.s32 @!p2 $0x0  }
0x1d: {  	s5 =	simm.s32 @p1 $0x1;
	p0 =	seq.s32 s7, s2  }
0x1e: {  	s7 =	smul.u32 @!p0 $0xF7A, s2;
	p2 =	seq.s32 @!p0 s5, $0x0  }
0x1f: {  	s9 =	smul.u32 $0xF7A, s1;
	s8 =	simm.s32 @!p0 $0x1BF5;
	p2 =	por !p2, p0  }
0x20: {  	[sflag:s8] =	ssyncset.s32 @!p0 $0xFFFFF086;
	s6 =	sadd.s32 @!p0 s3, s7;
	s7 =	simm.s32 @!p0 $0x108  }
0x21: {  	s3 =	sadd.s32 s3, s9;
	s6 =	sadd.s32 @!p0 $0x88, s6;
	s7 =	simm.s32 @p2 $0x1082  }
0x22: {  	[simem:s7], [sflag:s8] =	dma.local @!p0 [hbm:s6], $0xF7A  }
0x23: {  	s9 =	sor.u32 $0xD0000000, s2;
	s6 =	simm.s32 $0x108;
	_ =	swait.ge @!p0 [sflag:s8], $0x0  }
0x24: {  	s3 =	sadd.s32 $0x88, s3;
	s6 =	simm.s32 @!p1 $0x1082;
	[sflag:s4] =	ssyncset.s32 $0xFFFFF086  }
0x25: {  	[simem:s6], [sflag:s4] =	dma.local [hbm:s3], $0xF7A  }
0x26: {  	[smem:$0x3F98] =	sst s1;
	(tag) =	ssettag s2;
	_ =	strace s9  }
0x27: {  	s1 =	sld [smem:$0x3FA8]  }
0x28: {  	s2 =	sld [smem:$0x3FA9]  }
0x29: {  	s4 =	sld [smem:$0x3FAB]  }
0x2a: {  	p0 =	seq.s32 s5, $0x0;
	s5 =	sld [smem:$0x3FAC]  }
0x2b: {  	s6 =	sld [smem:$0x3FAD]  }
0x2c: {  	s7 =	sld [smem:$0x3FAE]  }
0x2d: {  	s3 =	simm.s32 $0x108;
	s8 =	sld [smem:$0x3FAF]  }
0x2e: {  	s3 =	simm.s32 @!p0 $0x1082;
	s9 =	sld [smem:$0x3FB0]  }
0x2f: {  	lr =	sadd.s32 s0, s3;
	s0 =	sld [smem:$0x3FA7]  }
0x30: {  	s3 =	sld [smem:$0x3FAA]  }
0x31: {  	[smem:$0x3FB3] =	sst s10  }
0x32: {  	s10 =	sld [smem:$0x3FB1];
	_ =	sdelay $0x3  }
0x33: {  	p0 =	seq.s32 s10, $0x1;
	s10 =	sld [smem:$0x3FB3];
	_ =	sdelay $0x3  }
0x34: {  	[smem:$0x3FB3] =	sst s10  }
0x35: {  	s10 =	sld [smem:$0x3FB2];
	_ =	sdelay $0x3  }
0x36: {  	p1 =	seq.s32 s10, $0x1;
	s10 =	sld [smem:$0x3FB3];
	_ =	sdelay $0x3  }
0x37: {  	[smem:$0x3FB3] =	sst s10  }
0x38: {  	s10 =	sld [smem:$0x3FB4]  }
0x39: {  	_ = 	snop;
	(pc) =	sbr.ind lr, $3  }
0x3a: {  	_ = 	snop  }
0x3b: {  	_ = 	snop  }
0x3c: {  	p2 =	seq.s32 s10, $0x1;
	s10 =	sld [smem:$0x3FB3]  }
0x3d: {  	_ =	shalt  }
0x3e: {  	_ =	shalt  }
0x3f: {  	_ =	shalt  }
0x40: {  	_ =	shalt  }
0x41: {  	_ =	shalt  }
0x42: {  	_ =	shalt  }
0x43: {  	_ =	shalt  }
0x44: {  	_ =	shalt  }
0x45: {  	_ =	shalt  }
0x46: {  	_ =	shalt  }
0x47: {  	_ =	shalt  }
0x48: {  	_ =	shalt  }
0x49: {  	_ =	shalt  }
0x4a: {  	_ =	shalt  }
0x4b: {  	_ =	shalt  }
0x4c: {  	_ =	shalt  }
0x4d: {  	_ =	shalt  }
0x4e: {  	_ =	shalt  }
0x4f: {  	_ =	shalt  }
0x50: {  	_ =	shalt  }
0x51: {  	_ =	shalt  }
0x52: {  	_ =	shalt  }
0x53: {  	_ =	shalt  }
0x54: {  	_ =	shalt  }
0x55: {  	_ =	shalt  }
0x56: {  	_ =	shalt  }
0x57: {  	_ =	shalt  }
0x58: {  	_ =	shalt  }
0x59: {  	_ =	shalt  }
0x5a: {  	_ =	shalt  }
0x5b: {  	_ =	shalt  }
0x5c: {  	_ =	shalt  }
0x5d: {  	_ =	shalt  }
0x5e: {  	_ =	shalt  }
0x5f: {  	_ =	shalt  }
0x60: {  	_ =	shalt  }
0x61: {  	_ =	shalt  }
0x62: {  	_ =	shalt  }
0x63: {  	_ =	shalt  }
0x64: {  	_ =	shalt  }
0x65: {  	_ =	shalt  }
0x66: {  	_ =	shalt  }
0x67: {  	_ =	shalt  }
0x68: {  	_ =	shalt  }
0x69: {  	_ =	shalt  }
0x6a: {  	_ =	shalt  }
0x6b: {  	_ =	shalt  }
0x6c: {  	_ =	shalt  }
0x6d: {  	_ =	shalt  }
0x6e: {  	_ =	shalt  }
0x6f: {  	_ =	shalt  }
0x70: {  	_ =	shalt  }
0x71: {  	_ =	shalt  }
0x72: {  	_ =	shalt  }
0x73: {  	_ =	shalt  }
0x74: {  	_ =	shalt  }
0x75: {  	_ =	shalt  }
0x76: {  	_ =	shalt  }
0x77: {  	_ =	shalt  }
0x78: {  	_ =	shalt  }
0x79: {  	_ =	shalt  }
0x7a: {  	_ =	shalt  }
0x7b: {  	_ =	shalt  }
0x7c: {  	_ =	shalt  }
0x7d: {  	_ =	shalt  }
0x7e: {  	_ =	shalt  }
0x7f: {  	_ =	shalt  }
0x80: {  	_ =	shalt  }
0x81: {  	_ =	shalt  }
0x82: {  	_ =	shalt  }
0x83: {  	_ =	shalt  }
0x84: {  	_ =	shalt  }
0x85: {  	_ =	shalt  }
0x86: {  	_ =	shalt  }
0x87: {  	_ =	shalt  }
.Lfunc_end0:
.L_simem_size_0:
called_computation_lowered:
.L_overlay_start_0:
0x88: {  	s2 =	sld [smem:$0x3FD9]  }
0x89: {  	s3 =	sld [smem:$0x3FFE];
	_ =	sdelay $0x1  }
0x8a: {  	s1 =	srdreg.scid  }
0x8b: {  	s0 =	sand.u32 $0x1, s1  }
0x8c: {  	s17 =	sshll.u32 s0, $0xA;
	s2 =	sadd.s32 s3, s2  }
0x8d: {  	s2 =	sadd.s32 s2, s17  }
0x8e: {  	[smem:$0x3FBF] =	sst s2  }
0x8f: {  	_ = 	snop  }
0x90: {  	s2 =	sld [smem:$0x3FD0];
	(tm) =	ssettm $0x1  }
0x91: {  	s18 =	sld [smem:$0x3FFB];
	_ =	sdelay $0x3  }
0x92: {  	_ =	strace s18  }
0x93: {  	s3 =	sld [smem:$0x3FFC];
	_ =	sdelay $0x3  }
0x94: {  	_ =	strace s3  }
0x95: {  	s3 =	sld [smem:$0x3FFD];
	_ =	sdelay $0x3  }
0x96: {  	_ =	strace s3  }
0x97: {  	_ =	strace $0x8FFFFFFF  }
0x98: {  	s19 =	sld [smem:$0x3FDB];
	_ =	sdelay $0x1  }
0x99: {  	s4 =	simm.s32 $_scs_section_size  }
0x9a: {  	s5 =	simm.s32 $_size__tile_overlayer_lowered;
	s6 =	simm.s32 $_tile_overlayer_lowered  }
0x9b: {  	s22 =	simm.s32 $0x1BFF;
	s21 =	sshll.u32 s6, $0x1;
	s3 =	sadd.s32 s4, s19  }
0x9c: {  	s7 =	simm.s32 $0x0;
	s20 =	sshll.u32 s5, $0x1;
	s5 =	sadd.s32 s21, s3  }
0x9d: {  	[timem:s7], [sflag:s22] =	dma.local [hbm:s5], s20  }
0x9e: {  	_ =	swait.ge [sflag:s22], s20  }
0x9f: {  	s4 =	ssub.s32 $0x0, s20;
	[sflag:s22] =	ssyncset.done $0x0  }
0xa0: {  	[sflag:s22] =	ssyncadd.s32 s4;
	_ =	sdelay $0x1  }
0xa1: {  	s23 =	simm.s32 $0x1B8B  }
0xa2: {  	_ =	swait.ge [sflag:s23], $0x1  }
0xa3: {  	[sflag:s23] =	ssyncset.done $0x0  }
0xa4: {  	s25 =	simm.s32 $0x1B8E;
	s24 =	sld [smem:$0x3FFE];
	[sflag:s23] =	ssyncadd.s32 $0xFFFFFFFF  }
0xa5: {  	s26 =	simm.s32 $execute0_lowered;
	[smem:$0x3FD2] =	sst s25  }
0xa6: {  	s5 =	sshll.u32 s26, $0x1;
	_ =	strace $0x80000046;
	[dreg:$0x1] =	wrdreg $0xFFFFFFFF  }
0xa7: {  	s28 =	simm.s32 $_size_execute0_lowered;
	s3 =	sadd.s32 s3, s5;
	[dreg:$0x0] =	wrdreg $0x0  }
0xa8: {  	s5 =	sshll.u32 s28, $0x1;
	[dreg:$0x2] =	wrdreg s3  }
0xa9: {  	[dreg:$0x3] =	wrdreg s5  }
0xaa: {  	[dreg:$0x4] =	wrdreg $0xC0  }
0xab: {  	_ =	task [dreg:s7], $0x5FFFF  }
0xac: {  	[dreg:$0x1] =	wrdreg $0xFFFFFFFF  }
0xad: {  	[dreg:$0x0] =	wrdreg $0x60  }
0xae: {  	[dreg:$0x2] =	wrdreg s24  }
0xaf: {  	[dreg:$0x3] =	wrdreg s2  }
0xb0: {  	[dreg:$0x4] =	wrdreg $0x9  }
0xb1: {  	_ =	task.clear_ibuf [dreg:s7], $0x5FFFF;
	_ =	strace $0x90000046  }
0xb2: {  	s29 =	simm.s32 $0x9;
	_ =	strace $0x80000048  }
0xb3: {  	_ =	swait.ge [sflag:s29], $0x1  }
0xb4: {  	[sflag:s29] =	ssyncadd.s32 $0xFFFFFFFF  }
0xb5: {  	_ =	strace $0x90000048  }
0xb6: {  	_ =	sfence  }
0xb7: {  	s30 =	sld [smem:$0x0];
	_ =	sdelay $0x2  }
0xb8: {  	s31 =	sshll.u32 s1, $0xD;
	s1 =	sshrl.u32 s1, $0x2  }
0xb9: {  	s3 =	sand.u32 $0x4000, s31;
	s1 =	sadd.s32 s1, s30  }
0xba: {  	s0 =	sor.u32 s3, s0;
	s1 =	sshll.u32 s1, $0x11  }
0xbb: {  	s0 =	sor.u32 s1, s0  }
0xbc: {  	s0 =	sadd.s32 $0x8F2B, s0  }
0xbd: {  	[sflag:s0] =	ssyncadd.remote.s32 $0x1  }
0xbe: {  	_ =	sfence.sel $0xFFFF  }
0xbf: {  	[dreg:$0x0] =	wrdreg $0xFFFFFFFF;
	(pc) =	sbr.abs _section_cstart, $3  }
0xc0: {  	[dreg:$0x1] =	wrdreg $0xFFFFFFFF  }
0xc1: {  	_ =	task.clear_ibuf [dreg:s7], $0x2FFFF;
	_ =	strace $0x9FFFFFFF  }
0xc2: {  	(tm) =	ssettm $0x7FFFFFFF  }
0xc3: {  	_ =	shalt  }
tec
execute0_lowered:
.L_overlay_start_1:
0x0: {  	(tag) =	ssettag $0x1  }
0x1: {  	s1 =	rddreg [dreg:$0x0]  }
0x2: {  	s11 =	rddreg [dreg:$0x1];
	s0 =	srdreg.scid;
	s2 =	simm.s32 $0x0  }
0x3: {  	s4 =	stileid.u32;
	s18 =	simm.s32 $0xDE80;
	s29 =	simm.s32 $0x5  }
0x4: {  	s0 =	sand.u32 $0x1, s0;
	[smem:$0x7FF] =	sst s2;
	s3 =	sshrl.u32 s4, $0x1  }
0x5: {  	s5 =	sadd.s32 $0x1D800, s1;
	s23 =	sand.u32 $0x1, s4;
	s6 =	sadd.s32 $0x13A00, s1  }
0x6: {  	s7 =	sadd.s32 $0x27600, s1;
	s22 =	sshll.u32 s0, $0x3;
	s10 =	smul.u32 $0x4E20, s23  }
0x7: {  	_ =	strace $0x80000047;
	s0 =	ssub.s32 $0x2, s0;
	s9 =	smul.u32 $0x28, s23  }
0x8: {  	p0 =	seq.s32 s23, $0x0;
	s23 =	simm.s32 $0x1;
	s2 =	sor.u32 s3, s22  }
0x9: {  	s8 =	sshrl.u32 s0, $0x1;
	s22 =	simm.s32 $0x3;
	s24 =	smul.u32 $0x280, s2  }
0xa: {  	s0 =	ssub.s32 s0, s8;
	s12 =	smul.u32 $0x14000, s2;
	s25 =	sadd.s32 s6, s10  }
0xb: {  	s26 =	sadd.s32 s5, s10;
	s28 =	sadd.s32 s7, s10;
	[dreg:$0x4] =	wrdreg s25  }
.Ltmp0:
0xc: {  	s13 =	sor.u32 $0x2, s9;
	[dreg:$0x5] =	wrdreg s26;
	(pc) =	sbr.rel .LBB2_1-.Ltmp0, $4  }
0xd: {  	s2 =	simm.s32 $0x0;
	[dreg:$0x6] =	wrdreg s28;
	s0 =	smax.u32 s0, $0x1  }
0xe: {  	s25 =	simm.s32 $0x2;
	s31 =	sshrl.u32 s12, $0x4;
	[dreg:$0x8] =	wrdreg s0  }
0xf: {  	v2 =	vimm.bf16 $0.0e+00;
	s30 =	sadd.s32 $0x280, s24;
	[dreg:$0x3] =	wrdreg s12;
	s8 =	sadd.s32 s11, s31  }
0x10: {  	v3 =	vimm.s32 $0x0;
	s26 =	simm.s32 $0x4;
	v0 =	vmov s24;
	s24 =	simm.s32 $0x80;
	v1 =	vmov s30;
	[dreg:$0x7] =	wrdreg s8  }
.LBB2_63:
0x11: {  	s0 =	simm.s32 $0x0;
	s2 =	rddreg [dreg:$0x7]  }
0x12: {  	[hbm4b:s2+s0] =	stream.linear.scatter [tilespmem:s0], [sflag:$0x5], $0xA000, $0x38;
	[tilespmem:$0x18880] =	vst v63  }
0x13: {  	_ =	swait.ge [sflag:s29], $0xA000  }
0x14: {  	[sflag:s29] =	ssyncset.done $0x0  }
0x15: {  	[sflag:s29] =	ssyncadd.s32 $0xFFFF6000  }
0x16: {  	[bflag:$0x0] =	sbarrier.arrive $0xFFFF  }
0x17: {  	s2 =	rddreg [dreg:$0x9]  }
.LBB2_69:
0x18: {  	s2 =	sadd.s32 $0x1, s2;
	s0 =	rddreg [dreg:$0x8]  }
0x19: {  	p1 =	sne.s32 s2, s0  }
.Ltmp1:
0x1a: {  	_ = 	snop;
	(pc) =	sbr.rel @!p1 .LBB2_70-.Ltmp1, $1  }
0x1b: {  	_ =	sdelay $0x3  }
.LBB2_1:
0x1c: {  	[dreg:$0x9] =	wrdreg s2;
	s0 =	simm.s32 $0x40;
	s2 =	simm.s32 $0x0  }
.LBB2_2:
0x1d: {  	p1 =	sne.s32 s0, $0x27FC0;
	[tilespmem:s2+$0x0] =	vst v2;
	s2 =	smov.u32 s0;
	s0 =	sadd.s32 $0x40, s0  }
.Ltmp2:
0x1e: {  	(pc) =	sbr.rel @p1 .LBB2_2-.Ltmp2, $2  }
0x1f: {  	_ =	sdelay $0x2  }
0x20: {  	s2 =	sshra.s32 s2, $0x2  }
0x21: {  	[tilespmem:s2+$0x0] =	vst v2  }
0x22: {  	[tilespmem:$0xFDC0] =	vst v3  }
0x23: {  	[tilespmem:$0x10000] =	vst v3  }
0x24: {  	[tilespmem:$0xFDD0] =	vst v3  }
0x25: {  	[tilespmem:$0x10010] =	vst v3  }
0x26: {  	[tilespmem:$0xFDE0] =	vst v3  }
0x27: {  	[tilespmem:$0x10020] =	vst v3  }
0x28: {  	[tilespmem:$0xFDF0] =	vst v3  }
0x29: {  	[tilespmem:$0x10030] =	vst v3  }
0x2a: {  	[tilespmem:$0xFE00] =	vst v3  }
0x2b: {  	[tilespmem:$0x10040] =	vst v3  }
0x2c: {  	[tilespmem:$0xFE10] =	vst v3  }
0x2d: {  	[tilespmem:$0x10050] =	vst v3  }
0x2e: {  	[tilespmem:$0xFE20] =	vst v3  }
0x2f: {  	[tilespmem:$0x10060] =	vst v3  }
0x30: {  	[tilespmem:$0xFE30] =	vst v3  }
0x31: {  	[tilespmem:$0x10070] =	vst v3  }
0x32: {  	[tilespmem:$0xFE40] =	vst v3  }
0x33: {  	[tilespmem:$0x10080] =	vst v3  }
0x34: {  	[tilespmem:$0xFE50] =	vst v3  }
0x35: {  	[tilespmem:$0x10090] =	vst v3  }
0x36: {  	[tilespmem:$0xFE60] =	vst v3  }
0x37: {  	[tilespmem:$0x100A0] =	vst v3  }
0x38: {  	[tilespmem:$0xFE70] =	vst v3  }
0x39: {  	[tilespmem:$0x100B0] =	vst v3  }
0x3a: {  	[tilespmem:$0xFE80] =	vst v3  }
0x3b: {  	[tilespmem:$0x100C0] =	vst v3  }
0x3c: {  	[tilespmem:$0xFE90] =	vst v3  }
0x3d: {  	[tilespmem:$0x100D0] =	vst v3  }
0x3e: {  	[tilespmem:$0xFEA0] =	vst v3  }
0x3f: {  	[tilespmem:$0x100E0] =	vst v3  }
0x40: {  	[tilespmem:$0xFEB0] =	vst v3  }
0x41: {  	[tilespmem:$0x100F0] =	vst v3  }
0x42: {  	[tilespmem:$0xFEC0] =	vst v3  }
0x43: {  	[tilespmem:$0x10100] =	vst v3  }
0x44: {  	[tilespmem:$0xFED0] =	vst v3  }
0x45: {  	[tilespmem:$0x10110] =	vst v3  }
0x46: {  	[tilespmem:$0xFEE0] =	vst v3  }
0x47: {  	[tilespmem:$0x10120] =	vst v3  }
0x48: {  	[tilespmem:$0xFEF0] =	vst v3  }
0x49: {  	[tilespmem:$0x10130] =	vst v3  }
0x4a: {  	[tilespmem:$0xFF00] =	vst v3  }
0x4b: {  	[tilespmem:$0x10140] =	vst v3  }
0x4c: {  	[tilespmem:$0xFF10] =	vst v3  }
0x4d: {  	[tilespmem:$0x10150] =	vst v3  }
0x4e: {  	[tilespmem:$0xFF20] =	vst v3  }
0x4f: {  	[tilespmem:$0x10160] =	vst v3  }
0x50: {  	[tilespmem:$0xFF30] =	vst v3  }
0x51: {  	[tilespmem:$0x10170] =	vst v3  }
0x52: {  	[tilespmem:$0xFF40] =	vst v3  }
0x53: {  	[tilespmem:$0x10180] =	vst v3  }
0x54: {  	[tilespmem:$0xFF50] =	vst v3  }
0x55: {  	[tilespmem:$0x10190] =	vst v3  }
0x56: {  	[tilespmem:$0xFF60] =	vst v3  }
0x57: {  	[tilespmem:$0x101A0] =	vst v3  }
0x58: {  	[tilespmem:$0xFF70] =	vst v3  }
0x59: {  	[tilespmem:$0x101B0] =	vst v3  }
0x5a: {  	[tilespmem:$0xFF80] =	vst v3  }
0x5b: {  	[tilespmem:$0x101C0] =	vst v3  }
0x5c: {  	[tilespmem:$0xFF90] =	vst v3  }
0x5d: {  	[tilespmem:$0x101D0] =	vst v3  }
0x5e: {  	[tilespmem:$0xFFA0] =	vst v3  }
0x5f: {  	[tilespmem:$0x101E0] =	vst v3  }
0x60: {  	[tilespmem:$0xFFB0] =	vst v3  }
0x61: {  	[tilespmem:$0x101F0] =	vst v3  }
0x62: {  	[tilespmem:$0xFFC0] =	vst v3  }
0x63: {  	[tilespmem:$0x10200] =	vst v3  }
0x64: {  	[tilespmem:$0xFFD0] =	vst v3  }
0x65: {  	[tilespmem:$0x10210] =	vst v3  }
0x66: {  	[tilespmem:$0xFFE0] =	vst v3  }
0x67: {  	s0 =	rddreg [dreg:$0x4];
	[tilespmem:$0x10220] =	vst v3  }
0x68: {  	s11 =	simm.s32 $0x0;
	s19 =	simm.s32 $0xA000;
	s20 =	rddreg [dreg:$0x5];
	[tilespmem:$0xFFF0] =	vst v3  }
0x69: {  	s21 =	simm.s32 $0xBF40;
	s28 =	rddreg [dreg:$0x6];
	s2 =	simm.s32 $0x0;
	[tilespmem:$0x10230] =	vst v3  }
0x6a: {  	[tilespmem:s19], [sflag:$0x3] =	stream.linear.gather [hbm4b:s0+s11], $0xFA0, $0x38;
	[tilespmem:$0x18880] =	vst v63  }
.Ltmp3:
0x6b: {  	s31 =	simm.s32 $0x0;
	s10 =	simm.s32 $0x0;
	(pc) =	sbr.rel .LBB2_4-.Ltmp3, $4  }
0x6c: {  	s15 =	simm.s32 $0x0;
	s4 =	simm.s32 $0x0;
	s30 =	simm.s32 $0x0  }
0x6d: {  	[tilespmem:s21], [sflag:$0x3] =	stream.linear.gather [hbm4b:s20+s11], $0xFA0, $0x38;
	[tilespmem:$0x18880] =	vst v63  }
0x6e: {  	s12 =	simm.s32 $0x0;
	s14 =	simm.s32 $0x0;
	s0 =	simm.s32 $0x0  }
0x6f: {  	[tilespmem:s18], [sflag:$0x3] =	stream.linear.gather [hbm4b:s28+s11], $0xFA0, $0x38;
	[tilespmem:$0x18880] =	vst v63  }
.LBB2_32:
0x70: {  	s14 =	sadd.s32 $0x1, s14  }
0x71: {  	p1 =	sne.s32 s14, $0x14  }
.Ltmp4:
0x72: {  	_ = 	snop;
	(pc) =	sbr.rel @!p1 .LBB2_33-.Ltmp4, $1  }
0x73: {  	_ =	sdelay $0x3  }
.LBB2_4:
0x74: {  	s3 =	sshll.u32 s14, $0x1  }
0x75: {  	s8 =	sadd.s32 s9, s3  }
0x76: {  	s8 =	smul.u32 $0xFA0, s8;
	_ =	sdelay $0x1  }
0x77: {  	s8 =	sshrl.u32 s8, $0x3  }
0x78: {  	s8 =	sadd.s32 $0x1F4, s8  }
0x79: {  	s16 =	simm.s32 $0xAFA0;
	s19 =	sadd.s32 s6, s8  }
0x7a: {  	[tilespmem:s16], [sflag:$0x4] =	stream.linear.gather [hbm4b:s19+s11], $0xFA0, $0x38;
	[tilespmem:$0x18880] =	vst v63  }
0x7b: {  	s20 =	simm.s32 $0xCEE0;
	s17 =	sadd.s32 s5, s8  }
0x7c: {  	[tilespmem:s20], [sflag:$0x4] =	stream.linear.gather [hbm4b:s17+s11], $0xFA0, $0x38;
	[tilespmem:$0x18880] =	vst v63  }
0x7d: {  	s21 =	simm.s32 $0xEE20;
	s8 =	sadd.s32 s7, s8  }
0x7e: {  	[tilespmem:s21], [sflag:$0x4] =	stream.linear.gather [hbm4b:s8+s11], $0xFA0, $0x38;
	[tilespmem:$0x18880] =	vst v63  }
0x7f: {  	_ =	swait.ge [sflag:s22], $0xFA0  }
0x80: {  	[sflag:s22] =	ssyncset.done $0x0  }
0x81: {  	[sflag:s22] =	ssyncadd.s32 $0xFFFFF060  }
0x82: {  	_ =	swait.ge [sflag:s22], $0xFA0  }
.Ltmp5:
0x83: {  	[sflag:s22] =	ssyncset.done $0x0;
	(pc) =	sbr.rel .LBB2_5-.Ltmp5, $4  }
0x84: {  	[sflag:s22] =	ssyncadd.s32 $0xFFFFF060  }
0x85: {  	_ =	swait.ge [sflag:s22], $0xFA0  }
0x86: {  	[sflag:s22] =	ssyncset.done $0x0  }
0x87: {  	s28 =	simm.s32 $0x0;
	[sflag:s22] =	ssyncadd.s32 $0xFFFFF060  }
.LBB2_15:
0x88: {  	v4 =	vmax.bf16 v9, v11;
	[tilespmem:s20+$0x0] =	vst v8  }
0x89: {  	[tilespmem:s20+$0x10] =	vst v4;
	v4 =	vmax.bf16 v7, v10  }
0x8a: {  	[tilespmem:s20+$0x20] =	vst v4;
	v4 =	vmax.bf16 v6, v5  }
0x8b: {  	[tilespmem:s20+$0x30] =	vst v4;
	s10 =	spop (v2sf)  }
.LBB2_16:
0x8c: {  	s10 =	sadd.s32 $0x2, s31  }
0x8d: {  	s16 =	smul.u32 $0x90, s10;
	s10 =	sshll.u32 s10, $0xD  }
0x8e: {  	s10 =	sand.u32 $0x3FFFE000, s10  }
0x8f: {  	s10 =	sadd.s32 $0x10480, s10;
	s17 =	sadd.s32 $0xFDC0, s16  }
0x90: {  	[tilespmem:s10], [sflag:$0x2] =	stream.indirect.gather [hbm4b:s1+s24], $0x40, s17, s24, $0xb8;
	[tilespmem:$0x18880] =	vst v63  }
0x91: {  	v4 =	vld [tilespmem:s16+$0xFE40];
	_ =	sdelay $0x4  }
0x92: {  	[tilespmem:s2+$0xFDC0] =	vst v4  }
0x93: {  	v4 =	vld [tilespmem:s16+$0x10080];
	_ =	sdelay $0x4  }
0x94: {  	[tilespmem:s2+$0x10000] =	vst v4  }
0x95: {  	v4 =	vld [tilespmem:s16+$0x102C0];
	_ =	sdelay $0x4  }
0x96: {  	[tilespmem:s2+$0x10240] =	vst v4;
	s2 =	simm.s32 $0x1  }
.LBB2_17:
0x97: {  	v4 =	vld [tilespmem:s8+$0xA010];
	_ =	sdelay $0x4  }
0x98: {  	vm0 =	vge.s32 v4, v0;
	vm1 =	vlt.s32 v4, v1  }
0x99: {  	vm0 =	vmand vm0, vm1  }
0x9a: {  	v5 =	vmpcnt.ones.xlane vm0;
	_ =	sdelay $0x1  }
0x9b: {  	(v2sf) =	vpush v5, $0x0;
	_ =	sdelay $0x7  }
0x9c: {  	p1 =	sgt.s32 s0, $0x7F;
	s10 =	sxor.u32 $0x1, s31;
	v5 =	vld [tilespmem:s8+$0xBF50]  }
0x9d: {  	s28 =	sadd.s32 $0x1, s28;
	s31 =	smov.u32 @p1 s10;
	s10 =	sadd.s32 $0xFFFFFF80, s0  }
0x9e: {  	v6 =	vld [tilespmem:s8+$0xDE90];
	s21 =	smul.u32 $0x90, s31;
	s0 =	smov.u32 @p1 s10;
	p1 =	sne.s32 s28, $0x7D  }
.Ltmp6:
0x9f: {  	_ = 	snop;
	(pc) =	sbr.rel @!p1 .LBB2_18-.Ltmp6, $4  }
0xa0: {  	s8 =	sadd.s32 s21, s0  }
0xa1: {  	v4 =	vsub.s32 v4, v0;
	[tilespmem:s8+$0xFEE0] =	vst.msk vm0, v5  }
0xa2: {  	[tilespmem:s8+$0x10120] =	vst.msk vm0, v4  }
0xa3: {  	[tilespmem:s8+$0x10360] =	vst.msk vm0, v6;
	s10 =	spop (v2sf)  }
.LBB2_5:
0xa4: {  	s12 =	sadd.s32 s12, s30  }
0xa5: {  	p1 =	slt.s32 s12, $0x80  }
.Ltmp7:
0xa6: {  	_ = 	snop;
	(pc) =	sbr.rel @p1 .LBB2_11-.Ltmp7, $1  }
0xa7: {  	_ =	sdelay $0x3  }
0xa8: {  	p1 =	seq.s32 s15, $0x1  }
.Ltmp8:
0xa9: {  	_ = 	snop;
	(pc) =	sbr.rel @!p1 .LBB2_10-.Ltmp8, $3  }
0xaa: {  	_ =	sdelay $0x1  }
0xab: {  	s8 =	sxor.u32 $0x1, s4  }
0xac: {  	s15 =	smul.u32 $0x90, s8  }
0xad: {  	_ =	swait.ge [sflag:s23], $0x2000  }
0xae: {  	s15 =	smul.u32 $0x90, s8;
	[sflag:s23] =	ssyncset.done $0x0  }
0xaf: {  	[sflag:s23] =	ssyncadd.s32 $0xFFFFE000  }
0xb0: {  	v4 =	vld [tilespmem:s15+$0x10000];
	_ =	sdelay $0x4  }
0xb1: {  	(v2sf) =	vpush v4, $0x0;
	_ =	sdelay $0x3  }
0xb2: {  	s19 =	smul.u32 $0xFFFFFDC0, s4;
	_ =	sdelay $0x1  }
0xb3: {  	s19 =	sshra.s32 s19, $0x2  }
0xb4: {  	s20 =	sadd.s32 $0x10091, s19  }
0xb5: {  	s21 =	sshll.u32 s4, $0xF;
	v4 =	vmov s20  }
0xb6: {  	s16 =	ssub.s32 $0x0, s21;
	s30 =	sadd.s32 $0x102D0, s19  }
0xb7: {  	s19 =	sshra.s32 s16, $0x2;
	s21 =	sadd.s32 $0x0, s30  }
0xb8: {  	s19 =	sadd.s32 $0x124B0, s19;
	v5 =	vld.msk [tilespmem:s21+$0x0 ss:$0x0], $0xffff  }
0xb9: {  	s17 =	simm.s32 $0x0;
	v10 =	vld [tilespmem:s19+$0xFFFFFFE0]  }
0xba: {  	v7 =	vld.idx.msk [tilespmem:v4+s17+$0x0 ss:$0x1], $0xffff  }
0xbb: {  	v6 =	vld [tilespmem:s19+$0x0]  }
0xbc: {  	v11 =	vld [tilespmem:s19+$0xFFFFFFF0];
	s21 =	spop (v2sf)  }
0xbd: {  	v12 =	vld [tilespmem:s19+$0xFFFFFFD0];
	s20 =	sshll.u32 s21, $0x8  }
0xbe: {  	s21 =	sshra.s32 s20, $0x2  }
0xbf: {  	(v2sf) =	vpush v7, $0x0;
	v8 =	vld [tilespmem:s21+$0x20]  }
0xc0: {  	v13 =	vpack.i.f32.bf16 v5, v5;
	v9 =	vld [tilespmem:s21+$0x0]  }
0xc1: {  	v5 =	vmul.bf16 v6, v13;
	v11 =	vmul.bf16 v11, v13;
	v6 =	vld [tilespmem:s21+$0x10]  }
0xc2: {  	v12 =	vmul.bf16 v12, v13;
	v10 =	vmul.bf16 v10, v13;
	s20 =	simm.s32 $0x4;
	v7 =	vld [tilespmem:s21+$0x30]  }
.LBB2_8:
0xc3: {  	p1 =	sne.s32 s20, $0x1FC  }
0xc4: {  	s19 =	sadd.s32 $0x40, s19;
	s16 =	smov.u32 s20;
	s20 =	sadd.s32 $0x4, s20  }
0xc5: {  	v8 =	vmax.bf16 v8, v11  }
0xc6: {  	v9 =	vmax.bf16 v9, v12;
	[tilespmem:s21+$0x20] =	vst v8  }
0xc7: {  	s16 =	sshra.s32 s16, $0x2;
	[tilespmem:s21+$0x0] =	vst v9;
	v6 =	vmax.bf16 v6, v10  }
0xc8: {  	s17 =	sadd.s32 s16, s30;
	[tilespmem:s21+$0x10] =	vst v6;
	v5 =	vmax.bf16 v7, v5  }
0xc9: {  	[tilespmem:s21+$0x30] =	vst v5  }
0xca: {  	v5 =	vld.idx.msk [tilespmem:v4+s16+$0x0 ss:$0x1], $0xffff  }
0xcb: {  	v6 =	vld.msk [tilespmem:s17+$0x0 ss:$0x0], $0xffff  }
0xcc: {  	v10 =	vld [tilespmem:s19+$0xFFFFFFE0]  }
0xcd: {  	v7 =	vld [tilespmem:s19+$0x0]  }
0xce: {  	v11 =	vld [tilespmem:s19+$0xFFFFFFF0];
	s16 =	spop (v2sf)  }
0xcf: {  	s16 =	sshll.u32 s16, $0x8;
	v12 =	vld [tilespmem:s19+$0xFFFFFFD0]  }
.Ltmp9:
0xd0: {  	s21 =	sshra.s32 s16, $0x2;
	(v2sf) =	vpush v5, $0x0;
	(pc) =	sbr.rel @p1 .LBB2_8-.Ltmp9, $4  }
0xd1: {  	v13 =	vpack.i.f32.bf16 v6, v6;
	v8 =	vld [tilespmem:s21+$0x20]  }
0xd2: {  	v9 =	vld [tilespmem:s21+$0x0];
	v5 =	vmul.bf16 v7, v13  }
0xd3: {  	v6 =	vld [tilespmem:s21+$0x10];
	v11 =	vmul.bf16 v11, v13  }
0xd4: {  	v10 =	vmul.bf16 v10, v13;
	v7 =	vld [tilespmem:s21+$0x30];
	v12 =	vmul.bf16 v12, v13  }
0xd5: {  	_ =	sdelay $0x5  }
0xd6: {  	v4 =	vmax.bf16 v8, v11  }
0xd7: {  	v63 =	vmax.bf16 v9, v12;
	[tilespmem:s21+$0x20] =	vst v4  }
0xd8: {  	[tilespmem:s21+$0x0] =	vst v63;
	v4 =	vmax.bf16 v6, v10  }
0xd9: {  	[tilespmem:s21+$0x10] =	vst v4;
	v4 =	vmax.bf16 v7, v5  }
0xda: {  	[tilespmem:s21+$0x30] =	vst v4;
	s16 =	spop (v2sf)  }
.LBB2_10:
0xdb: {  	s16 =	smul.u32 $0x90, s4;
	s30 =	sshll.u32 s4, $0xD  }
0xdc: {  	s4 =	sand.u32 $0x3FFFE000, s30  }
0xdd: {  	s4 =	sadd.s32 $0x10480, s4;
	s17 =	sadd.s32 $0xFDC0, s16  }
0xde: {  	[tilespmem:s4], [sflag:$0x1] =	stream.indirect.gather [hbm4b:s1+s24], $0x40, s17, s24, $0xb8;
	[tilespmem:$0x18880] =	vst v63  }
0xdf: {  	v4 =	vld [tilespmem:s16+$0xFE40];
	_ =	sdelay $0x4  }
0xe0: {  	[tilespmem:s15+$0xFDC0] =	vst v4  }
0xe1: {  	v4 =	vld [tilespmem:s16+$0x10080];
	_ =	sdelay $0x4  }
0xe2: {  	[tilespmem:s15+$0x10000] =	vst v4  }
0xe3: {  	v4 =	vld [tilespmem:s16+$0x102C0];
	_ =	sdelay $0x4  }
0xe4: {  	s4 =	smov.u32 s8;
	[tilespmem:s15+$0x10240] =	vst v4;
	s15 =	simm.s32 $0x1  }
.LBB2_11:
0xe5: {  	s8 =	sshll.u32 s28, $0x5  }
0xe6: {  	v4 =	vld [tilespmem:s8+$0xA000];
	_ =	sdelay $0x4  }
0xe7: {  	vm0 =	vge.s32 v4, v0;
	vm1 =	vlt.s32 v4, v1  }
0xe8: {  	vm0 =	vmand vm0, vm1  }
0xe9: {  	v5 =	vmpcnt.ones.xlane vm0;
	_ =	sdelay $0x1  }
0xea: {  	(v2sf) =	vpush v5, $0x0;
	_ =	sdelay $0x7  }
0xeb: {  	v5 =	vld [tilespmem:s8+$0xBF40]  }
0xec: {  	p1 =	sgt.s32 s12, $0x7F;
	s16 =	sadd.s32 $0xFFFFFF80, s12;
	s0 =	sadd.s32 s0, s10  }
0xed: {  	s17 =	smul.u32 $0x90, s4;
	v6 =	vld [tilespmem:s8+$0xDE80];
	s12 =	smov.u32 @p1 s16;
	p1 =	slt.s32 s0, $0x80  }
.Ltmp10:
0xee: {  	_ = 	snop;
	(pc) =	sbr.rel @p1 .LBB2_17-.Ltmp10, $4  }
0xef: {  	s16 =	sadd.s32 s12, s17  }
0xf0: {  	v4 =	vsub.s32 v4, v0;
	[tilespmem:s16+$0xFDC0] =	vst.msk vm0, v5  }
0xf1: {  	[tilespmem:s16+$0x10000] =	vst.msk vm0, v4  }
0xf2: {  	[tilespmem:s16+$0x10240] =	vst.msk vm0, v6;
	s30 =	spop (v2sf)  }
0xf3: {  	p1 =	seq.s32 s2, $0x1  }
.Ltmp11:
0xf4: {  	_ = 	snop;
	(pc) =	sbr.rel @!p1 .LBB2_16-.Ltmp11, $3  }
0xf5: {  	_ =	sdelay $0x1  }
0xf6: {  	s10 =	sxor.u32 $0x3, s31  }
0xf7: {  	s2 =	smul.u32 $0x90, s10  }
0xf8: {  	_ =	swait.ge [sflag:s25], $0x2000  }
0xf9: {  	s2 =	smul.u32 $0x90, s10;
	[sflag:s25] =	ssyncset.done $0x0  }
0xfa: {  	[sflag:s25] =	ssyncadd.s32 $0xFFFFE000  }
0xfb: {  	v4 =	vld [tilespmem:s2+$0x10000];
	_ =	sdelay $0x4  }
0xfc: {  	(v2sf) =	vpush v4, $0x0;
	_ =	sdelay $0x4  }
0xfd: {  	s20 =	sshll.u32 s31, $0xF  }
0xfe: {  	s10 =	ssub.s32 $0x0, s20  }
0xff: {  	s10 =	sshra.s32 s10, $0x2  }
0x100: {  	s16 =	smul.u32 $0xFFFFFDC0, s31;
	s10 =	sadd.s32 $0x10480, s10  }
0x101: {  	v4 =	vmov s10  }
0x102: {  	s16 =	sshra.s32 s16, $0x2  }
0x103: {  	s10 =	sadd.s32 $0x101B1, s16  }
0x104: {  	s19 =	sadd.s32 $0x103F0, s16;
	v5 =	vld [tilespmem:s10+$0x0]  }
0x105: {  	s21 =	simm.s32 $0x0;
	v6 =	vld.msk [tilespmem:s19+$0x0 ss:$0x0], $0xffff  }
0x106: {  	v8 =	vld.idx.msk [tilespmem:v4+s21+$0x6030 ss:$0x1], $0xffff  }
0x107: {  	v7 =	vld.idx.msk [tilespmem:v4+s21+$0x6000 ss:$0x1], $0xffff;
	s17 =	spop (v2sf)  }
0x108: {  	v10 =	vld.idx.msk [tilespmem:v4+s21+$0x6010 ss:$0x1], $0xffff;
	s17 =	sshll.u32 s17, $0x8  }
0x109: {  	v12 =	vld.idx.msk [tilespmem:v4+s21+$0x6020 ss:$0x1], $0xffff;
	(v2sf) =	vpush v5, $0x0;
	s20 =	sshra.s32 s17, $0x2  }
0x10a: {  	v13 =	vld [tilespmem:s20+$0x0]  }
0x10b: {  	v14 =	vpack.i.f32.bf16 v6, v6;
	v9 =	vld [tilespmem:s20+$0x10]  }
0x10c: {  	v15 =	vmul.bf16 v7, v14;
	v7 =	vld [tilespmem:s20+$0x20]  }
0x10d: {  	v6 =	vld [tilespmem:s20+$0x30]  }
0x10e: {  	v11 =	vmul.bf16 v10, v14  }
0x10f: {  	s21 =	simm.s32 $0x100;
	v10 =	vmul.bf16 v12, v14;
	v5 =	vmul.bf16 v8, v14;
	v8 =	vmax.bf16 v13, v15  }
.LBB2_14:
0x110: {  	p1 =	sne.s32 s21, $0x7F00;
	v9 =	vmax.bf16 v9, v11;
	s19 =	sadd.s32 $0x1, s19;
	s10 =	sadd.s32 $0x1, s10  }
0x111: {  	v7 =	vmax.bf16 v7, v10;
	s16 =	smov.u32 s21;
	s21 =	sadd.s32 $0x100, s21;
	[tilespmem:s20+$0x10] =	vst v9  }
0x112: {  	v5 =	vmax.bf16 v6, v5;
	[tilespmem:s20+$0x20] =	vst v7  }
0x113: {  	[tilespmem:s20+$0x30] =	vst v5  }
0x114: {  	[tilespmem:s20+$0x0] =	vst v8  }
0x115: {  	v5 =	vld [tilespmem:s10+$0x0]  }
0x116: {  	s16 =	sshra.s32 s16, $0x2;
	v6 =	vld.msk [tilespmem:s19+$0x0 ss:$0x0], $0xffff  }
0x117: {  	v8 =	vld.idx.msk [tilespmem:v4+s16+$0x6030 ss:$0x1], $0xffff  }
0x118: {  	v10 =	vld.idx.msk [tilespmem:v4+s16+$0x6000 ss:$0x1], $0xffff;
	s17 =	spop (v2sf)  }
0x119: {  	s17 =	sshll.u32 s17, $0x8;
	v11 =	vld.idx.msk [tilespmem:v4+s16+$0x6010 ss:$0x1], $0xffff  }
0x11a: {  	s20 =	sshra.s32 s17, $0x2;
	v12 =	vld.idx.msk [tilespmem:v4+s16+$0x6020 ss:$0x1], $0xffff;
	(v2sf) =	vpush v5, $0x0  }
0x11b: {  	v13 =	vld [tilespmem:s20+$0x0]  }
.Ltmp12:
0x11c: {  	v14 =	vpack.i.f32.bf16 v6, v6;
	v9 =	vld [tilespmem:s20+$0x10];
	(pc) =	sbr.rel @p1 .LBB2_14-.Ltmp12, $4  }
0x11d: {  	v5 =	vmul.bf16 v8, v14;
	v7 =	vld [tilespmem:s20+$0x20]  }
0x11e: {  	v8 =	vmul.bf16 v10, v14;
	v6 =	vld [tilespmem:s20+$0x30]  }
0x11f: {  	v11 =	vmul.bf16 v11, v14  }
0x120: {  	v10 =	vmul.bf16 v12, v14;
	v8 =	vmax.bf16 v13, v8  }
.Ltmp13:
0x121: {  	_ = 	snop;
	(pc) =	sbr.rel .LBB2_15-.Ltmp13, $1  }
0x122: {  	_ =	sdelay $0x3  }
.LBB2_18:
0x123: {  	s3 =	smin.u32 s3, $0x25  }
0x124: {  	s3 =	sadd.s32 s3, s13  }
0x125: {  	s3 =	smul.u32 $0x1F4, s3;
	_ =	sdelay $0x1  }
0x126: {  	s28 =	simm.s32 $0x0;
	s16 =	simm.s32 $0xA000;
	s8 =	sadd.s32 s6, s3  }
0x127: {  	[tilespmem:s16], [sflag:$0x3] =	stream.linear.gather [hbm4b:s8+s28], $0xFA0, $0x38;
	[tilespmem:$0x18880] =	vst v63  }
0x128: {  	s21 =	simm.s32 $0xBF40;
	s20 =	sadd.s32 s5, s3  }
0x129: {  	[tilespmem:s21], [sflag:$0x3] =	stream.linear.gather [hbm4b:s20+s28], $0xFA0, $0x38;
	[tilespmem:$0x18880] =	vst v63  }
0x12a: {  	s3 =	sadd.s32 s7, s3  }
0x12b: {  	[tilespmem:s18], [sflag:$0x3] =	stream.linear.gather [hbm4b:s3+s28], $0xFA0, $0x38;
	[tilespmem:$0x18880] =	vst v63  }
0x12c: {  	_ =	swait.ge [sflag:s26], $0xFA0  }
0x12d: {  	[sflag:s26] =	ssyncset.done $0x0  }
0x12e: {  	[sflag:s26] =	ssyncadd.s32 $0xFFFFF060  }
0x12f: {  	_ =	swait.ge [sflag:s26], $0xFA0  }
.Ltmp14:
0x130: {  	[sflag:s26] =	ssyncset.done $0x0;
	(pc) =	sbr.rel .LBB2_19-.Ltmp14, $4  }
0x131: {  	[sflag:s26] =	ssyncadd.s32 $0xFFFFF060  }
0x132: {  	_ =	swait.ge [sflag:s26], $0xFA0  }
0x133: {  	[sflag:s26] =	ssyncset.done $0x0  }
0x134: {  	[sflag:s26] =	ssyncadd.s32 $0xFFFFF060  }
.LBB2_29:
0x135: {  	v4 =	vmax.bf16 v9, v11;
	[tilespmem:s20+$0x0] =	vst v8  }
0x136: {  	[tilespmem:s20+$0x10] =	vst v4;
	v4 =	vmax.bf16 v7, v10  }
0x137: {  	[tilespmem:s20+$0x20] =	vst v4;
	v4 =	vmax.bf16 v6, v5  }
0x138: {  	[tilespmem:s20+$0x30] =	vst v4;
	s10 =	spop (v2sf)  }
.LBB2_30:
0x139: {  	s10 =	sadd.s32 $0x2, s31  }
0x13a: {  	s16 =	smul.u32 $0x90, s10;
	s10 =	sshll.u32 s10, $0xD  }
0x13b: {  	s10 =	sand.u32 $0x3FFFE000, s10  }
0x13c: {  	s10 =	sadd.s32 $0x10480, s10;
	s17 =	sadd.s32 $0xFDC0, s16  }
0x13d: {  	[tilespmem:s10], [sflag:$0x2] =	stream.indirect.gather [hbm4b:s1+s24], $0x40, s17, s24, $0xb8;
	[tilespmem:$0x18880] =	vst v63  }
0x13e: {  	v4 =	vld [tilespmem:s16+$0xFE40];
	_ =	sdelay $0x4  }
0x13f: {  	[tilespmem:s2+$0xFDC0] =	vst v4  }
0x140: {  	v4 =	vld [tilespmem:s16+$0x10080];
	_ =	sdelay $0x4  }
0x141: {  	[tilespmem:s2+$0x10000] =	vst v4  }
0x142: {  	v4 =	vld [tilespmem:s16+$0x102C0];
	_ =	sdelay $0x4  }
0x143: {  	[tilespmem:s2+$0x10240] =	vst v4;
	s2 =	simm.s32 $0x1  }
.LBB2_31:
0x144: {  	v4 =	vld [tilespmem:s8+$0xAFB0];
	_ =	sdelay $0x4  }
0x145: {  	vm0 =	vge.s32 v4, v0;
	vm1 =	vlt.s32 v4, v1  }
0x146: {  	vm0 =	vmand vm0, vm1  }
0x147: {  	v5 =	vmpcnt.ones.xlane vm0;
	_ =	sdelay $0x1  }
0x148: {  	(v2sf) =	vpush v5, $0x0;
	_ =	sdelay $0x7  }
0x149: {  	p1 =	sgt.s32 s0, $0x7F;
	s10 =	sxor.u32 $0x1, s31;
	v5 =	vld [tilespmem:s8+$0xCEF0]  }
0x14a: {  	s28 =	sadd.s32 $0x1, s28;
	s31 =	smov.u32 @p1 s10;
	s10 =	sadd.s32 $0xFFFFFF80, s0  }
0x14b: {  	v6 =	vld [tilespmem:s8+$0xEE30];
	s21 =	smul.u32 $0x90, s31;
	s0 =	smov.u32 @p1 s10;
	p1 =	sne.s32 s28, $0x7D  }
.Ltmp15:
0x14c: {  	_ = 	snop;
	(pc) =	sbr.rel @!p1 .LBB2_32-.Ltmp15, $4  }
0x14d: {  	s8 =	sadd.s32 s21, s0  }
0x14e: {  	v4 =	vsub.s32 v4, v0;
	[tilespmem:s8+$0xFEE0] =	vst.msk vm0, v5  }
0x14f: {  	[tilespmem:s8+$0x10120] =	vst.msk vm0, v4  }
0x150: {  	[tilespmem:s8+$0x10360] =	vst.msk vm0, v6;
	s10 =	spop (v2sf)  }
.LBB2_19:
0x151: {  	s12 =	sadd.s32 s12, s30  }
0x152: {  	p1 =	slt.s32 s12, $0x80  }
.Ltmp16:
0x153: {  	_ = 	snop;
	(pc) =	sbr.rel @p1 .LBB2_25-.Ltmp16, $1  }
0x154: {  	_ =	sdelay $0x3  }
0x155: {  	p1 =	seq.s32 s15, $0x1  }
.Ltmp17:
0x156: {  	_ = 	snop;
	(pc) =	sbr.rel @!p1 .LBB2_24-.Ltmp17, $3  }
0x157: {  	_ =	sdelay $0x1  }
0x158: {  	s3 =	sxor.u32 $0x1, s4  }
0x159: {  	s8 =	smul.u32 $0x90, s3  }
0x15a: {  	_ =	swait.ge [sflag:s23], $0x2000  }
0x15b: {  	s8 =	smul.u32 $0x90, s3;
	[sflag:s23] =	ssyncset.done $0x0  }
0x15c: {  	[sflag:s23] =	ssyncadd.s32 $0xFFFFE000  }
0x15d: {  	v4 =	vld [tilespmem:s8+$0x10000];
	_ =	sdelay $0x4  }
0x15e: {  	(v2sf) =	vpush v4, $0x0;
	_ =	sdelay $0x3  }
0x15f: {  	s15 =	smul.u32 $0xFFFFFDC0, s4;
	_ =	sdelay $0x1  }
0x160: {  	s15 =	sshra.s32 s15, $0x2  }
0x161: {  	s16 =	sadd.s32 $0x10091, s15  }
0x162: {  	s21 =	sshll.u32 s4, $0xF;
	v4 =	vmov s16  }
0x163: {  	s15 =	sadd.s32 $0x102D0, s15;
	s16 =	ssub.s32 $0x0, s21  }
0x164: {  	s20 =	sadd.s32 $0x0, s15;
	s16 =	sshra.s32 s16, $0x2  }
0x165: {  	v5 =	vld.msk [tilespmem:s20+$0x0 ss:$0x0], $0xffff;
	s19 =	sadd.s32 $0x124B0, s16  }
0x166: {  	s17 =	simm.s32 $0x0;
	v10 =	vld [tilespmem:s19+$0xFFFFFFE0]  }
0x167: {  	v7 =	vld.idx.msk [tilespmem:v4+s17+$0x0 ss:$0x1], $0xffff  }
0x168: {  	v6 =	vld [tilespmem:s19+$0x0]  }
0x169: {  	v11 =	vld [tilespmem:s19+$0xFFFFFFF0];
	s30 =	spop (v2sf)  }
0x16a: {  	v12 =	vld [tilespmem:s19+$0xFFFFFFD0];
	s16 =	sshll.u32 s30, $0x8  }
0x16b: {  	s21 =	sshra.s32 s16, $0x2  }
0x16c: {  	(v2sf) =	vpush v7, $0x0;
	v8 =	vld [tilespmem:s21+$0x20]  }
0x16d: {  	v13 =	vpack.i.f32.bf16 v5, v5;
	v9 =	vld [tilespmem:s21+$0x0]  }
0x16e: {  	v5 =	vmul.bf16 v6, v13;
	v11 =	vmul.bf16 v11, v13;
	v6 =	vld [tilespmem:s21+$0x10]  }
0x16f: {  	s20 =	simm.s32 $0x4;
	v12 =	vmul.bf16 v12, v13;
	v10 =	vmul.bf16 v10, v13;
	v7 =	vld [tilespmem:s21+$0x30]  }
.LBB2_22:
0x170: {  	p1 =	sne.s32 s20, $0x1FC  }
0x171: {  	s19 =	sadd.s32 $0x40, s19;
	s16 =	smov.u32 s20;
	s20 =	sadd.s32 $0x4, s20  }
0x172: {  	v8 =	vmax.bf16 v8, v11  }
0x173: {  	v9 =	vmax.bf16 v9, v12;
	[tilespmem:s21+$0x20] =	vst v8  }
0x174: {  	s16 =	sshra.s32 s16, $0x2;
	[tilespmem:s21+$0x0] =	vst v9;
	v6 =	vmax.bf16 v6, v10  }
0x175: {  	s17 =	sadd.s32 s16, s15;
	[tilespmem:s21+$0x10] =	vst v6;
	v5 =	vmax.bf16 v7, v5  }
0x176: {  	[tilespmem:s21+$0x30] =	vst v5  }
0x177: {  	v5 =	vld.idx.msk [tilespmem:v4+s16+$0x0 ss:$0x1], $0xffff  }
0x178: {  	v6 =	vld.msk [tilespmem:s17+$0x0 ss:$0x0], $0xffff  }
0x179: {  	v10 =	vld [tilespmem:s19+$0xFFFFFFE0]  }
0x17a: {  	v7 =	vld [tilespmem:s19+$0x0]  }
0x17b: {  	v11 =	vld [tilespmem:s19+$0xFFFFFFF0];
	s16 =	spop (v2sf)  }
0x17c: {  	s16 =	sshll.u32 s16, $0x8;
	v12 =	vld [tilespmem:s19+$0xFFFFFFD0]  }
.Ltmp18:
0x17d: {  	s21 =	sshra.s32 s16, $0x2;
	(v2sf) =	vpush v5, $0x0;
	(pc) =	sbr.rel @p1 .LBB2_22-.Ltmp18, $4  }
0x17e: {  	v13 =	vpack.i.f32.bf16 v6, v6;
	v8 =	vld [tilespmem:s21+$0x20]  }
0x17f: {  	v9 =	vld [tilespmem:s21+$0x0];
	v5 =	vmul.bf16 v7, v13  }
0x180: {  	v6 =	vld [tilespmem:s21+$0x10];
	v11 =	vmul.bf16 v11, v13  }
0x181: {  	v10 =	vmul.bf16 v10, v13;
	v7 =	vld [tilespmem:s21+$0x30];
	v12 =	vmul.bf16 v12, v13  }
0x182: {  	_ =	sdelay $0x5  }
0x183: {  	v4 =	vmax.bf16 v8, v11  }
0x184: {  	v63 =	vmax.bf16 v9, v12;
	[tilespmem:s21+$0x20] =	vst v4  }
0x185: {  	[tilespmem:s21+$0x0] =	vst v63;
	v4 =	vmax.bf16 v6, v10  }
0x186: {  	[tilespmem:s21+$0x10] =	vst v4;
	v4 =	vmax.bf16 v7, v5  }
0x187: {  	[tilespmem:s21+$0x30] =	vst v4;
	s15 =	spop (v2sf)  }
.LBB2_24:
0x188: {  	s15 =	smul.u32 $0x90, s4;
	s30 =	sshll.u32 s4, $0xD  }
0x189: {  	s4 =	sand.u32 $0x3FFFE000, s30  }
0x18a: {  	s4 =	sadd.s32 $0x10480, s4;
	s16 =	sadd.s32 $0xFDC0, s15  }
0x18b: {  	[tilespmem:s4], [sflag:$0x1] =	stream.indirect.gather [hbm4b:s1+s24], $0x40, s16, s24, $0xb8;
	[tilespmem:$0x18880] =	vst v63  }
0x18c: {  	v4 =	vld [tilespmem:s15+$0xFE40];
	_ =	sdelay $0x4  }
0x18d: {  	[tilespmem:s8+$0xFDC0] =	vst v4  }
0x18e: {  	v4 =	vld [tilespmem:s15+$0x10080];
	_ =	sdelay $0x4  }
0x18f: {  	[tilespmem:s8+$0x10000] =	vst v4  }
0x190: {  	v4 =	vld [tilespmem:s15+$0x102C0];
	_ =	sdelay $0x4  }
0x191: {  	s4 =	smov.u32 s3;
	s15 =	simm.s32 $0x1;
	[tilespmem:s8+$0x10240] =	vst v4  }
.LBB2_25:
0x192: {  	s8 =	sshll.u32 s28, $0x5  }
0x193: {  	v4 =	vld [tilespmem:s8+$0xAFA0];
	_ =	sdelay $0x4  }
0x194: {  	vm0 =	vge.s32 v4, v0;
	vm1 =	vlt.s32 v4, v1  }
0x195: {  	vm0 =	vmand vm0, vm1  }
0x196: {  	v5 =	vmpcnt.ones.xlane vm0;
	_ =	sdelay $0x1  }
0x197: {  	(v2sf) =	vpush v5, $0x0;
	_ =	sdelay $0x7  }
0x198: {  	v5 =	vld [tilespmem:s8+$0xCEE0]  }
0x199: {  	p1 =	sgt.s32 s12, $0x7F;
	s16 =	sadd.s32 $0xFFFFFF80, s12;
	s0 =	sadd.s32 s0, s10  }
0x19a: {  	s3 =	smul.u32 $0x90, s4;
	v6 =	vld [tilespmem:s8+$0xEE20];
	s12 =	smov.u32 @p1 s16;
	p1 =	slt.s32 s0, $0x80  }
.Ltmp19:
0x19b: {  	_ = 	snop;
	(pc) =	sbr.rel @p1 .LBB2_31-.Ltmp19, $4  }
0x19c: {  	s16 =	sadd.s32 s12, s3  }
0x19d: {  	v4 =	vsub.s32 v4, v0;
	[tilespmem:s16+$0xFDC0] =	vst.msk vm0, v5  }
0x19e: {  	[tilespmem:s16+$0x10000] =	vst.msk vm0, v4  }
0x19f: {  	[tilespmem:s16+$0x10240] =	vst.msk vm0, v6;
	s30 =	spop (v2sf)  }
0x1a0: {  	p1 =	seq.s32 s2, $0x1  }
.Ltmp20:
0x1a1: {  	_ = 	snop;
	(pc) =	sbr.rel @!p1 .LBB2_30-.Ltmp20, $3  }
0x1a2: {  	_ =	sdelay $0x1  }
0x1a3: {  	s10 =	sxor.u32 $0x3, s31  }
0x1a4: {  	s2 =	smul.u32 $0x90, s10  }
0x1a5: {  	_ =	swait.ge [sflag:s25], $0x2000  }
0x1a6: {  	s2 =	smul.u32 $0x90, s10;
	[sflag:s25] =	ssyncset.done $0x0  }
0x1a7: {  	[sflag:s25] =	ssyncadd.s32 $0xFFFFE000  }
0x1a8: {  	v4 =	vld [tilespmem:s2+$0x10000];
	_ =	sdelay $0x4  }
0x1a9: {  	(v2sf) =	vpush v4, $0x0;
	_ =	sdelay $0x4  }
0x1aa: {  	s20 =	sshll.u32 s31, $0xF  }
0x1ab: {  	s10 =	ssub.s32 $0x0, s20  }
0x1ac: {  	s10 =	sshra.s32 s10, $0x2  }
0x1ad: {  	s16 =	smul.u32 $0xFFFFFDC0, s31;
	s10 =	sadd.s32 $0x10480, s10  }
0x1ae: {  	v4 =	vmov s10  }
0x1af: {  	s16 =	sshra.s32 s16, $0x2  }
0x1b0: {  	s10 =	sadd.s32 $0x101B1, s16  }
0x1b1: {  	s19 =	sadd.s32 $0x103F0, s16;
	v5 =	vld [tilespmem:s10+$0x0]  }
0x1b2: {  	s21 =	simm.s32 $0x0;
	v6 =	vld.msk [tilespmem:s19+$0x0 ss:$0x0], $0xffff  }
0x1b3: {  	v8 =	vld.idx.msk [tilespmem:v4+s21+$0x6030 ss:$0x1], $0xffff  }
0x1b4: {  	v7 =	vld.idx.msk [tilespmem:v4+s21+$0x6000 ss:$0x1], $0xffff;
	s17 =	spop (v2sf)  }
0x1b5: {  	v10 =	vld.idx.msk [tilespmem:v4+s21+$0x6010 ss:$0x1], $0xffff;
	s17 =	sshll.u32 s17, $0x8  }
0x1b6: {  	v12 =	vld.idx.msk [tilespmem:v4+s21+$0x6020 ss:$0x1], $0xffff;
	(v2sf) =	vpush v5, $0x0;
	s20 =	sshra.s32 s17, $0x2  }
0x1b7: {  	v13 =	vld [tilespmem:s20+$0x0]  }
0x1b8: {  	v14 =	vpack.i.f32.bf16 v6, v6;
	v9 =	vld [tilespmem:s20+$0x10]  }
0x1b9: {  	v15 =	vmul.bf16 v7, v14;
	v7 =	vld [tilespmem:s20+$0x20]  }
0x1ba: {  	v6 =	vld [tilespmem:s20+$0x30]  }
0x1bb: {  	v11 =	vmul.bf16 v10, v14  }
0x1bc: {  	s21 =	simm.s32 $0x100;
	v10 =	vmul.bf16 v12, v14;
	v5 =	vmul.bf16 v8, v14;
	v8 =	vmax.bf16 v13, v15  }
.LBB2_28:
0x1bd: {  	p1 =	sne.s32 s21, $0x7F00;
	v9 =	vmax.bf16 v9, v11;
	s19 =	sadd.s32 $0x1, s19;
	s10 =	sadd.s32 $0x1, s10  }
0x1be: {  	v7 =	vmax.bf16 v7, v10;
	s16 =	smov.u32 s21;
	s21 =	sadd.s32 $0x100, s21;
	[tilespmem:s20+$0x10] =	vst v9  }
0x1bf: {  	v5 =	vmax.bf16 v6, v5;
	[tilespmem:s20+$0x20] =	vst v7  }
0x1c0: {  	[tilespmem:s20+$0x30] =	vst v5  }
0x1c1: {  	[tilespmem:s20+$0x0] =	vst v8  }
0x1c2: {  	v5 =	vld [tilespmem:s10+$0x0]  }
0x1c3: {  	s16 =	sshra.s32 s16, $0x2;
	v6 =	vld.msk [tilespmem:s19+$0x0 ss:$0x0], $0xffff  }
0x1c4: {  	v8 =	vld.idx.msk [tilespmem:v4+s16+$0x6030 ss:$0x1], $0xffff  }
0x1c5: {  	v10 =	vld.idx.msk [tilespmem:v4+s16+$0x6000 ss:$0x1], $0xffff;
	s17 =	spop (v2sf)  }
0x1c6: {  	s17 =	sshll.u32 s17, $0x8;
	v11 =	vld.idx.msk [tilespmem:v4+s16+$0x6010 ss:$0x1], $0xffff  }
0x1c7: {  	s20 =	sshra.s32 s17, $0x2;
	v12 =	vld.idx.msk [tilespmem:v4+s16+$0x6020 ss:$0x1], $0xffff;
	(v2sf) =	vpush v5, $0x0  }
0x1c8: {  	v13 =	vld [tilespmem:s20+$0x0]  }
.Ltmp21:
0x1c9: {  	v14 =	vpack.i.f32.bf16 v6, v6;
	v9 =	vld [tilespmem:s20+$0x10];
	(pc) =	sbr.rel @p1 .LBB2_28-.Ltmp21, $4  }
0x1ca: {  	v5 =	vmul.bf16 v8, v14;
	v7 =	vld [tilespmem:s20+$0x20]  }
0x1cb: {  	v8 =	vmul.bf16 v10, v14;
	v6 =	vld [tilespmem:s20+$0x30]  }
0x1cc: {  	v11 =	vmul.bf16 v11, v14  }
0x1cd: {  	v10 =	vmul.bf16 v12, v14;
	v8 =	vmax.bf16 v13, v8  }
.Ltmp22:
0x1ce: {  	_ = 	snop;
	(pc) =	sbr.rel .LBB2_29-.Ltmp22, $1  }
0x1cf: {  	_ =	sdelay $0x3  }
.LBB2_33:
0x1d0: {  	_ =	swait.ge [sflag:s22], $0xFA0  }
0x1d1: {  	[sflag:s22] =	ssyncset.done $0x0  }
0x1d2: {  	s11 =	sadd.s32 s12, s30;
	[sflag:s22] =	ssyncadd.s32 $0xFFFFF060  }
0x1d3: {  	p1 =	slt.s32 s11, $0x80;
	_ =	swait.ge [sflag:s22], $0xFA0  }
.Ltmp23:
0x1d4: {  	[sflag:s22] =	ssyncset.done $0x0;
	(pc) =	sbr.rel @p1 .LBB2_39-.Ltmp23, $4  }
0x1d5: {  	[sflag:s22] =	ssyncadd.s32 $0xFFFFF060  }
0x1d6: {  	_ =	swait.ge [sflag:s22], $0xFA0  }
0x1d7: {  	[sflag:s22] =	ssyncset.done $0x0  }
0x1d8: {  	[sflag:s22] =	ssyncadd.s32 $0xFFFFF060  }
0x1d9: {  	p1 =	seq.s32 s15, $0x1  }
.Ltmp24:
0x1da: {  	_ = 	snop;
	(pc) =	sbr.rel @!p1 .LBB2_38-.Ltmp24, $3  }
0x1db: {  	_ =	sdelay $0x1  }
0x1dc: {  	s12 =	sxor.u32 $0x1, s4  }
0x1dd: {  	s8 =	smul.u32 $0x90, s12  }
0x1de: {  	_ =	swait.ge [sflag:s23], $0x2000  }
0x1df: {  	s8 =	smul.u32 $0x90, s12;
	[sflag:s23] =	ssyncset.done $0x0  }
0x1e0: {  	[sflag:s23] =	ssyncadd.s32 $0xFFFFE000  }
0x1e1: {  	v4 =	vld [tilespmem:s8+$0x10000];
	_ =	sdelay $0x4  }
0x1e2: {  	(v2sf) =	vpush v4, $0x0;
	_ =	sdelay $0x3  }
0x1e3: {  	s14 =	smul.u32 $0xFFFFFDC0, s4;
	_ =	sdelay $0x1  }
0x1e4: {  	s14 =	sshra.s32 s14, $0x2  }
0x1e5: {  	s15 =	sadd.s32 $0x10091, s14  }
0x1e6: {  	s28 =	sshll.u32 s4, $0xF;
	v4 =	vmov s15  }
0x1e7: {  	s14 =	sadd.s32 $0x102D0, s14;
	s15 =	ssub.s32 $0x0, s28  }
0x1e8: {  	s17 =	sadd.s32 $0x0, s14;
	s15 =	sshra.s32 s15, $0x2  }
0x1e9: {  	v5 =	vld.msk [tilespmem:s17+$0x0 ss:$0x0], $0xffff;
	s15 =	sadd.s32 $0x124B0, s15  }
0x1ea: {  	s16 =	simm.s32 $0x0;
	v10 =	vld [tilespmem:s15+$0xFFFFFFE0]  }
0x1eb: {  	v7 =	vld.idx.msk [tilespmem:v4+s16+$0x0 ss:$0x1], $0xffff  }
0x1ec: {  	v6 =	vld [tilespmem:s15+$0x0]  }
0x1ed: {  	v11 =	vld [tilespmem:s15+$0xFFFFFFF0];
	s30 =	spop (v2sf)  }
0x1ee: {  	v12 =	vld [tilespmem:s15+$0xFFFFFFD0];
	s16 =	sshll.u32 s30, $0x8  }
0x1ef: {  	s20 =	sshra.s32 s16, $0x2  }
0x1f0: {  	(v2sf) =	vpush v7, $0x0;
	v8 =	vld [tilespmem:s20+$0x20]  }
0x1f1: {  	v13 =	vpack.i.f32.bf16 v5, v5;
	v9 =	vld [tilespmem:s20+$0x0]  }
0x1f2: {  	v5 =	vmul.bf16 v6, v13;
	v11 =	vmul.bf16 v11, v13;
	v6 =	vld [tilespmem:s20+$0x10]  }
0x1f3: {  	s19 =	simm.s32 $0x4;
	v12 =	vmul.bf16 v12, v13;
	v10 =	vmul.bf16 v10, v13;
	v7 =	vld [tilespmem:s20+$0x30]  }
.LBB2_36:
0x1f4: {  	p1 =	sne.s32 s19, $0x1FC  }
0x1f5: {  	s15 =	sadd.s32 $0x40, s15;
	s16 =	smov.u32 s19;
	s19 =	sadd.s32 $0x4, s19  }
0x1f6: {  	v8 =	vmax.bf16 v8, v11  }
0x1f7: {  	v9 =	vmax.bf16 v9, v12;
	[tilespmem:s20+$0x20] =	vst v8  }
0x1f8: {  	s16 =	sshra.s32 s16, $0x2;
	[tilespmem:s20+$0x0] =	vst v9;
	v6 =	vmax.bf16 v6, v10  }
0x1f9: {  	s17 =	sadd.s32 s16, s14;
	[tilespmem:s20+$0x10] =	vst v6;
	v5 =	vmax.bf16 v7, v5  }
0x1fa: {  	[tilespmem:s20+$0x30] =	vst v5  }
0x1fb: {  	v5 =	vld.idx.msk [tilespmem:v4+s16+$0x0 ss:$0x1], $0xffff  }
0x1fc: {  	v6 =	vld.msk [tilespmem:s17+$0x0 ss:$0x0], $0xffff  }
0x1fd: {  	v10 =	vld [tilespmem:s15+$0xFFFFFFE0]  }
0x1fe: {  	v7 =	vld [tilespmem:s15+$0x0]  }
0x1ff: {  	v11 =	vld [tilespmem:s15+$0xFFFFFFF0];
	s16 =	spop (v2sf)  }
0x200: {  	s16 =	sshll.u32 s16, $0x8;
	v12 =	vld [tilespmem:s15+$0xFFFFFFD0]  }
.Ltmp25:
0x201: {  	s20 =	sshra.s32 s16, $0x2;
	(v2sf) =	vpush v5, $0x0;
	(pc) =	sbr.rel @p1 .LBB2_36-.Ltmp25, $4  }
0x202: {  	v13 =	vpack.i.f32.bf16 v6, v6;
	v8 =	vld [tilespmem:s20+$0x20]  }
0x203: {  	v9 =	vld [tilespmem:s20+$0x0];
	v5 =	vmul.bf16 v7, v13  }
0x204: {  	v6 =	vld [tilespmem:s20+$0x10];
	v11 =	vmul.bf16 v11, v13  }
0x205: {  	v10 =	vmul.bf16 v10, v13;
	v7 =	vld [tilespmem:s20+$0x30];
	v12 =	vmul.bf16 v12, v13  }
0x206: {  	_ =	sdelay $0x5  }
0x207: {  	v4 =	vmax.bf16 v8, v11  }
0x208: {  	v63 =	vmax.bf16 v9, v12;
	[tilespmem:s20+$0x20] =	vst v4  }
0x209: {  	[tilespmem:s20+$0x0] =	vst v63;
	v4 =	vmax.bf16 v6, v10  }
0x20a: {  	[tilespmem:s20+$0x10] =	vst v4;
	v4 =	vmax.bf16 v7, v5  }
0x20b: {  	[tilespmem:s20+$0x30] =	vst v4;
	s14 =	spop (v2sf)  }
.LBB2_38:
0x20c: {  	s4 =	sshll.u32 s4, $0xD  }
0x20d: {  	s4 =	sand.u32 $0x3FFFE000, s4  }
0x20e: {  	s14 =	sadd.s32 $0xFDC0, s3;
	s4 =	sadd.s32 $0x10480, s4  }
0x20f: {  	[tilespmem:s4], [sflag:$0x1] =	stream.indirect.gather [hbm4b:s1+s24], $0x40, s14, s24, $0xb8;
	[tilespmem:$0x18880] =	vst v63  }
0x210: {  	v4 =	vld [tilespmem:s3+$0xFE40];
	_ =	sdelay $0x4  }
0x211: {  	[tilespmem:s8+$0xFDC0] =	vst v4  }
0x212: {  	v4 =	vld [tilespmem:s3+$0x10080];
	_ =	sdelay $0x4  }
0x213: {  	[tilespmem:s8+$0x10000] =	vst v4  }
0x214: {  	v4 =	vld [tilespmem:s3+$0x102C0]  }
.Ltmp26:
0x215: {  	_ = 	snop;
	(pc) =	sbr.rel .LBB2_40-.Ltmp26, $2  }
0x216: {  	_ =	sdelay $0x2  }
0x217: {  	s11 =	sadd.s32 $0xFFFFFF80, s11;
	[tilespmem:s8+$0x10240] =	vst v4  }
.LBB2_39:
0x218: {  	p1 =	sne.s32 s15, $0x1  }
.Ltmp27:
0x219: {  	_ = 	snop;
	(pc) =	sbr.rel @p1 .LBB2_43-.Ltmp27, $2  }
0x21a: {  	_ =	sdelay $0x2  }
0x21b: {  	s12 =	smov.u32 s4  }
.LBB2_40:
0x21c: {  	s3 =	sxor.u32 $0x1, s12  }
0x21d: {  	_ =	swait.ge [sflag:s23], $0x2000;
	s3 =	smul.u32 $0x90, s3  }
0x21e: {  	[sflag:s23] =	ssyncset.done $0x0  }
0x21f: {  	[sflag:s23] =	ssyncadd.s32 $0xFFFFE000;
	s3 =	sor.u32 $0x10000, s3  }
0x220: {  	v4 =	vld [tilespmem:s3+$0x0];
	_ =	sdelay $0x4  }
0x221: {  	(v2sf) =	vpush v4, $0x0;
	_ =	sdelay $0x3  }
0x222: {  	s21 =	smul.u32 $0xFFFFFDC0, s12;
	_ =	sdelay $0x1  }
0x223: {  	s3 =	sshra.s32 s21, $0x2  }
0x224: {  	s4 =	sadd.s32 $0x10091, s3  }
0x225: {  	s28 =	sshll.u32 s12, $0xF;
	v4 =	vmov s4  }
0x226: {  	s3 =	sadd.s32 $0x102D0, s3;
	s4 =	ssub.s32 $0x0, s28  }
0x227: {  	s14 =	sadd.s32 $0x0, s3;
	s4 =	sshra.s32 s4, $0x2  }
0x228: {  	v5 =	vld.msk [tilespmem:s14+$0x0 ss:$0x0], $0xffff;
	s4 =	sadd.s32 $0x124B0, s4  }
0x229: {  	s8 =	simm.s32 $0x0;
	v10 =	vld [tilespmem:s4+$0xFFFFFFE0]  }
0x22a: {  	v7 =	vld.idx.msk [tilespmem:v4+s8+$0x0 ss:$0x1], $0xffff  }
0x22b: {  	v6 =	vld [tilespmem:s4+$0x0]  }
0x22c: {  	v11 =	vld [tilespmem:s4+$0xFFFFFFF0];
	s30 =	spop (v2sf)  }
0x22d: {  	v12 =	vld [tilespmem:s4+$0xFFFFFFD0];
	s8 =	sshll.u32 s30, $0x8  }
0x22e: {  	s14 =	sshra.s32 s8, $0x2  }
0x22f: {  	(v2sf) =	vpush v7, $0x0;
	v8 =	vld [tilespmem:s14+$0x20]  }
0x230: {  	v13 =	vpack.i.f32.bf16 v5, v5;
	v9 =	vld [tilespmem:s14+$0x0]  }
0x231: {  	v5 =	vmul.bf16 v6, v13;
	v11 =	vmul.bf16 v11, v13;
	v6 =	vld [tilespmem:s14+$0x10]  }
0x232: {  	v12 =	vmul.bf16 v12, v13;
	v10 =	vmul.bf16 v10, v13;
	s8 =	simm.s32 $0x4;
	v7 =	vld [tilespmem:s14+$0x30]  }
.LBB2_41:
0x233: {  	p1 =	sne.s32 s8, $0x1FC  }
0x234: {  	s4 =	sadd.s32 $0x40, s4;
	s15 =	smov.u32 s8;
	s8 =	sadd.s32 $0x4, s8  }
0x235: {  	v8 =	vmax.bf16 v8, v11  }
0x236: {  	v9 =	vmax.bf16 v9, v12;
	[tilespmem:s14+$0x20] =	vst v8  }
0x237: {  	s15 =	sshra.s32 s15, $0x2;
	[tilespmem:s14+$0x0] =	vst v9;
	v6 =	vmax.bf16 v6, v10  }
0x238: {  	s16 =	sadd.s32 s15, s3;
	[tilespmem:s14+$0x10] =	vst v6;
	v5 =	vmax.bf16 v7, v5  }
0x239: {  	[tilespmem:s14+$0x30] =	vst v5  }
0x23a: {  	v5 =	vld.idx.msk [tilespmem:v4+s15+$0x0 ss:$0x1], $0xffff  }
0x23b: {  	v6 =	vld.msk [tilespmem:s16+$0x0 ss:$0x0], $0xffff  }
0x23c: {  	v10 =	vld [tilespmem:s4+$0xFFFFFFE0]  }
0x23d: {  	v7 =	vld [tilespmem:s4+$0x0]  }
0x23e: {  	v11 =	vld [tilespmem:s4+$0xFFFFFFF0];
	s14 =	spop (v2sf)  }
0x23f: {  	s14 =	sshll.u32 s14, $0x8;
	v12 =	vld [tilespmem:s4+$0xFFFFFFD0]  }
.Ltmp28:
0x240: {  	s14 =	sshra.s32 s14, $0x2;
	(v2sf) =	vpush v5, $0x0;
	(pc) =	sbr.rel @p1 .LBB2_41-.Ltmp28, $4  }
0x241: {  	v13 =	vpack.i.f32.bf16 v6, v6;
	v8 =	vld [tilespmem:s14+$0x20]  }
0x242: {  	v9 =	vld [tilespmem:s14+$0x0];
	v5 =	vmul.bf16 v7, v13  }
0x243: {  	v6 =	vld [tilespmem:s14+$0x10];
	v11 =	vmul.bf16 v11, v13  }
0x244: {  	v10 =	vmul.bf16 v10, v13;
	v7 =	vld [tilespmem:s14+$0x30];
	v12 =	vmul.bf16 v12, v13  }
0x245: {  	_ =	sdelay $0x6  }
0x246: {  	v4 =	vmax.bf16 v8, v11  }
0x247: {  	v63 =	vmax.bf16 v9, v12;
	[tilespmem:s14+$0x20] =	vst v4  }
0x248: {  	[tilespmem:s14+$0x0] =	vst v63;
	v4 =	vmax.bf16 v6, v10  }
0x249: {  	[tilespmem:s14+$0x10] =	vst v4;
	v4 =	vmax.bf16 v7, v5;
	s3 =	spop (v2sf)  }
0x24a: {  	s4 =	smov.u32 s12;
	[tilespmem:s14+$0x30] =	vst v4;
	s3 =	smul.u32 $0x90, s12  }
.LBB2_43:
0x24b: {  	s4 =	sshll.u32 s4, $0xF  }
0x24c: {  	p1 =	slt.s32 s11, $0x1;
	s4 =	sshra.s32 s4, $0x2  }
.Ltmp29:
0x24d: {  	s12 =	sadd.s32 $0xFDC0, s3;
	s8 =	sadd.s32 $0x10480, s4;
	(pc) =	sbr.rel @p1 .LBB2_47-.Ltmp29, $4  }
0x24e: {  	[tilespmem:s8], [sflag:$0x1] =	stream.indirect.gather [hbm4b:s1+s24], $0x40, s12, s24, $0xb8;
	[tilespmem:$0x18880] =	vst v63  }
0x24f: {  	_ =	swait.ge [sflag:s23], $0x2000  }
0x250: {  	[sflag:s23] =	ssyncset.done $0x0  }
0x251: {  	[sflag:s23] =	ssyncadd.s32 $0xFFFFE000  }
0x252: {  	v4 =	vld [tilespmem:s3+$0x10000];
	_ =	sdelay $0x4  }
0x253: {  	(v2sf) =	vpush v4, $0x0;
	_ =	sdelay $0x8  }
0x254: {  	s30 =	sshll.u32 s3, $0x2  }
0x255: {  	s8 =	sshra.s32 s30, $0x2  }
0x256: {  	s3 =	sadd.s32 $0x10001, s8  }
0x257: {  	s4 =	sadd.s32 $0x104A0, s4;
	v5 =	vld [tilespmem:s3+$0x0]  }
0x258: {  	v6 =	vld [tilespmem:s4+$0x0];
	s8 =	sadd.s32 $0x10240, s8  }
0x259: {  	v4 =	vld.msk [tilespmem:s8+$0x0 ss:$0x0], $0xffff  }
0x25a: {  	v7 =	vld [tilespmem:s4+$0x10];
	s12 =	spop (v2sf)  }
0x25b: {  	v8 =	vld [tilespmem:s4+$0xFFFFFFF0];
	s12 =	sshll.u32 s12, $0x8  }
0x25c: {  	v9 =	vld [tilespmem:s4+$0xFFFFFFE0];
	(v2sf) =	vpush v5, $0x0;
	s12 =	sshra.s32 s12, $0x2  }
0x25d: {  	p1 =	sne.s32 s11, $0x1;
	v10 =	vld [tilespmem:s12+$0x30]  }
.Ltmp30:
0x25e: {  	v11 =	vpack.i.f32.bf16 v4, v4;
	v4 =	vld [tilespmem:s12+$0x20];
	(pc) =	sbr.rel @!p1 .LBB2_46-.Ltmp30, $3  }
0x25f: {  	v12 =	vmul.bf16 v7, v11;
	v7 =	vld [tilespmem:s12+$0x0]  }
0x260: {  	v5 =	vmul.bf16 v6, v11;
	v6 =	vld [tilespmem:s12+$0x10];
	_ =	sdelay $0x1  }
0x261: {  	s11 =	sadd.s32 $0xFFFFFFFF, s11;
	v9 =	vmul.bf16 v9, v11;
	v8 =	vmul.bf16 v8, v11;
	v10 =	vmax.bf16 v10, v12  }
.LBB2_45:
0x262: {  	s8 =	sadd.s32 $0x1, s8;
	s3 =	sadd.s32 $0x1, s3;
	s4 =	sadd.s32 $0x40, s4  }
0x263: {  	p1 =	sne.s32 s11, $0x1;
	s11 =	sadd.s32 $0xFFFFFFFF, s11;
	v7 =	vmax.bf16 v7, v9;
	[tilespmem:s12+$0x30] =	vst v10  }
0x264: {  	v4 =	vmax.bf16 v4, v5;
	[tilespmem:s12+$0x0] =	vst v7;
	v6 =	vmax.bf16 v6, v8  }
0x265: {  	[tilespmem:s12+$0x10] =	vst v6  }
0x266: {  	[tilespmem:s12+$0x20] =	vst v4  }
0x267: {  	v4 =	vld [tilespmem:s3+$0x0]  }
0x268: {  	v5 =	vld [tilespmem:s4+$0x0]  }
0x269: {  	v6 =	vld.msk [tilespmem:s8+$0x0 ss:$0x0], $0xffff  }
0x26a: {  	v8 =	vld [tilespmem:s4+$0xFFFFFFF0];
	s12 =	spop (v2sf)  }
0x26b: {  	s12 =	sshll.u32 s12, $0x8;
	v9 =	vld [tilespmem:s4+$0x10]  }
0x26c: {  	s12 =	sshra.s32 s12, $0x2;
	v10 =	vld [tilespmem:s4+$0xFFFFFFE0];
	(v2sf) =	vpush v4, $0x0  }
0x26d: {  	v11 =	vld [tilespmem:s12+$0x30]  }
.Ltmp31:
0x26e: {  	v4 =	vld [tilespmem:s12+$0x20];
	(pc) =	sbr.rel @p1 .LBB2_45-.Ltmp31, $3  }
0x26f: {  	v12 =	vpack.i.f32.bf16 v6, v6;
	v7 =	vld [tilespmem:s12+$0x0]  }
0x270: {  	v5 =	vmul.bf16 v5, v12;
	v6 =	vld [tilespmem:s12+$0x10];
	v13 =	vmul.bf16 v9, v12;
	_ =	sdelay $0x1  }
0x271: {  	v8 =	vmul.bf16 v8, v12;
	v9 =	vmul.bf16 v10, v12;
	v10 =	vmax.bf16 v11, v13  }
.LBB2_46:
0x272: {  	_ =	sdelay $0x4  }
0x273: {  	[tilespmem:s12+$0x30] =	vst v10;
	v4 =	vmax.bf16 v4, v5  }
0x274: {  	v7 =	vmax.bf16 v7, v9;
	[tilespmem:s12+$0x20] =	vst v4  }
0x275: {  	[tilespmem:s12+$0x0] =	vst v7;
	v6 =	vmax.bf16 v6, v8  }
0x276: {  	[tilespmem:s12+$0x10] =	vst v6;
	s3 =	spop (v2sf)  }
.LBB2_47:
0x277: {  	s0 =	sadd.s32 s0, s10  }
0x278: {  	p1 =	slt.s32 s0, $0x80  }
.Ltmp32:
0x279: {  	_ = 	snop;
	(pc) =	sbr.rel @p1 .LBB2_54-.Ltmp32, $1  }
0x27a: {  	_ =	sdelay $0x3  }
0x27b: {  	p1 =	seq.s32 s2, $0x1  }
.Ltmp33:
0x27c: {  	_ = 	snop;
	(pc) =	sbr.rel @!p1 .LBB2_49-.Ltmp33, $3  }
0x27d: {  	_ =	sdelay $0x1  }
0x27e: {  	s3 =	sxor.u32 $0x3, s31  }
0x27f: {  	s12 =	rddreg [dreg:$0x3];
	s2 =	smul.u32 $0x90, s3  }
0x280: {  	_ =	swait.ge [sflag:s25], $0x2000  }
0x281: {  	s2 =	smul.u32 $0x90, s3;
	[sflag:s25] =	ssyncset.done $0x0  }
0x282: {  	[sflag:s25] =	ssyncadd.s32 $0xFFFFE000  }
0x283: {  	v4 =	vld [tilespmem:s2+$0x10000];
	_ =	sdelay $0x4  }
0x284: {  	(v2sf) =	vpush v4, $0x0;
	_ =	sdelay $0x4  }
0x285: {  	s30 =	sshll.u32 s31, $0xF  }
0x286: {  	s3 =	ssub.s32 $0x0, s30  }
0x287: {  	s3 =	sshra.s32 s3, $0x2  }
0x288: {  	s4 =	smul.u32 $0xFFFFFDC0, s31;
	s3 =	sadd.s32 $0x10480, s3  }
0x289: {  	v4 =	vmov s3  }
0x28a: {  	s4 =	sshra.s32 s4, $0x2  }
0x28b: {  	s3 =	sadd.s32 $0x101B1, s4  }
0x28c: {  	s4 =	sadd.s32 $0x103F0, s4;
	v5 =	vld [tilespmem:s3+$0x0]  }
0x28d: {  	s10 =	simm.s32 $0x0;
	v6 =	vld.msk [tilespmem:s4+$0x0 ss:$0x0], $0xffff  }
0x28e: {  	v8 =	vld.idx.msk [tilespmem:v4+s10+$0x6030 ss:$0x1], $0xffff  }
0x28f: {  	v7 =	vld.idx.msk [tilespmem:v4+s10+$0x6000 ss:$0x1], $0xffff;
	s8 =	spop (v2sf)  }
0x290: {  	v10 =	vld.idx.msk [tilespmem:v4+s10+$0x6010 ss:$0x1], $0xffff;
	s8 =	sshll.u32 s8, $0x8  }
0x291: {  	v12 =	vld.idx.msk [tilespmem:v4+s10+$0x6020 ss:$0x1], $0xffff;
	(v2sf) =	vpush v5, $0x0;
	s8 =	sshra.s32 s8, $0x2  }
0x292: {  	v13 =	vld [tilespmem:s8+$0x0]  }
0x293: {  	v14 =	vpack.i.f32.bf16 v6, v6;
	v9 =	vld [tilespmem:s8+$0x10]  }
0x294: {  	v15 =	vmul.bf16 v7, v14;
	v7 =	vld [tilespmem:s8+$0x20]  }
0x295: {  	v6 =	vld [tilespmem:s8+$0x30]  }
0x296: {  	v11 =	vmul.bf16 v10, v14  }
0x297: {  	s10 =	simm.s32 $0x100;
	v10 =	vmul.bf16 v12, v14;
	v5 =	vmul.bf16 v8, v14;
	v8 =	vmax.bf16 v13, v15  }
.LBB2_51:
0x298: {  	p1 =	sne.s32 s10, $0x7F00;
	v9 =	vmax.bf16 v9, v11;
	s4 =	sadd.s32 $0x1, s4;
	s3 =	sadd.s32 $0x1, s3  }
0x299: {  	s11 =	smov.u32 s10;
	s10 =	sadd.s32 $0x100, s10;
	[tilespmem:s8+$0x10] =	vst v9;
	v7 =	vmax.bf16 v7, v10  }
0x29a: {  	[tilespmem:s8+$0x20] =	vst v7;
	v5 =	vmax.bf16 v6, v5  }
0x29b: {  	[tilespmem:s8+$0x30] =	vst v5  }
0x29c: {  	[tilespmem:s8+$0x0] =	vst v8  }
0x29d: {  	v5 =	vld [tilespmem:s3+$0x0]  }
0x29e: {  	s11 =	sshra.s32 s11, $0x2;
	v6 =	vld.msk [tilespmem:s4+$0x0 ss:$0x0], $0xffff  }
0x29f: {  	v8 =	vld.idx.msk [tilespmem:v4+s11+$0x6030 ss:$0x1], $0xffff  }
0x2a0: {  	v10 =	vld.idx.msk [tilespmem:v4+s11+$0x6000 ss:$0x1], $0xffff;
	s8 =	spop (v2sf)  }
0x2a1: {  	s8 =	sshll.u32 s8, $0x8;
	v11 =	vld.idx.msk [tilespmem:v4+s11+$0x6010 ss:$0x1], $0xffff  }
0x2a2: {  	s8 =	sshra.s32 s8, $0x2;
	v12 =	vld.idx.msk [tilespmem:v4+s11+$0x6020 ss:$0x1], $0xffff;
	(v2sf) =	vpush v5, $0x0  }
0x2a3: {  	v13 =	vld [tilespmem:s8+$0x0]  }
.Ltmp34:
0x2a4: {  	v14 =	vpack.i.f32.bf16 v6, v6;
	v9 =	vld [tilespmem:s8+$0x10];
	(pc) =	sbr.rel @p1 .LBB2_51-.Ltmp34, $4  }
0x2a5: {  	v5 =	vmul.bf16 v8, v14;
	v7 =	vld [tilespmem:s8+$0x20]  }
0x2a6: {  	v8 =	vmul.bf16 v10, v14;
	v6 =	vld [tilespmem:s8+$0x30]  }
0x2a7: {  	v11 =	vmul.bf16 v11, v14  }
0x2a8: {  	v10 =	vmul.bf16 v12, v14;
	v8 =	vmax.bf16 v13, v8  }
0x2a9: {  	_ =	sdelay $0x3  }
.Ltmp35:
0x2aa: {  	_ = 	snop;
	(pc) =	sbr.rel .LBB2_53-.Ltmp35, $4  }
0x2ab: {  	v4 =	vmax.bf16 v9, v11;
	[tilespmem:s8+$0x0] =	vst v8  }
0x2ac: {  	[tilespmem:s8+$0x10] =	vst v4;
	v4 =	vmax.bf16 v7, v10  }
0x2ad: {  	[tilespmem:s8+$0x20] =	vst v4;
	v4 =	vmax.bf16 v6, v5  }
0x2ae: {  	s11 =	rddreg [dreg:$0x1];
	[tilespmem:s8+$0x30] =	vst v4;
	s3 =	spop (v2sf)  }
.LBB2_54:
0x2af: {  	p1 =	sne.s32 s2, $0x1  }
.Ltmp36:
0x2b0: {  	_ = 	snop;
	(pc) =	sbr.rel @p1 .LBB2_58-.Ltmp36, $4  }
.Ltmp37:
0x2b1: {  	_ = 	snop;
	(pc) =	sbr.rel @!p1 .LBB2_55-.Ltmp37, $4  }
0x2b2: {  	_ = 	snop  }
0x2b3: {  	s11 =	rddreg [dreg:$0x1]  }
0x2b4: {  	s12 =	rddreg [dreg:$0x3]  }
0x2b5: {  	_ = 	snop  }
.LBB2_49:
0x2b6: {  	s11 =	rddreg [dreg:$0x1]  }
.LBB2_53:
0x2b7: {  	s3 =	sadd.s32 $0x2, s31  }
0x2b8: {  	s4 =	smul.u32 $0x90, s3;
	s3 =	sshll.u32 s3, $0xD  }
0x2b9: {  	s3 =	sand.u32 $0x3FFFE000, s3  }
0x2ba: {  	s3 =	sadd.s32 $0x10480, s3;
	s8 =	sadd.s32 $0xFDC0, s4  }
0x2bb: {  	[tilespmem:s3], [sflag:$0x2] =	stream.indirect.gather [hbm4b:s1+s24], $0x40, s8, s24, $0xb8;
	[tilespmem:$0x18880] =	vst v63  }
0x2bc: {  	v4 =	vld [tilespmem:s4+$0xFE40];
	_ =	sdelay $0x4  }
0x2bd: {  	[tilespmem:s2+$0xFDC0] =	vst v4  }
0x2be: {  	v4 =	vld [tilespmem:s4+$0x10080];
	_ =	sdelay $0x4  }
0x2bf: {  	[tilespmem:s2+$0x10000] =	vst v4  }
0x2c0: {  	v4 =	vld [tilespmem:s4+$0x102C0];
	_ =	sdelay $0x4  }
0x2c1: {  	s0 =	sadd.s32 $0xFFFFFF80, s0;
	s31 =	sxor.u32 $0x1, s31;
	[tilespmem:s2+$0x10240] =	vst v4  }
.LBB2_55:
0x2c2: {  	s2 =	sxor.u32 $0x3, s31  }
0x2c3: {  	_ =	swait.ge [sflag:s25], $0x2000;
	s2 =	smul.u32 $0x90, s2  }
0x2c4: {  	[sflag:s25] =	ssyncset.done $0x0  }
0x2c5: {  	[sflag:s25] =	ssyncadd.s32 $0xFFFFE000;
	s2 =	sor.u32 $0x10000, s2  }
0x2c6: {  	v4 =	vld [tilespmem:s2+$0x0];
	_ =	sdelay $0x4  }
0x2c7: {  	(v2sf) =	vpush v4, $0x0;
	_ =	sdelay $0x4  }
0x2c8: {  	s30 =	sshll.u32 s31, $0xF  }
0x2c9: {  	s2 =	ssub.s32 $0x0, s30  }
0x2ca: {  	s2 =	sshra.s32 s2, $0x2  }
0x2cb: {  	s3 =	smul.u32 $0xFFFFFDC0, s31;
	s2 =	sadd.s32 $0x10480, s2  }
0x2cc: {  	v4 =	vmov s2  }
0x2cd: {  	s3 =	sshra.s32 s3, $0x2  }
0x2ce: {  	s2 =	sadd.s32 $0x101B1, s3  }
0x2cf: {  	s3 =	sadd.s32 $0x103F0, s3;
	v5 =	vld [tilespmem:s2+$0x0]  }
0x2d0: {  	s8 =	simm.s32 $0x0;
	v6 =	vld.msk [tilespmem:s3+$0x0 ss:$0x0], $0xffff  }
0x2d1: {  	v8 =	vld.idx.msk [tilespmem:v4+s8+$0x6030 ss:$0x1], $0xffff  }
0x2d2: {  	v7 =	vld.idx.msk [tilespmem:v4+s8+$0x6000 ss:$0x1], $0xffff;
	s4 =	spop (v2sf)  }
0x2d3: {  	v10 =	vld.idx.msk [tilespmem:v4+s8+$0x6010 ss:$0x1], $0xffff;
	s4 =	sshll.u32 s4, $0x8  }
0x2d4: {  	v12 =	vld.idx.msk [tilespmem:v4+s8+$0x6020 ss:$0x1], $0xffff;
	(v2sf) =	vpush v5, $0x0;
	s4 =	sshra.s32 s4, $0x2  }
0x2d5: {  	v13 =	vld [tilespmem:s4+$0x0]  }
0x2d6: {  	v14 =	vpack.i.f32.bf16 v6, v6;
	v9 =	vld [tilespmem:s4+$0x10]  }
0x2d7: {  	v15 =	vmul.bf16 v7, v14;
	v7 =	vld [tilespmem:s4+$0x20]  }
0x2d8: {  	v6 =	vld [tilespmem:s4+$0x30]  }
0x2d9: {  	v11 =	vmul.bf16 v10, v14  }
0x2da: {  	s8 =	simm.s32 $0x100;
	v10 =	vmul.bf16 v12, v14;
	v5 =	vmul.bf16 v8, v14;
	v8 =	vmax.bf16 v13, v15  }
.LBB2_56:
0x2db: {  	p1 =	sne.s32 s8, $0x7F00;
	v9 =	vmax.bf16 v9, v11;
	s3 =	sadd.s32 $0x1, s3;
	s2 =	sadd.s32 $0x1, s2  }
0x2dc: {  	s10 =	smov.u32 s8;
	s8 =	sadd.s32 $0x100, s8;
	[tilespmem:s4+$0x10] =	vst v9;
	v7 =	vmax.bf16 v7, v10  }
0x2dd: {  	[tilespmem:s4+$0x20] =	vst v7;
	v5 =	vmax.bf16 v6, v5  }
0x2de: {  	[tilespmem:s4+$0x30] =	vst v5  }
0x2df: {  	[tilespmem:s4+$0x0] =	vst v8  }
0x2e0: {  	v5 =	vld [tilespmem:s2+$0x0]  }
0x2e1: {  	s10 =	sshra.s32 s10, $0x2;
	v6 =	vld.msk [tilespmem:s3+$0x0 ss:$0x0], $0xffff  }
0x2e2: {  	v8 =	vld.idx.msk [tilespmem:v4+s10+$0x6030 ss:$0x1], $0xffff  }
0x2e3: {  	v10 =	vld.idx.msk [tilespmem:v4+s10+$0x6000 ss:$0x1], $0xffff;
	s4 =	spop (v2sf)  }
0x2e4: {  	s4 =	sshll.u32 s4, $0x8;
	v11 =	vld.idx.msk [tilespmem:v4+s10+$0x6010 ss:$0x1], $0xffff  }
0x2e5: {  	s4 =	sshra.s32 s4, $0x2;
	v12 =	vld.idx.msk [tilespmem:v4+s10+$0x6020 ss:$0x1], $0xffff;
	(v2sf) =	vpush v5, $0x0  }
0x2e6: {  	v13 =	vld [tilespmem:s4+$0x0]  }
.Ltmp38:
0x2e7: {  	v14 =	vpack.i.f32.bf16 v6, v6;
	v9 =	vld [tilespmem:s4+$0x10];
	(pc) =	sbr.rel @p1 .LBB2_56-.Ltmp38, $4  }
0x2e8: {  	v5 =	vmul.bf16 v8, v14;
	v7 =	vld [tilespmem:s4+$0x20]  }
0x2e9: {  	v8 =	vmul.bf16 v10, v14;
	v6 =	vld [tilespmem:s4+$0x30]  }
0x2ea: {  	v11 =	vmul.bf16 v11, v14  }
0x2eb: {  	v10 =	vmul.bf16 v12, v14;
	v8 =	vmax.bf16 v13, v8  }
0x2ec: {  	_ =	sdelay $0x4  }
0x2ed: {  	v4 =	vmax.bf16 v9, v11;
	[tilespmem:s4+$0x0] =	vst v8  }
0x2ee: {  	[tilespmem:s4+$0x10] =	vst v4;
	v4 =	vmax.bf16 v7, v10  }
0x2ef: {  	[tilespmem:s4+$0x20] =	vst v4;
	v4 =	vmax.bf16 v6, v5  }
0x2f0: {  	[tilespmem:s4+$0x30] =	vst v4;
	s2 =	spop (v2sf)  }
.LBB2_58:
0x2f1: {  	s3 =	sadd.s32 $0x2, s31  }
0x2f2: {  	s2 =	smul.u32 $0x90, s3;
	s3 =	sshll.u32 s3, $0xD  }
0x2f3: {  	p1 =	slt.s32 s0, $0x1;
	s3 =	sand.u32 $0x3FFFE000, s3  }
.Ltmp39:
0x2f4: {  	s3 =	sadd.s32 $0x10480, s3;
	s4 =	sadd.s32 $0xFDC0, s2;
	(pc) =	sbr.rel @p1 .LBB2_62-.Ltmp39, $4  }
0x2f5: {  	[tilespmem:s3], [sflag:$0x2] =	stream.indirect.gather [hbm4b:s1+s24], $0x40, s4, s24, $0xb8;
	[tilespmem:$0x18880] =	vst v63  }
0x2f6: {  	_ =	swait.ge [sflag:s25], $0x2000  }
0x2f7: {  	[sflag:s25] =	ssyncset.done $0x0  }
0x2f8: {  	s10 =	simm.s32 $0x18480;
	[sflag:s25] =	ssyncadd.s32 $0xFFFFE000  }
0x2f9: {  	v4 =	vld [tilespmem:s2+$0x10000];
	_ =	sdelay $0x4  }
0x2fa: {  	(v2sf) =	vpush v4, $0x0;
	_ =	sdelay $0x7  }
0x2fb: {  	s30 =	smul.u32 $0x240, s31;
	_ =	sdelay $0x1  }
0x2fc: {  	s3 =	sshll.u32 s31, $0xF;
	s4 =	sshra.s32 s30, $0x2  }
0x2fd: {  	s3 =	sshra.s32 s3, $0x2;
	s2 =	sadd.s32 $0x10121, s4  }
0x2fe: {  	s3 =	sadd.s32 $0x144B0, s3;
	v5 =	vld [tilespmem:s2+$0x0]  }
0x2ff: {  	s4 =	sadd.s32 $0x10360, s4;
	v6 =	vld [tilespmem:s3+$0xFFFFFFF0]  }
0x300: {  	v4 =	vld.msk [tilespmem:s4+$0x0 ss:$0x0], $0xffff  }
0x301: {  	v7 =	vld [tilespmem:s3+$0x0];
	s8 =	spop (v2sf)  }
0x302: {  	v8 =	vld [tilespmem:s3+$0xFFFFFFE0];
	s8 =	sshll.u32 s8, $0x8  }
0x303: {  	v9 =	vld [tilespmem:s3+$0xFFFFFFD0];
	(v2sf) =	vpush v5, $0x0;
	s8 =	sshra.s32 s8, $0x2  }
0x304: {  	p1 =	sne.s32 s0, $0x1;
	v10 =	vld [tilespmem:s8+$0x30]  }
.Ltmp40:
0x305: {  	v11 =	vpack.i.f32.bf16 v4, v4;
	v4 =	vld [tilespmem:s8+$0x20];
	(pc) =	sbr.rel @!p1 .LBB2_61-.Ltmp40, $3  }
0x306: {  	v12 =	vmul.bf16 v7, v11;
	v7 =	vld [tilespmem:s8+$0x0]  }
0x307: {  	v5 =	vmul.bf16 v6, v11;
	v6 =	vld [tilespmem:s8+$0x10];
	_ =	sdelay $0x1  }
0x308: {  	s0 =	sadd.s32 $0xFFFFFFFF, s0;
	v9 =	vmul.bf16 v9, v11;
	v8 =	vmul.bf16 v8, v11;
	v10 =	vmax.bf16 v10, v12  }
.LBB2_60:
0x309: {  	s4 =	sadd.s32 $0x1, s4;
	s2 =	sadd.s32 $0x1, s2;
	s3 =	sadd.s32 $0x40, s3  }
0x30a: {  	p1 =	sne.s32 s0, $0x1;
	s0 =	sadd.s32 $0xFFFFFFFF, s0;
	v7 =	vmax.bf16 v7, v9;
	[tilespmem:s8+$0x30] =	vst v10  }
0x30b: {  	v4 =	vmax.bf16 v4, v5;
	[tilespmem:s8+$0x0] =	vst v7;
	v6 =	vmax.bf16 v6, v8  }
0x30c: {  	[tilespmem:s8+$0x10] =	vst v6  }
0x30d: {  	[tilespmem:s8+$0x20] =	vst v4  }
0x30e: {  	v4 =	vld [tilespmem:s2+$0x0]  }
0x30f: {  	v5 =	vld [tilespmem:s3+$0xFFFFFFF0]  }
0x310: {  	v6 =	vld.msk [tilespmem:s4+$0x0 ss:$0x0], $0xffff  }
0x311: {  	v8 =	vld [tilespmem:s3+$0xFFFFFFE0];
	s8 =	spop (v2sf)  }
0x312: {  	s8 =	sshll.u32 s8, $0x8;
	v9 =	vld [tilespmem:s3+$0x0]  }
0x313: {  	s8 =	sshra.s32 s8, $0x2;
	v10 =	vld [tilespmem:s3+$0xFFFFFFD0];
	(v2sf) =	vpush v4, $0x0  }
0x314: {  	v11 =	vld [tilespmem:s8+$0x30]  }
.Ltmp41:
0x315: {  	v4 =	vld [tilespmem:s8+$0x20];
	(pc) =	sbr.rel @p1 .LBB2_60-.Ltmp41, $3  }
0x316: {  	v12 =	vpack.i.f32.bf16 v6, v6;
	v7 =	vld [tilespmem:s8+$0x0]  }
0x317: {  	v5 =	vmul.bf16 v5, v12;
	v6 =	vld [tilespmem:s8+$0x10];
	v13 =	vmul.bf16 v9, v12;
	_ =	sdelay $0x1  }
0x318: {  	v8 =	vmul.bf16 v8, v12;
	v9 =	vmul.bf16 v10, v12;
	v10 =	vmax.bf16 v11, v13  }
.LBB2_61:
0x319: {  	_ =	sdelay $0x4  }
0x31a: {  	[tilespmem:s8+$0x30] =	vst v10;
	v4 =	vmax.bf16 v4, v5  }
0x31b: {  	v7 =	vmax.bf16 v7, v9;
	[tilespmem:s8+$0x20] =	vst v4  }
0x31c: {  	[tilespmem:s8+$0x0] =	vst v7;
	v6 =	vmax.bf16 v6, v8  }
0x31d: {  	[tilespmem:s8+$0x10] =	vst v6;
	s0 =	spop (v2sf)  }
.LBB2_62:
.Ltmp42:
0x31e: {  	(pc) =	sbr.rel @!p0 .LBB2_63-.Ltmp42, $1  }
0x31f: {  	_ =	sdelay $0x3  }
0x320: {  	[bflag:$0x0] =	sbarrier.arrive $0xFFFF  }
0x321: {  	s0 =	simm.s32 $0x0;
	s2 =	simm.s32 $0x0;
	s3 =	simm.s32 $0x0  }
.LBB2_65:
0x322: {  	s4 =	sshll.u32 s3, $0xB  }
0x323: {  	s4 =	sadd.s32 s12, s4  }
0x324: {  	s4 =	sshrl.u32 s4, $0x4  }
0x325: {  	v4 =	vmov s2;
	s4 =	sadd.s32 s11, s4  }
0x326: {  	[tilespmem:s10], [sflag:$0x5] =	stream.linear.gather [hbm4b:s4+s0], $0x400, $0x38;
	[tilespmem:$0x18880] =	vst v63  }
0x327: {  	_ =	swait.ge [sflag:s29], $0x400  }
0x328: {  	[sflag:s29] =	ssyncset.done $0x0  }
0x329: {  	s8 =	simm.s32 $0x40;
	s4 =	simm.s32 $0x0;
	[sflag:s29] =	ssyncadd.s32 $0xFFFFFC00  }
.LBB2_66:
0x32a: {  	p1 =	sne.s32 s8, $0xFC0;
	v5 =	vld.idx.msk [tilespmem:v4+s4+$0x0 ss:$0x1], $0xffff  }
0x32b: {  	v6 =	vld [tilespmem:s4+$0x18480];
	_ =	sdelay $0x1  }
.Ltmp43:
0x32c: {  	(pc) =	sbr.rel @p1 .LBB2_66-.Ltmp43, $3  }
0x32d: {  	_ =	sdelay $0x1  }
0x32e: {  	v5 =	vmax.bf16 v5, v6  }
0x32f: {  	[tilespmem:v4+s4+$0x0 ss:$0x1] =	vst.idx.msk $0xffff, v5;
	s4 =	sshra.s32 s8, $0x2;
	s8 =	sadd.s32 $0x40, s8  }
0x330: {  	_ =	sdelay $0x3  }
0x331: {  	v5 =	vld.idx.msk [tilespmem:v4+s4+$0x0 ss:$0x1], $0xffff  }
0x332: {  	v6 =	vld [tilespmem:s4+$0x18480];
	s3 =	sadd.s32 $0x1, s3  }
0x333: {  	p1 =	sne.s32 s3, $0x28  }
.Ltmp44:
0x334: {  	_ = 	snop;
	(pc) =	sbr.rel @p1 .LBB2_65-.Ltmp44, $3  }
0x335: {  	_ =	sdelay $0x1  }
0x336: {  	v5 =	vmax.bf16 v5, v6  }
0x337: {  	s2 =	sadd.s32 $0x400, s2;
	[tilespmem:v4+s4+$0x0 ss:$0x1] =	vst.idx.msk $0xffff, v5  }
.Ltmp45:
0x338: {  	s0 =	simm.s32 $0x0;
	s2 =	rddreg [dreg:$0x7];
	(pc) =	sbr.rel .LBB2_69-.Ltmp45, $4  }
0x339: {  	[hbm4b:s2+s0] =	stream.linear.scatter [tilespmem:s0], [sflag:$0x5], $0xA000, $0x38;
	[tilespmem:$0x18880] =	vst v63  }
0x33a: {  	_ =	swait.ge [sflag:s29], $0xA000  }
0x33b: {  	[sflag:s29] =	ssyncset.done $0x0  }
0x33c: {  	s2 =	rddreg [dreg:$0x9];
	[sflag:s29] =	ssyncadd.s32 $0xFFFF6000  }
.LBB2_70:
0x33d: {  	_ =	sfence.sel $0x180000  }
0x33e: {  	[bflag:$0x0] =	sbarrier.arrive $0xFFFF  }
0x33f: {  	_ =	strace $0x90000047  }
0x340: {  	s0 =	stileid.u32;
	[bflag:$0x2] =	sbarrier.arrive $0xFFFF  }
0x341: {  	p0 =	sne.s32 s0, $0x0;
	s0 =	rddreg [dreg:$0x2]  }
0x342: {  	s0 =	sadd.s32 @!p0 $0x100000, s0  }
0x343: {  	[sflag:s0] =	ssyncadd.tile.s32 @!p0 $0x1;
	_ =	shalt  }
.Lfunc_end2:
_tile_overlayer_lowered:
.L_overlay_start_2:
0x344: {  	(tag) =	ssettag $0x2  }
0x345: {  	s0 =	rddreg [dreg:$0x0];
	s2 =	stileid.u32  }
0x346: {  	s1 =	rddreg [dreg:$0x1];
	p0 =	sne.s32 s2, $0x0  }
0x347: {  	s3 =	rddreg [dreg:$0x2];
	[bflag:$0x3] =	sbarrier.arrive $0xFFFF;
	s2 =	simm.s32 @!p0 $0x1C05  }
0x348: {  	[timem:s3], [sflag:s2] =	dma.local @!p0 [hbm:s0], s1  }
0x349: {  	s0 =	simm.s32 @!p0 $0x5  }
0x34a: {  	_ =	swait.ge @!p0 [sflag:s0], s1  }
0x34b: {  	s1 =	ssub.s32 @!p0 $0x0, s1;
	[sflag:s0] =	ssyncset.done @!p0 $0x0  }
0x34c: {  	[sflag:s0] =	ssyncadd.s32 @!p0 s1  }
0x34d: {  	[bflag:$0x3] =	sbarrier.arrive $0xFFFF  }
0x34e: {  	_ =	shalt  }

</sc_bundles>
